<compile_context>
chip_gen: v7x
topology: tpu7x:2x2x1
jax: 0.10.2.dev20260603
libtpu: 0.0.44.dev20260713+nightly
codegen_flags: <defaults>
</compile_context>

<pallas_src>
import functools

import jax
import jax.numpy as jnp
from jax import lax
from jax.experimental import pallas as pl
from jax.experimental.pallas import tpu as pltpu
from jax.experimental.pallas import tpu_sc as plsc

N = 10000
E = 320000
D = 128
OUT = 64

NC = 2
NS = 16
NW = NC * NS
CHUNK = 128
CH = 80
EPW = CH * CHUNK
EPAD = NW * EPW
TRASH = N
AGG_ROWS = 10240
DEG_ROWS = 10240
RB = 1000



_sc_mesh = plsc.VectorSubcoreMesh(core_axis_name="c", subcore_axis_name="s")


@functools.partial(
    pl.kernel,
    out_type=jax.ShapeDtypeStruct((NC, DEG_ROWS), jnp.float32),
    mesh=_sc_mesh,
    scratch_types=[
        pltpu.VMEM((CH, CHUNK), jnp.int32),
        pltpu.VMEM((CHUNK,), jnp.float32),
        pltpu.VMEM((DEG_ROWS // NS,), jnp.float32),
        pltpu.VMEM_SHARED((DEG_ROWS,), jnp.float32),
    ],
)
def _deg_kernel(dst_hbm, out_hbm, dst_v, ones_v, zbuf_v, hist_sp):
    c = lax.axis_index("c")
    s = lax.axis_index("s")
    wid = s * NC + c
    per = DEG_ROWS // NS

    zvec = jnp.zeros((16,), jnp.float32)
    for j in range(per // 16):
        zbuf_v[pl.ds(j * 16, 16)] = zvec
    ovec = jnp.ones((16,), jnp.float32)
    for j in range(CHUNK // 16):
        ones_v[pl.ds(j * 16, 16)] = ovec

    pltpu.sync_copy(zbuf_v, hist_sp.at[pl.ds(s * per, per)])
    pltpu.sync_copy(dst_hbm.at[wid], dst_v)
    plsc.subcore_barrier()

    @pl.loop(0, CH)
    def _(ch):
        pltpu.sync_copy(ones_v, hist_sp.at[dst_v.at[ch]], add=True)

    plsc.subcore_barrier()
    pltpu.sync_copy(hist_sp.at[pl.ds(s * per, per)],
                    out_hbm.at[c, pl.ds(s * per, per)])


@functools.partial(
    pl.kernel,
    out_type=jax.ShapeDtypeStruct((NC, AGG_ROWS, D), jnp.float32),
    mesh=_sc_mesh,
    scratch_types=[
        pltpu.VMEM((CH // 2, CHUNK), jnp.int32),
        pltpu.VMEM((CH // 2, CHUNK), jnp.int32),
        pltpu.VMEM((2, CHUNK, D), jnp.float32),
        pltpu.VMEM_SHARED((AGG_ROWS, D), jnp.float32),
        pltpu.SemaphoreType.DMA((2,)),
    ],
)
def _agg_kernel(g_hbm, src_hbm, dst_hbm, zero_hbm, out_hbm,
                src_v, dst_v, rows_v, agg_sp, sem):
    c = lax.axis_index("c")
    s = lax.axis_index("s")
    wid = s * NC + c
    per = AGG_ROWS // NS
    half = CH // 2

    pltpu.sync_copy(zero_hbm.at[pl.ds(s * per, per)],
                    agg_sp.at[pl.ds(s * per, per)])
    plsc.subcore_barrier()

    for phase in range(2):
        pltpu.sync_copy(src_hbm.at[wid, pl.ds(phase * half, half)], src_v)
        pltpu.sync_copy(dst_hbm.at[wid, pl.ds(phase * half, half)], dst_v)

        pltpu.async_copy(g_hbm.at[src_v.at[0]], rows_v.at[0], sem.at[0])
        pltpu.async_copy(g_hbm.at[src_v.at[1]], rows_v.at[1], sem.at[1])

        @pl.loop(0, half // 2)
        def _(g):
            for b in range(2):
                ch = g * 2 + b
                pltpu.make_async_copy(g_hbm.at[src_v.at[ch]], rows_v.at[b],
                                      sem.at[b]).wait()
                pltpu.sync_copy(rows_v.at[b], agg_sp.at[dst_v.at[ch]],
                                add=True)

                @pl.when(ch + 2 < half)
                def _():
                    pltpu.async_copy(g_hbm.at[src_v.at[ch + 2]],
                                     rows_v.at[b], sem.at[b])

    plsc.subcore_barrier()
    pltpu.sync_copy(agg_sp.at[pl.ds(s * per, per)],
                    out_hbm.at[c, pl.ds(s * per, per)])



def _g1_body(x_ref, w1_ref, h0_ref, h1_ref, g1_ref, dinv_ref):
    deg = h0_ref[...] + h1_ref[...] + 1.0
    dinv = lax.rsqrt(deg)
    h = jnp.dot(x_ref[...], w1_ref[...], preferred_element_type=jnp.float32)
    g1_ref[...] = h * dinv
    dinv_ref[...] = dinv


def _g2_body(p0_ref, p1_ref, g1_ref, dinv_ref, b1_ref, w2_ref, g2_ref):
    dinv = dinv_ref[...]
    u = jax.nn.relu((p0_ref[...] + p1_ref[...] + g1_ref[...]) * dinv
                    + b1_ref[...])
    g2_ref[...] = jnp.dot(u, w2_ref[...],
                          preferred_element_type=jnp.float32) * dinv


def _fin_body(q0_ref, q1_ref, g2_ref, dinv_ref, b2_ref, wl_ref, bl_ref,
              out_ref, emb_ref):
    emb = jax.nn.relu((q0_ref[...] + q1_ref[...] + g2_ref[...])
                      * dinv_ref[...] + b2_ref[...])
    emb_ref[...] = emb
    out_ref[...] = jnp.dot(emb, wl_ref[...],
                           preferred_element_type=jnp.float32) + bl_ref[...]


def _row_spec(cols):
    return pl.BlockSpec((RB, cols), lambda i: (i, 0))


def _full_spec(shape):
    return pl.BlockSpec(shape, lambda i: tuple(0 for _ in shape))



def kernel(x, edge_index, W1, b1, W2, b2, W_lin, b_lin):
    src = edge_index[0].astype(jnp.int32)
    dst = edge_index[1].astype(jnp.int32)
    pad = EPAD - E
    src_p = jnp.concatenate([src, jnp.zeros((pad,), jnp.int32)])
    dst_p = jnp.concatenate([dst, jnp.full((pad,), TRASH, jnp.int32)])
    src_p = src_p.reshape(NW, CH, CHUNK)
    dst_p = dst_p.reshape(NW, CH, CHUNK)
    zeros_agg = jnp.zeros((AGG_ROWS, D), jnp.float32)

    hist = _deg_kernel(dst_p)
    h0 = hist[0, :N].reshape(N, 1)
    h1 = hist[1, :N].reshape(N, 1)

    grid = (N // RB,)
    g1, dinv = pl.pallas_call(
        _g1_body,
        grid=grid,
        in_specs=[_row_spec(D), _full_spec((D, D)), _row_spec(1), _row_spec(1)],
        out_specs=[_row_spec(D), _row_spec(1)],
        out_shape=[jax.ShapeDtypeStruct((N, D), jnp.float32),
                   jax.ShapeDtypeStruct((N, 1), jnp.float32)],
    )(x, W1, h0, h1)

    agg1 = _agg_kernel(g1, src_p, dst_p, zeros_agg)[:, :N]

    g2 = pl.pallas_call(
        _g2_body,
        grid=grid,
        in_specs=[_row_spec(D), _row_spec(D), _row_spec(D), _row_spec(1),
                  _full_spec((D,)), _full_spec((D, D))],
        out_specs=_row_spec(D),
        out_shape=jax.ShapeDtypeStruct((N, D), jnp.float32),
    )(agg1[0], agg1[1], g1, dinv, b1, W2)

    agg2 = _agg_kernel(g2, src_p, dst_p, zeros_agg)[:, :N]

    out, emb = pl.pallas_call(
        _fin_body,
        grid=grid,
        in_specs=[_row_spec(D), _row_spec(D), _row_spec(D), _row_spec(1),
                  _full_spec((D,)), _full_spec((D, OUT)), _full_spec((OUT,))],
        out_specs=[_row_spec(OUT), _row_spec(D)],
        out_shape=[jax.ShapeDtypeStruct((N, OUT), jnp.float32),
                   jax.ShapeDtypeStruct((N, D), jnp.float32)],
    )(agg2[0], agg2[1], g2, dinv, b2, W_lin, b_lin)

    return (out, emb)

# --- scband reference (transcript-rebuilt; emitter-appended) ---
"""Pipeline reference for scband-gcnnet-54030688584325 (READ-ONLY COPY).

The authoritative reference and input builder live on the scoring server;
editing this copy changes nothing except your own understanding.
"""

import jax, jax.numpy as jnp
import numpy as np

N_NODES = 10000
N_EDGES = 320000
IN_DIM = 128
HID_DIM = 128
OUT_DIM = 64


def gcn_conv(x, src, dst, W, b, n_nodes):
    # PyG-style GCNConv: add self-loops, symmetric normalization, sum aggregation
    loop = jnp.arange(n_nodes, dtype=src.dtype)
    src_sl = jnp.concatenate([src, loop])
    dst_sl = jnp.concatenate([dst, loop])
    deg = jnp.zeros((n_nodes,), dtype=x.dtype).at[dst_sl].add(1.0)
    deg_inv_sqrt = jnp.where(deg > 0, 1.0 / jnp.sqrt(deg), 0.0)
    norm = deg_inv_sqrt[src_sl] * deg_inv_sqrt[dst_sl]
    h = x @ W  # linear transform first (in_dim -> out_dim)
    msg = h[src_sl] * norm[:, None]  # gather + scale
    out = jax.ops.segment_sum(msg, dst_sl, num_segments=n_nodes)  # scatter-add
    return out + b


def setup_inputs(seed: int = 0) -> dict:
    key = jax.random.key(seed)
    ks = jax.random.split(key, 8)
    x = jax.random.normal(ks[0], (N_NODES, IN_DIM), dtype=jnp.float32)
    edge_index = jax.random.randint(ks[1], (2, N_EDGES), 0, N_NODES, dtype=jnp.int64)
    s1 = 1.0 / np.sqrt(IN_DIM)
    s2 = 1.0 / np.sqrt(HID_DIM)
    W1 = jax.random.uniform(ks[2], (IN_DIM, HID_DIM), jnp.float32, -s1, s1)
    b1 = jnp.zeros((HID_DIM,), jnp.float32)
    W2 = jax.random.uniform(ks[3], (HID_DIM, HID_DIM), jnp.float32, -s2, s2)
    b2 = jnp.zeros((HID_DIM,), jnp.float32)
    W_lin = jax.random.uniform(ks[4], (HID_DIM, OUT_DIM), jnp.float32, -s2, s2)
    b_lin = jax.random.uniform(ks[5], (OUT_DIM,), jnp.float32, -s2, s2)
    return {"x": x, "edge_index": edge_index, "W1": W1, "b1": b1, "W2": W2, "b2": b2, "W_lin": W_lin, "b_lin": b_lin}


def reference(x, edge_index, W1, b1, W2, b2, W_lin, b_lin):
    # eval mode: dropout is identity
    src, dst = edge_index[0], edge_index[1]
    h = gcn_conv(x, src, dst, W1, b1, N_NODES)
    h = jax.nn.relu(h)
    h = gcn_conv(h, src, dst, W2, b2, N_NODES)
    embeddings = jax.nn.relu(h)
    out = embeddings @ W_lin + b_lin
    return (out, embeddings)

if __name__ == "__main__":
    import jax
    _d = setup_inputs()
    print(jax.jit(kernel)(*tuple(_d.values())))

</pallas_src>

<mosaic_0001>
#map = affine_map<(d0, d1) -> (0, 0)>
#map1 = affine_map<(d0, d1) -> (0, 0, 0)>
module attributes {stable_mosaic.version = 14 : i64} {
  func.func @_agg_kernel(%arg0: i32, %arg1: i32, %arg2: memref<10000x128xf32, #tpu.memory_space<hbm>>, %arg3: memref<32x80x128xi32, #tpu.memory_space<hbm>>, %arg4: memref<32x80x128xi32, #tpu.memory_space<hbm>>, %arg5: memref<10240x128xf32, #tpu.memory_space<hbm>>, %arg6: memref<2x10240x128xf32, #tpu.memory_space<hbm>>, %arg7: memref<40x128xi32, #tpu.memory_space<vmem>>, %arg8: memref<40x128xi32, #tpu.memory_space<vmem>>, %arg9: memref<2x128x128xf32, #tpu.memory_space<vmem>>, %arg10: memref<10240x128xf32, #tpu.memory_space<vmem_shared>>, %arg11: memref<2x!tpu.dma_semaphore, #tpu.memory_space<semaphore_mem>>) attributes {dimension_semantics = [#tpu.dimension_semantics<core_parallel>, #tpu.dimension_semantics<subcore_parallel>], iteration_bounds = array<i64: 2, 16>, scalar_prefetch = 0 : i64, scratch_operands = 5 : i64, tpu.core_type = #tpu.core_type<sc_vector_subcore>, window_params = [{transform_indices = #map}, {transform_indices = #map1}, {transform_indices = #map1}, {transform_indices = #map}, {transform_indices = #map1}]} {
    %mul3A = arith.constant 2 : i32
    %mul3A_0 = arith.muli %arg1, %mul3A : i32
    %add3A = arith.addi %mul3A_0, %arg0 : i32
    %mul3A_1 = arith.constant 640 : i32
    %mul3A_2 = arith.muli %arg1, %mul3A_1 : i32
    %mul3A_3 = arith.constant 640 : i32
    %mul3A_4 = arith.muli %arg1, %mul3A_3 : i32
    "tpu.region"() ({
      %run_scoped3A = tpu.sem_alloc : memref<!tpu.dma_semaphore, #tpu.memory_space<semaphore_mem>>
      %dma_start3A_78 = arith.constant 0 : i32
      %dma_start3A_79 = tpu.memref_slice %arg10[%mul3A_4, %dma_start3A_78] : memref<10240x128xf32, #tpu.memory_space<vmem_shared>> -> memref<640x128xf32, #tpu.memory_space<vmem_shared>>
      %dma_start3A_80 = arith.constant 0 : i32
      %dma_start3A_81 = tpu.memref_slice %arg5[%mul3A_2, %dma_start3A_80] : memref<10240x128xf32, #tpu.memory_space<hbm>> -> memref<640x128xf32, #tpu.memory_space<hbm>>
      tpu.enqueue_dma source(%dma_start3A_81 : memref<640x128xf32, #tpu.memory_space<hbm>>) target(%dma_start3A_79 : memref<640x128xf32, #tpu.memory_space<vmem_shared>>) target_semaphore(%run_scoped3A : memref<!tpu.dma_semaphore, #tpu.memory_space<semaphore_mem>>)
      %dma_wait3A = arith.constant 0 : i32
      %dma_wait3A_82 = tpu.memref_slice %arg10[%mul3A_4, %dma_wait3A] : memref<10240x128xf32, #tpu.memory_space<vmem_shared>> -> memref<640x128xf32, #tpu.memory_space<vmem_shared>>
      %dma_wait3A_83 = arith.constant 0 : i32
      %dma_wait3A_84 = tpu.memref_slice %arg5[%mul3A_2, %dma_wait3A_83] : memref<10240x128xf32, #tpu.memory_space<hbm>> -> memref<640x128xf32, #tpu.memory_space<hbm>>
      tpu.wait_dma2 semaphore(%run_scoped3A : memref<!tpu.dma_semaphore, #tpu.memory_space<semaphore_mem>>) src(%dma_wait3A_84 : memref<640x128xf32, #tpu.memory_space<hbm>>) dst(%dma_wait3A_82 : memref<640x128xf32, #tpu.memory_space<vmem_shared>>)
      tpu.yield
    }) : () -> ()
    %barrier3A = arith.constant 0 : index
    tpu.barrier barrier_id(%barrier3A)
    "tpu.region"() ({
      %run_scoped3A = tpu.sem_alloc : memref<!tpu.dma_semaphore, #tpu.memory_space<semaphore_mem>>
      %dma_start3A_78 = arith.constant 0 : i32
      %dma_start3A_79 = arith.constant 0 : i32
      %dma_start3A_80 = tpu.memref_slice %arg3[%add3A, %dma_start3A_78, %dma_start3A_79] : memref<32x80x128xi32, #tpu.memory_space<hbm>> -> memref<1x40x128xi32, #tpu.memory_space<hbm>>
      %dma_start3A_81 = tpu.memref_squeeze %dma_start3A_80 : memref<1x40x128xi32, #tpu.memory_space<hbm>> -> memref<40x128xi32, #tpu.memory_space<hbm>>
      %dma_start3A_82 = arith.constant 0 : i32
      %dma_start3A_83 = arith.constant 0 : i32
      %dma_start3A_84 = tpu.memref_slice %arg3[%add3A, %dma_start3A_82, %dma_start3A_83] : memref<32x80x128xi32, #tpu.memory_space<hbm>> -> memref<1x40x128xi32, #tpu.memory_space<hbm>>
      %dma_start3A_85 = tpu.memref_squeeze %dma_start3A_84 : memref<1x40x128xi32, #tpu.memory_space<hbm>> -> memref<40x128xi32, #tpu.memory_space<hbm>>
      tpu.enqueue_dma source(%dma_start3A_85 : memref<40x128xi32, #tpu.memory_space<hbm>>) target(%arg7 : memref<40x128xi32, #tpu.memory_space<vmem>>) target_semaphore(%run_scoped3A : memref<!tpu.dma_semaphore, #tpu.memory_space<semaphore_mem>>)
      %dma_wait3A = arith.constant 0 : i32
      %dma_wait3A_86 = arith.constant 0 : i32
      %dma_wait3A_87 = tpu.memref_slice %arg3[%add3A, %dma_wait3A, %dma_wait3A_86] : memref<32x80x128xi32, #tpu.memory_space<hbm>> -> memref<1x40x128xi32, #tpu.memory_space<hbm>>
      %dma_wait3A_88 = tpu.memref_squeeze %dma_wait3A_87 : memref<1x40x128xi32, #tpu.memory_space<hbm>> -> memref<40x128xi32, #tpu.memory_space<hbm>>
      %dma_wait3A_89 = arith.constant 0 : i32
      %dma_wait3A_90 = arith.constant 0 : i32
      %dma_wait3A_91 = tpu.memref_slice %arg3[%add3A, %dma_wait3A_89, %dma_wait3A_90] : memref<32x80x128xi32, #tpu.memory_space<hbm>> -> memref<1x40x128xi32, #tpu.memory_space<hbm>>
      %dma_wait3A_92 = tpu.memref_squeeze %dma_wait3A_91 : memref<1x40x128xi32, #tpu.memory_space<hbm>> -> memref<40x128xi32, #tpu.memory_space<hbm>>
      tpu.wait_dma2 semaphore(%run_scoped3A : memref<!tpu.dma_semaphore, #tpu.memory_space<semaphore_mem>>) src(%dma_wait3A_92 : memref<40x128xi32, #tpu.memory_space<hbm>>) dst(%arg7 : memref<40x128xi32, #tpu.memory_space<vmem>>)
      tpu.yield
    }) : () -> ()
    "tpu.region"() ({
      %run_scoped3A = tpu.sem_alloc : memref<!tpu.dma_semaphore, #tpu.memory_space<semaphore_mem>>
      %dma_start3A_78 = arith.constant 0 : i32
      %dma_start3A_79 = arith.constant 0 : i32
      %dma_start3A_80 = tpu.memref_slice %arg4[%add3A, %dma_start3A_78, %dma_start3A_79] : memref<32x80x128xi32, #tpu.memory_space<hbm>> -> memref<1x40x128xi32, #tpu.memory_space<hbm>>
      %dma_start3A_81 = tpu.memref_squeeze %dma_start3A_80 : memref<1x40x128xi32, #tpu.memory_space<hbm>> -> memref<40x128xi32, #tpu.memory_space<hbm>>
      %dma_start3A_82 = arith.constant 0 : i32
      %dma_start3A_83 = arith.constant 0 : i32
      %dma_start3A_84 = tpu.memref_slice %arg4[%add3A, %dma_start3A_82, %dma_start3A_83] : memref<32x80x128xi32, #tpu.memory_space<hbm>> -> memref<1x40x128xi32, #tpu.memory_space<hbm>>
      %dma_start3A_85 = tpu.memref_squeeze %dma_start3A_84 : memref<1x40x128xi32, #tpu.memory_space<hbm>> -> memref<40x128xi32, #tpu.memory_space<hbm>>
      tpu.enqueue_dma source(%dma_start3A_85 : memref<40x128xi32, #tpu.memory_space<hbm>>) target(%arg8 : memref<40x128xi32, #tpu.memory_space<vmem>>) target_semaphore(%run_scoped3A : memref<!tpu.dma_semaphore, #tpu.memory_space<semaphore_mem>>)
      %dma_wait3A = arith.constant 0 : i32
      %dma_wait3A_86 = arith.constant 0 : i32
      %dma_wait3A_87 = tpu.memref_slice %arg4[%add3A, %dma_wait3A, %dma_wait3A_86] : memref<32x80x128xi32, #tpu.memory_space<hbm>> -> memref<1x40x128xi32, #tpu.memory_space<hbm>>
      %dma_wait3A_88 = tpu.memref_squeeze %dma_wait3A_87 : memref<1x40x128xi32, #tpu.memory_space<hbm>> -> memref<40x128xi32, #tpu.memory_space<hbm>>
      %dma_wait3A_89 = arith.constant 0 : i32
      %dma_wait3A_90 = arith.constant 0 : i32
      %dma_wait3A_91 = tpu.memref_slice %arg4[%add3A, %dma_wait3A_89, %dma_wait3A_90] : memref<32x80x128xi32, #tpu.memory_space<hbm>> -> memref<1x40x128xi32, #tpu.memory_space<hbm>>
      %dma_wait3A_92 = tpu.memref_squeeze %dma_wait3A_91 : memref<1x40x128xi32, #tpu.memory_space<hbm>> -> memref<40x128xi32, #tpu.memory_space<hbm>>
      tpu.wait_dma2 semaphore(%run_scoped3A : memref<!tpu.dma_semaphore, #tpu.memory_space<semaphore_mem>>) src(%dma_wait3A_92 : memref<40x128xi32, #tpu.memory_space<hbm>>) dst(%arg8 : memref<40x128xi32, #tpu.memory_space<vmem>>)
      tpu.yield
    }) : () -> ()
    %dma_start3A = arith.constant 0 : i32
    %dma_start3A_5 = arith.constant 0 : i32
    %dma_start3A_6 = arith.constant 0 : i32
    %dma_start3A_7 = arith.constant 0 : i32
    %dma_start3A_8 = arith.constant 0 : i32
    %dma_start3A_9 = tpu.memref_slice %arg9[%dma_start3A_5, %dma_start3A_7, %dma_start3A_8] : memref<2x128x128xf32, #tpu.memory_space<vmem>> -> memref<1x128x128xf32, #tpu.memory_space<vmem>>
    %dma_start3A_10 = tpu.memref_squeeze %dma_start3A_9 : memref<1x128x128xf32, #tpu.memory_space<vmem>> -> memref<128x128xf32, #tpu.memory_space<vmem>>
    %dma_start3A_11 = arith.constant 0 : i32
    %dma_start3A_12 = tpu.memref_slice %arg7[%dma_start3A, %dma_start3A_11] : memref<40x128xi32, #tpu.memory_space<vmem>> -> memref<1x128xi32, #tpu.memory_space<vmem>>
    %dma_start3A_13 = tpu.memref_squeeze %dma_start3A_12 : memref<1x128xi32, #tpu.memory_space<vmem>> -> memref<128xi32, #tpu.memory_space<vmem>>
    %dma_start3A_14 = arith.constant 0 : i32
    %dma_start3A_15 = arith.constant 0 : i32
    %dma_start3A_16 = tpu.memref_slice %arg2[%dma_start3A_14, %dma_start3A_15] : memref<10000x128xf32, #tpu.memory_space<hbm>> -> memref<10000x128xf32, #tpu.memory_space<hbm>>
    %dma_start3A_17 = tpu.memref_slice %arg11[%dma_start3A_6] : memref<2x!tpu.dma_semaphore, #tpu.memory_space<semaphore_mem>> -> memref<1x!tpu.dma_semaphore, #tpu.memory_space<semaphore_mem>>
    %dma_start3A_18 = tpu.memref_squeeze %dma_start3A_17 : memref<1x!tpu.dma_semaphore, #tpu.memory_space<semaphore_mem>> -> memref<!tpu.dma_semaphore, #tpu.memory_space<semaphore_mem>>
    tpu.enqueue_indirect_dma source(%dma_start3A_16 : memref<10000x128xf32, #tpu.memory_space<hbm>>) target(%dma_start3A_10 : memref<128x128xf32, #tpu.memory_space<vmem>>) offsets(%dma_start3A_13 : memref<128xi32, #tpu.memory_space<vmem>>) semaphore(%dma_start3A_18 : memref<!tpu.dma_semaphore, #tpu.memory_space<semaphore_mem>>)
    %dma_start3A_19 = arith.constant 1 : i32
    %dma_start3A_20 = arith.constant 1 : i32
    %dma_start3A_21 = arith.constant 1 : i32
    %dma_start3A_22 = arith.constant 0 : i32
    %dma_start3A_23 = arith.constant 0 : i32
    %dma_start3A_24 = tpu.memref_slice %arg9[%dma_start3A_20, %dma_start3A_22, %dma_start3A_23] : memref<2x128x128xf32, #tpu.memory_space<vmem>> -> memref<1x128x128xf32, #tpu.memory_space<vmem>>
    %dma_start3A_25 = tpu.memref_squeeze %dma_start3A_24 : memref<1x128x128xf32, #tpu.memory_space<vmem>> -> memref<128x128xf32, #tpu.memory_space<vmem>>
    %dma_start3A_26 = arith.constant 0 : i32
    %dma_start3A_27 = tpu.memref_slice %arg7[%dma_start3A_19, %dma_start3A_26] : memref<40x128xi32, #tpu.memory_space<vmem>> -> memref<1x128xi32, #tpu.memory_space<vmem>>
    %dma_start3A_28 = tpu.memref_squeeze %dma_start3A_27 : memref<1x128xi32, #tpu.memory_space<vmem>> -> memref<128xi32, #tpu.memory_space<vmem>>
    %dma_start3A_29 = arith.constant 0 : i32
    %dma_start3A_30 = arith.constant 0 : i32
    %dma_start3A_31 = tpu.memref_slice %arg2[%dma_start3A_29, %dma_start3A_30] : memref<10000x128xf32, #tpu.memory_space<hbm>> -> memref<10000x128xf32, #tpu.memory_space<hbm>>
    %dma_start3A_32 = tpu.memref_slice %arg11[%dma_start3A_21] : memref<2x!tpu.dma_semaphore, #tpu.memory_space<semaphore_mem>> -> memref<1x!tpu.dma_semaphore, #tpu.memory_space<semaphore_mem>>
    %dma_start3A_33 = tpu.memref_squeeze %dma_start3A_32 : memref<1x!tpu.dma_semaphore, #tpu.memory_space<semaphore_mem>> -> memref<!tpu.dma_semaphore, #tpu.memory_space<semaphore_mem>>
    tpu.enqueue_indirect_dma source(%dma_start3A_31 : memref<10000x128xf32, #tpu.memory_space<hbm>>) target(%dma_start3A_25 : memref<128x128xf32, #tpu.memory_space<vmem>>) offsets(%dma_start3A_28 : memref<128xi32, #tpu.memory_space<vmem>>) semaphore(%dma_start3A_33 : memref<!tpu.dma_semaphore, #tpu.memory_space<semaphore_mem>>)
    %scan3A = arith.constant 0 : i32
    %scan3A_34 = arith.constant 20 : i32
    %scan3A_35 = arith.addi %scan3A, %scan3A_34 : i32
    %scan3A_36 = arith.constant 1 : i32
    scf.for %scan3A_78 = %scan3A to %scan3A_35 step %scan3A_36  : i32 {
      %mul3A_79 = arith.constant 1 : i32
      %mul3A_80 = arith.muli %scan3A_78, %mul3A_79 : i32
      %add3A_81 = arith.constant 0 : i32
      %add3A_82 = arith.addi %add3A_81, %mul3A_80 : i32
      %mul3A_83 = arith.constant 2 : i32
      %mul3A_84 = arith.muli %add3A_82, %mul3A_83 : i32
      %add3A_85 = arith.constant 0 : i32
      %add3A_86 = arith.addi %mul3A_84, %add3A_85 : i32
      %dma_wait3A = arith.constant 0 : i32
      %dma_wait3A_87 = arith.constant 0 : i32
      %dma_wait3A_88 = arith.constant 0 : i32
      %dma_wait3A_89 = arith.constant 0 : i32
      %dma_wait3A_90 = tpu.memref_slice %arg9[%dma_wait3A, %dma_wait3A_88, %dma_wait3A_89] : memref<2x128x128xf32, #tpu.memory_space<vmem>> -> memref<1x128x128xf32, #tpu.memory_space<vmem>>
      %dma_wait3A_91 = tpu.memref_squeeze %dma_wait3A_90 : memref<1x128x128xf32, #tpu.memory_space<vmem>> -> memref<128x128xf32, #tpu.memory_space<vmem>>
      %dma_wait3A_92 = arith.constant 0 : i32
      %dma_wait3A_93 = tpu.memref_slice %arg7[%add3A_86, %dma_wait3A_92] : memref<40x128xi32, #tpu.memory_space<vmem>> -> memref<1x128xi32, #tpu.memory_space<vmem>>
      %dma_wait3A_94 = tpu.memref_squeeze %dma_wait3A_93 : memref<1x128xi32, #tpu.memory_space<vmem>> -> memref<128xi32, #tpu.memory_space<vmem>>
      %dma_wait3A_95 = arith.constant 0 : i32
      %dma_wait3A_96 = arith.constant 0 : i32
      %dma_wait3A_97 = tpu.memref_slice %arg2[%dma_wait3A_95, %dma_wait3A_96] : memref<10000x128xf32, #tpu.memory_space<hbm>> -> memref<10000x128xf32, #tpu.memory_space<hbm>>
      %dma_wait3A_98 = tpu.memref_slice %arg11[%dma_wait3A_87] : memref<2x!tpu.dma_semaphore, #tpu.memory_space<semaphore_mem>> -> memref<1x!tpu.dma_semaphore, #tpu.memory_space<semaphore_mem>>
      %dma_wait3A_99 = tpu.memref_squeeze %dma_wait3A_98 : memref<1x!tpu.dma_semaphore, #tpu.memory_space<semaphore_mem>> -> memref<!tpu.dma_semaphore, #tpu.memory_space<semaphore_mem>>
      tpu.wait_indirect_dma semaphore(%dma_wait3A_99 : memref<!tpu.dma_semaphore, #tpu.memory_space<semaphore_mem>>) src(%dma_wait3A_97 : memref<10000x128xf32, #tpu.memory_space<hbm>>) dst(%dma_wait3A_91 : memref<128x128xf32, #tpu.memory_space<vmem>>)
      %run_scoped3A = arith.constant 0 : i32
      "tpu.region"() ({
        %run_scoped3A_130 = tpu.sem_alloc : memref<!tpu.dma_semaphore, #tpu.memory_space<semaphore_mem>>
        %dma_start3A_131 = arith.constant 0 : i32
        %dma_start3A_132 = arith.constant 0 : i32
        %dma_start3A_133 = tpu.memref_slice %arg9[%run_scoped3A, %dma_start3A_131, %dma_start3A_132] : memref<2x128x128xf32, #tpu.memory_space<vmem>> -> memref<1x128x128xf32, #tpu.memory_space<vmem>>
        %dma_start3A_134 = tpu.memref_squeeze %dma_start3A_133 : memref<1x128x128xf32, #tpu.memory_space<vmem>> -> memref<128x128xf32, #tpu.memory_space<vmem>>
        %dma_start3A_135 = arith.constant 0 : i32
        %dma_start3A_136 = tpu.memref_slice %arg8[%add3A_86, %dma_start3A_135] : memref<40x128xi32, #tpu.memory_space<vmem>> -> memref<1x128xi32, #tpu.memory_space<vmem>>
        %dma_start3A_137 = tpu.memref_squeeze %dma_start3A_136 : memref<1x128xi32, #tpu.memory_space<vmem>> -> memref<128xi32, #tpu.memory_space<vmem>>
        %dma_start3A_138 = arith.constant 0 : i32
        %dma_start3A_139 = arith.constant 0 : i32
        %dma_start3A_140 = tpu.memref_slice %arg10[%dma_start3A_138, %dma_start3A_139] : memref<10240x128xf32, #tpu.memory_space<vmem_shared>> -> memref<10240x128xf32, #tpu.memory_space<vmem_shared>>
        tpu.enqueue_indirect_dma source(%dma_start3A_134 : memref<128x128xf32, #tpu.memory_space<vmem>>) target(%dma_start3A_140 : memref<10240x128xf32, #tpu.memory_space<vmem_shared>>) offsets(%dma_start3A_137 : memref<128xi32, #tpu.memory_space<vmem>>) semaphore(%run_scoped3A_130 : memref<!tpu.dma_semaphore, #tpu.memory_space<semaphore_mem>>) {add = true}
        %dma_wait3A_141 = arith.constant 0 : i32
        %dma_wait3A_142 = arith.constant 0 : i32
        %dma_wait3A_143 = tpu.memref_slice %arg9[%run_scoped3A, %dma_wait3A_141, %dma_wait3A_142] : memref<2x128x128xf32, #tpu.memory_space<vmem>> -> memref<1x128x128xf32, #tpu.memory_space<vmem>>
        %dma_wait3A_144 = tpu.memref_squeeze %dma_wait3A_143 : memref<1x128x128xf32, #tpu.memory_space<vmem>> -> memref<128x128xf32, #tpu.memory_space<vmem>>
        %dma_wait3A_145 = arith.constant 0 : i32
        %dma_wait3A_146 = tpu.memref_slice %arg8[%add3A_86, %dma_wait3A_145] : memref<40x128xi32, #tpu.memory_space<vmem>> -> memref<1x128xi32, #tpu.memory_space<vmem>>
        %dma_wait3A_147 = tpu.memref_squeeze %dma_wait3A_146 : memref<1x128xi32, #tpu.memory_space<vmem>> -> memref<128xi32, #tpu.memory_space<vmem>>
        %dma_wait3A_148 = arith.constant 0 : i32
        %dma_wait3A_149 = arith.constant 0 : i32
        %dma_wait3A_150 = tpu.memref_slice %arg10[%dma_wait3A_148, %dma_wait3A_149] : memref<10240x128xf32, #tpu.memory_space<vmem_shared>> -> memref<10240x128xf32, #tpu.memory_space<vmem_shared>>
        tpu.wait_indirect_dma semaphore(%run_scoped3A_130 : memref<!tpu.dma_semaphore, #tpu.memory_space<semaphore_mem>>) src(%dma_wait3A_144 : memref<128x128xf32, #tpu.memory_space<vmem>>) dst(%dma_wait3A_150 : memref<10240x128xf32, #tpu.memory_space<vmem_shared>>)
        tpu.yield
      }) : () -> ()
      %add3A_100 = arith.constant 2 : i32
      %add3A_101 = arith.addi %add3A_86, %add3A_100 : i32
      %lt3A = arith.constant 40 : i32
      %lt3A_102 = arith.cmpi slt, %add3A_101, %lt3A : i32
      %convert_element_type3A = arith.extui %lt3A_102 : i1 to i32
      %cond3A = arith.constant 0 : i32
      %cond3A_103 = arith.cmpi ne, %convert_element_type3A, %cond3A : i32
      scf.if %cond3A_103 {
        %add3A_130 = arith.constant 2 : i32
        %add3A_131 = arith.addi %add3A_86, %add3A_130 : i32
        %dma_start3A_132 = arith.constant 0 : i32
        %dma_start3A_133 = arith.constant 0 : i32
        %dma_start3A_134 = arith.constant 0 : i32
        %dma_start3A_135 = arith.constant 0 : i32
        %dma_start3A_136 = tpu.memref_slice %arg9[%dma_start3A_132, %dma_start3A_134, %dma_start3A_135] : memref<2x128x128xf32, #tpu.memory_space<vmem>> -> memref<1x128x128xf32, #tpu.memory_space<vmem>>
        %dma_start3A_137 = tpu.memref_squeeze %dma_start3A_136 : memref<1x128x128xf32, #tpu.memory_space<vmem>> -> memref<128x128xf32, #tpu.memory_space<vmem>>
        %dma_start3A_138 = arith.constant 0 : i32
        %dma_start3A_139 = tpu.memref_slice %arg7[%add3A_131, %dma_start3A_138] : memref<40x128xi32, #tpu.memory_space<vmem>> -> memref<1x128xi32, #tpu.memory_space<vmem>>
        %dma_start3A_140 = tpu.memref_squeeze %dma_start3A_139 : memref<1x128xi32, #tpu.memory_space<vmem>> -> memref<128xi32, #tpu.memory_space<vmem>>
        %dma_start3A_141 = arith.constant 0 : i32
        %dma_start3A_142 = arith.constant 0 : i32
        %dma_start3A_143 = tpu.memref_slice %arg2[%dma_start3A_141, %dma_start3A_142] : memref<10000x128xf32, #tpu.memory_space<hbm>> -> memref<10000x128xf32, #tpu.memory_space<hbm>>
        %dma_start3A_144 = tpu.memref_slice %arg11[%dma_start3A_133] : memref<2x!tpu.dma_semaphore, #tpu.memory_space<semaphore_mem>> -> memref<1x!tpu.dma_semaphore, #tpu.memory_space<semaphore_mem>>
        %dma_start3A_145 = tpu.memref_squeeze %dma_start3A_144 : memref<1x!tpu.dma_semaphore, #tpu.memory_space<semaphore_mem>> -> memref<!tpu.dma_semaphore, #tpu.memory_space<semaphore_mem>>
        tpu.enqueue_indirect_dma source(%dma_start3A_143 : memref<10000x128xf32, #tpu.memory_space<hbm>>) target(%dma_start3A_137 : memref<128x128xf32, #tpu.memory_space<vmem>>) offsets(%dma_start3A_140 : memref<128xi32, #tpu.memory_space<vmem>>) semaphore(%dma_start3A_145 : memref<!tpu.dma_semaphore, #tpu.memory_space<semaphore_mem>>)
      } else {
      }
      %mul3A_104 = arith.constant 2 : i32
      %mul3A_105 = arith.muli %add3A_82, %mul3A_104 : i32
      %add3A_106 = arith.constant 1 : i32
      %add3A_107 = arith.addi %mul3A_105, %add3A_106 : i32
      %dma_wait3A_108 = arith.constant 1 : i32
      %dma_wait3A_109 = arith.constant 1 : i32
      %dma_wait3A_110 = arith.constant 0 : i32
      %dma_wait3A_111 = arith.constant 0 : i32
      %dma_wait3A_112 = tpu.memref_slice %arg9[%dma_wait3A_108, %dma_wait3A_110, %dma_wait3A_111] : memref<2x128x128xf32, #tpu.memory_space<vmem>> -> memref<1x128x128xf32, #tpu.memory_space<vmem>>
      %dma_wait3A_113 = tpu.memref_squeeze %dma_wait3A_112 : memref<1x128x128xf32, #tpu.memory_space<vmem>> -> memref<128x128xf32, #tpu.memory_space<vmem>>
      %dma_wait3A_114 = arith.constant 0 : i32
      %dma_wait3A_115 = tpu.memref_slice %arg7[%add3A_107, %dma_wait3A_114] : memref<40x128xi32, #tpu.memory_space<vmem>> -> memref<1x128xi32, #tpu.memory_space<vmem>>
      %dma_wait3A_116 = tpu.memref_squeeze %dma_wait3A_115 : memref<1x128xi32, #tpu.memory_space<vmem>> -> memref<128xi32, #tpu.memory_space<vmem>>
      %dma_wait3A_117 = arith.constant 0 : i32
      %dma_wait3A_118 = arith.constant 0 : i32
      %dma_wait3A_119 = tpu.memref_slice %arg2[%dma_wait3A_117, %dma_wait3A_118] : memref<10000x128xf32, #tpu.memory_space<hbm>> -> memref<10000x128xf32, #tpu.memory_space<hbm>>
      %dma_wait3A_120 = tpu.memref_slice %arg11[%dma_wait3A_109] : memref<2x!tpu.dma_semaphore, #tpu.memory_space<semaphore_mem>> -> memref<1x!tpu.dma_semaphore, #tpu.memory_space<semaphore_mem>>
      %dma_wait3A_121 = tpu.memref_squeeze %dma_wait3A_120 : memref<1x!tpu.dma_semaphore, #tpu.memory_space<semaphore_mem>> -> memref<!tpu.dma_semaphore, #tpu.memory_space<semaphore_mem>>
      tpu.wait_indirect_dma semaphore(%dma_wait3A_121 : memref<!tpu.dma_semaphore, #tpu.memory_space<semaphore_mem>>) src(%dma_wait3A_119 : memref<10000x128xf32, #tpu.memory_space<hbm>>) dst(%dma_wait3A_113 : memref<128x128xf32, #tpu.memory_space<vmem>>)
      %run_scoped3A_122 = arith.constant 1 : i32
      "tpu.region"() ({
        %run_scoped3A_130 = tpu.sem_alloc : memref<!tpu.dma_semaphore, #tpu.memory_space<semaphore_mem>>
        %dma_start3A_131 = arith.constant 0 : i32
        %dma_start3A_132 = arith.constant 0 : i32
        %dma_start3A_133 = tpu.memref_slice %arg9[%run_scoped3A_122, %dma_start3A_131, %dma_start3A_132] : memref<2x128x128xf32, #tpu.memory_space<vmem>> -> memref<1x128x128xf32, #tpu.memory_space<vmem>>
        %dma_start3A_134 = tpu.memref_squeeze %dma_start3A_133 : memref<1x128x128xf32, #tpu.memory_space<vmem>> -> memref<128x128xf32, #tpu.memory_space<vmem>>
        %dma_start3A_135 = arith.constant 0 : i32
        %dma_start3A_136 = tpu.memref_slice %arg8[%add3A_107, %dma_start3A_135] : memref<40x128xi32, #tpu.memory_space<vmem>> -> memref<1x128xi32, #tpu.memory_space<vmem>>
        %dma_start3A_137 = tpu.memref_squeeze %dma_start3A_136 : memref<1x128xi32, #tpu.memory_space<vmem>> -> memref<128xi32, #tpu.memory_space<vmem>>
        %dma_start3A_138 = arith.constant 0 : i32
        %dma_start3A_139 = arith.constant 0 : i32
        %dma_start3A_140 = tpu.memref_slice %arg10[%dma_start3A_138, %dma_start3A_139] : memref<10240x128xf32, #tpu.memory_space<vmem_shared>> -> memref<10240x128xf32, #tpu.memory_space<vmem_shared>>
        tpu.enqueue_indirect_dma source(%dma_start3A_134 : memref<128x128xf32, #tpu.memory_space<vmem>>) target(%dma_start3A_140 : memref<10240x128xf32, #tpu.memory_space<vmem_shared>>) offsets(%dma_start3A_137 : memref<128xi32, #tpu.memory_space<vmem>>) semaphore(%run_scoped3A_130 : memref<!tpu.dma_semaphore, #tpu.memory_space<semaphore_mem>>) {add = true}
        %dma_wait3A_141 = arith.constant 0 : i32
        %dma_wait3A_142 = arith.constant 0 : i32
        %dma_wait3A_143 = tpu.memref_slice %arg9[%run_scoped3A_122, %dma_wait3A_141, %dma_wait3A_142] : memref<2x128x128xf32, #tpu.memory_space<vmem>> -> memref<1x128x128xf32, #tpu.memory_space<vmem>>
        %dma_wait3A_144 = tpu.memref_squeeze %dma_wait3A_143 : memref<1x128x128xf32, #tpu.memory_space<vmem>> -> memref<128x128xf32, #tpu.memory_space<vmem>>
        %dma_wait3A_145 = arith.constant 0 : i32
        %dma_wait3A_146 = tpu.memref_slice %arg8[%add3A_107, %dma_wait3A_145] : memref<40x128xi32, #tpu.memory_space<vmem>> -> memref<1x128xi32, #tpu.memory_space<vmem>>
        %dma_wait3A_147 = tpu.memref_squeeze %dma_wait3A_146 : memref<1x128xi32, #tpu.memory_space<vmem>> -> memref<128xi32, #tpu.memory_space<vmem>>
        %dma_wait3A_148 = arith.constant 0 : i32
        %dma_wait3A_149 = arith.constant 0 : i32
        %dma_wait3A_150 = tpu.memref_slice %arg10[%dma_wait3A_148, %dma_wait3A_149] : memref<10240x128xf32, #tpu.memory_space<vmem_shared>> -> memref<10240x128xf32, #tpu.memory_space<vmem_shared>>
        tpu.wait_indirect_dma semaphore(%run_scoped3A_130 : memref<!tpu.dma_semaphore, #tpu.memory_space<semaphore_mem>>) src(%dma_wait3A_144 : memref<128x128xf32, #tpu.memory_space<vmem>>) dst(%dma_wait3A_150 : memref<10240x128xf32, #tpu.memory_space<vmem_shared>>)
        tpu.yield
      }) : () -> ()
      %add3A_123 = arith.constant 2 : i32
      %add3A_124 = arith.addi %add3A_107, %add3A_123 : i32
      %lt3A_125 = arith.constant 40 : i32
      %lt3A_126 = arith.cmpi slt, %add3A_124, %lt3A_125 : i32
      %convert_element_type3A_127 = arith.extui %lt3A_126 : i1 to i32
      %cond3A_128 = arith.constant 0 : i32
      %cond3A_129 = arith.cmpi ne, %convert_element_type3A_127, %cond3A_128 : i32
      scf.if %cond3A_129 {
        %add3A_130 = arith.constant 2 : i32
        %add3A_131 = arith.addi %add3A_107, %add3A_130 : i32
        %dma_start3A_132 = arith.constant 1 : i32
        %dma_start3A_133 = arith.constant 1 : i32
        %dma_start3A_134 = arith.constant 0 : i32
        %dma_start3A_135 = arith.constant 0 : i32
        %dma_start3A_136 = tpu.memref_slice %arg9[%dma_start3A_132, %dma_start3A_134, %dma_start3A_135] : memref<2x128x128xf32, #tpu.memory_space<vmem>> -> memref<1x128x128xf32, #tpu.memory_space<vmem>>
        %dma_start3A_137 = tpu.memref_squeeze %dma_start3A_136 : memref<1x128x128xf32, #tpu.memory_space<vmem>> -> memref<128x128xf32, #tpu.memory_space<vmem>>
        %dma_start3A_138 = arith.constant 0 : i32
        %dma_start3A_139 = tpu.memref_slice %arg7[%add3A_131, %dma_start3A_138] : memref<40x128xi32, #tpu.memory_space<vmem>> -> memref<1x128xi32, #tpu.memory_space<vmem>>
        %dma_start3A_140 = tpu.memref_squeeze %dma_start3A_139 : memref<1x128xi32, #tpu.memory_space<vmem>> -> memref<128xi32, #tpu.memory_space<vmem>>
        %dma_start3A_141 = arith.constant 0 : i32
        %dma_start3A_142 = arith.constant 0 : i32
        %dma_start3A_143 = tpu.memref_slice %arg2[%dma_start3A_141, %dma_start3A_142] : memref<10000x128xf32, #tpu.memory_space<hbm>> -> memref<10000x128xf32, #tpu.memory_space<hbm>>
        %dma_start3A_144 = tpu.memref_slice %arg11[%dma_start3A_133] : memref<2x!tpu.dma_semaphore, #tpu.memory_space<semaphore_mem>> -> memref<1x!tpu.dma_semaphore, #tpu.memory_space<semaphore_mem>>
        %dma_start3A_145 = tpu.memref_squeeze %dma_start3A_144 : memref<1x!tpu.dma_semaphore, #tpu.memory_space<semaphore_mem>> -> memref<!tpu.dma_semaphore, #tpu.memory_space<semaphore_mem>>
        tpu.enqueue_indirect_dma source(%dma_start3A_143 : memref<10000x128xf32, #tpu.memory_space<hbm>>) target(%dma_start3A_137 : memref<128x128xf32, #tpu.memory_space<vmem>>) offsets(%dma_start3A_140 : memref<128xi32, #tpu.memory_space<vmem>>) semaphore(%dma_start3A_145 : memref<!tpu.dma_semaphore, #tpu.memory_space<semaphore_mem>>)
      } else {
      }
    }
    %scan3A_37 = arith.constant 20 : i32
    "tpu.region"() ({
      %run_scoped3A = tpu.sem_alloc : memref<!tpu.dma_semaphore, #tpu.memory_space<semaphore_mem>>
      %dma_start3A_78 = arith.constant 40 : i32
      %dma_start3A_79 = arith.constant 0 : i32
      %dma_start3A_80 = tpu.memref_slice %arg3[%add3A, %dma_start3A_78, %dma_start3A_79] : memref<32x80x128xi32, #tpu.memory_space<hbm>> -> memref<1x40x128xi32, #tpu.memory_space<hbm>>
      %dma_start3A_81 = tpu.memref_squeeze %dma_start3A_80 : memref<1x40x128xi32, #tpu.memory_space<hbm>> -> memref<40x128xi32, #tpu.memory_space<hbm>>
      %dma_start3A_82 = arith.constant 40 : i32
      %dma_start3A_83 = arith.constant 0 : i32
      %dma_start3A_84 = tpu.memref_slice %arg3[%add3A, %dma_start3A_82, %dma_start3A_83] : memref<32x80x128xi32, #tpu.memory_space<hbm>> -> memref<1x40x128xi32, #tpu.memory_space<hbm>>
      %dma_start3A_85 = tpu.memref_squeeze %dma_start3A_84 : memref<1x40x128xi32, #tpu.memory_space<hbm>> -> memref<40x128xi32, #tpu.memory_space<hbm>>
      tpu.enqueue_dma source(%dma_start3A_85 : memref<40x128xi32, #tpu.memory_space<hbm>>) target(%arg7 : memref<40x128xi32, #tpu.memory_space<vmem>>) target_semaphore(%run_scoped3A : memref<!tpu.dma_semaphore, #tpu.memory_space<semaphore_mem>>)
      %dma_wait3A = arith.constant 40 : i32
      %dma_wait3A_86 = arith.constant 0 : i32
      %dma_wait3A_87 = tpu.memref_slice %arg3[%add3A, %dma_wait3A, %dma_wait3A_86] : memref<32x80x128xi32, #tpu.memory_space<hbm>> -> memref<1x40x128xi32, #tpu.memory_space<hbm>>
      %dma_wait3A_88 = tpu.memref_squeeze %dma_wait3A_87 : memref<1x40x128xi32, #tpu.memory_space<hbm>> -> memref<40x128xi32, #tpu.memory_space<hbm>>
      %dma_wait3A_89 = arith.constant 40 : i32
      %dma_wait3A_90 = arith.constant 0 : i32
      %dma_wait3A_91 = tpu.memref_slice %arg3[%add3A, %dma_wait3A_89, %dma_wait3A_90] : memref<32x80x128xi32, #tpu.memory_space<hbm>> -> memref<1x40x128xi32, #tpu.memory_space<hbm>>
      %dma_wait3A_92 = tpu.memref_squeeze %dma_wait3A_91 : memref<1x40x128xi32, #tpu.memory_space<hbm>> -> memref<40x128xi32, #tpu.memory_space<hbm>>
      tpu.wait_dma2 semaphore(%run_scoped3A : memref<!tpu.dma_semaphore, #tpu.memory_space<semaphore_mem>>) src(%dma_wait3A_92 : memref<40x128xi32, #tpu.memory_space<hbm>>) dst(%arg7 : memref<40x128xi32, #tpu.memory_space<vmem>>)
      tpu.yield
    }) : () -> ()
    "tpu.region"() ({
      %run_scoped3A = tpu.sem_alloc : memref<!tpu.dma_semaphore, #tpu.memory_space<semaphore_mem>>
      %dma_start3A_78 = arith.constant 40 : i32
      %dma_start3A_79 = arith.constant 0 : i32
      %dma_start3A_80 = tpu.memref_slice %arg4[%add3A, %dma_start3A_78, %dma_start3A_79] : memref<32x80x128xi32, #tpu.memory_space<hbm>> -> memref<1x40x128xi32, #tpu.memory_space<hbm>>
      %dma_start3A_81 = tpu.memref_squeeze %dma_start3A_80 : memref<1x40x128xi32, #tpu.memory_space<hbm>> -> memref<40x128xi32, #tpu.memory_space<hbm>>
      %dma_start3A_82 = arith.constant 40 : i32
      %dma_start3A_83 = arith.constant 0 : i32
      %dma_start3A_84 = tpu.memref_slice %arg4[%add3A, %dma_start3A_82, %dma_start3A_83] : memref<32x80x128xi32, #tpu.memory_space<hbm>> -> memref<1x40x128xi32, #tpu.memory_space<hbm>>
      %dma_start3A_85 = tpu.memref_squeeze %dma_start3A_84 : memref<1x40x128xi32, #tpu.memory_space<hbm>> -> memref<40x128xi32, #tpu.memory_space<hbm>>
      tpu.enqueue_dma source(%dma_start3A_85 : memref<40x128xi32, #tpu.memory_space<hbm>>) target(%arg8 : memref<40x128xi32, #tpu.memory_space<vmem>>) target_semaphore(%run_scoped3A : memref<!tpu.dma_semaphore, #tpu.memory_space<semaphore_mem>>)
      %dma_wait3A = arith.constant 40 : i32
      %dma_wait3A_86 = arith.constant 0 : i32
      %dma_wait3A_87 = tpu.memref_slice %arg4[%add3A, %dma_wait3A, %dma_wait3A_86] : memref<32x80x128xi32, #tpu.memory_space<hbm>> -> memref<1x40x128xi32, #tpu.memory_space<hbm>>
      %dma_wait3A_88 = tpu.memref_squeeze %dma_wait3A_87 : memref<1x40x128xi32, #tpu.memory_space<hbm>> -> memref<40x128xi32, #tpu.memory_space<hbm>>
      %dma_wait3A_89 = arith.constant 40 : i32
      %dma_wait3A_90 = arith.constant 0 : i32
      %dma_wait3A_91 = tpu.memref_slice %arg4[%add3A, %dma_wait3A_89, %dma_wait3A_90] : memref<32x80x128xi32, #tpu.memory_space<hbm>> -> memref<1x40x128xi32, #tpu.memory_space<hbm>>
      %dma_wait3A_92 = tpu.memref_squeeze %dma_wait3A_91 : memref<1x40x128xi32, #tpu.memory_space<hbm>> -> memref<40x128xi32, #tpu.memory_space<hbm>>
      tpu.wait_dma2 semaphore(%run_scoped3A : memref<!tpu.dma_semaphore, #tpu.memory_space<semaphore_mem>>) src(%dma_wait3A_92 : memref<40x128xi32, #tpu.memory_space<hbm>>) dst(%arg8 : memref<40x128xi32, #tpu.memory_space<vmem>>)
      tpu.yield
    }) : () -> ()
    %dma_start3A_38 = arith.constant 0 : i32
    %dma_start3A_39 = arith.constant 0 : i32
    %dma_start3A_40 = arith.constant 0 : i32
    %dma_start3A_41 = arith.constant 0 : i32
    %dma_start3A_42 = arith.constant 0 : i32
    %dma_start3A_43 = tpu.memref_slice %arg9[%dma_start3A_39, %dma_start3A_41, %dma_start3A_42] : memref<2x128x128xf32, #tpu.memory_space<vmem>> -> memref<1x128x128xf32, #tpu.memory_space<vmem>>
    %dma_start3A_44 = tpu.memref_squeeze %dma_start3A_43 : memref<1x128x128xf32, #tpu.memory_space<vmem>> -> memref<128x128xf32, #tpu.memory_space<vmem>>
    %dma_start3A_45 = arith.constant 0 : i32
    %dma_start3A_46 = tpu.memref_slice %arg7[%dma_start3A_38, %dma_start3A_45] : memref<40x128xi32, #tpu.memory_space<vmem>> -> memref<1x128xi32, #tpu.memory_space<vmem>>
    %dma_start3A_47 = tpu.memref_squeeze %dma_start3A_46 : memref<1x128xi32, #tpu.memory_space<vmem>> -> memref<128xi32, #tpu.memory_space<vmem>>
    %dma_start3A_48 = arith.constant 0 : i32
    %dma_start3A_49 = arith.constant 0 : i32
    %dma_start3A_50 = tpu.memref_slice %arg2[%dma_start3A_48, %dma_start3A_49] : memref<10000x128xf32, #tpu.memory_space<hbm>> -> memref<10000x128xf32, #tpu.memory_space<hbm>>
    %dma_start3A_51 = tpu.memref_slice %arg11[%dma_start3A_40] : memref<2x!tpu.dma_semaphore, #tpu.memory_space<semaphore_mem>> -> memref<1x!tpu.dma_semaphore, #tpu.memory_space<semaphore_mem>>
    %dma_start3A_52 = tpu.memref_squeeze %dma_start3A_51 : memref<1x!tpu.dma_semaphore, #tpu.memory_space<semaphore_mem>> -> memref<!tpu.dma_semaphore, #tpu.memory_space<semaphore_mem>>
    tpu.enqueue_indirect_dma source(%dma_start3A_50 : memref<10000x128xf32, #tpu.memory_space<hbm>>) target(%dma_start3A_44 : memref<128x128xf32, #tpu.memory_space<vmem>>) offsets(%dma_start3A_47 : memref<128xi32, #tpu.memory_space<vmem>>) semaphore(%dma_start3A_52 : memref<!tpu.dma_semaphore, #tpu.memory_space<semaphore_mem>>)
    %dma_start3A_53 = arith.constant 1 : i32
    %dma_start3A_54 = arith.constant 1 : i32
    %dma_start3A_55 = arith.constant 1 : i32
    %dma_start3A_56 = arith.constant 0 : i32
    %dma_start3A_57 = arith.constant 0 : i32
    %dma_start3A_58 = tpu.memref_slice %arg9[%dma_start3A_54, %dma_start3A_56, %dma_start3A_57] : memref<2x128x128xf32, #tpu.memory_space<vmem>> -> memref<1x128x128xf32, #tpu.memory_space<vmem>>
    %dma_start3A_59 = tpu.memref_squeeze %dma_start3A_58 : memref<1x128x128xf32, #tpu.memory_space<vmem>> -> memref<128x128xf32, #tpu.memory_space<vmem>>
    %dma_start3A_60 = arith.constant 0 : i32
    %dma_start3A_61 = tpu.memref_slice %arg7[%dma_start3A_53, %dma_start3A_60] : memref<40x128xi32, #tpu.memory_space<vmem>> -> memref<1x128xi32, #tpu.memory_space<vmem>>
    %dma_start3A_62 = tpu.memref_squeeze %dma_start3A_61 : memref<1x128xi32, #tpu.memory_space<vmem>> -> memref<128xi32, #tpu.memory_space<vmem>>
    %dma_start3A_63 = arith.constant 0 : i32
    %dma_start3A_64 = arith.constant 0 : i32
    %dma_start3A_65 = tpu.memref_slice %arg2[%dma_start3A_63, %dma_start3A_64] : memref<10000x128xf32, #tpu.memory_space<hbm>> -> memref<10000x128xf32, #tpu.memory_space<hbm>>
    %dma_start3A_66 = tpu.memref_slice %arg11[%dma_start3A_55] : memref<2x!tpu.dma_semaphore, #tpu.memory_space<semaphore_mem>> -> memref<1x!tpu.dma_semaphore, #tpu.memory_space<semaphore_mem>>
    %dma_start3A_67 = tpu.memref_squeeze %dma_start3A_66 : memref<1x!tpu.dma_semaphore, #tpu.memory_space<semaphore_mem>> -> memref<!tpu.dma_semaphore, #tpu.memory_space<semaphore_mem>>
    tpu.enqueue_indirect_dma source(%dma_start3A_65 : memref<10000x128xf32, #tpu.memory_space<hbm>>) target(%dma_start3A_59 : memref<128x128xf32, #tpu.memory_space<vmem>>) offsets(%dma_start3A_62 : memref<128xi32, #tpu.memory_space<vmem>>) semaphore(%dma_start3A_67 : memref<!tpu.dma_semaphore, #tpu.memory_space<semaphore_mem>>)
    %scan3A_68 = arith.constant 0 : i32
    %scan3A_69 = arith.constant 20 : i32
    %scan3A_70 = arith.addi %scan3A_68, %scan3A_69 : i32
    %scan3A_71 = arith.constant 1 : i32
    scf.for %scan3A_78 = %scan3A_68 to %scan3A_70 step %scan3A_71  : i32 {
      %mul3A_79 = arith.constant 1 : i32
      %mul3A_80 = arith.muli %scan3A_78, %mul3A_79 : i32
      %add3A_81 = arith.constant 0 : i32
      %add3A_82 = arith.addi %add3A_81, %mul3A_80 : i32
      %mul3A_83 = arith.constant 2 : i32
      %mul3A_84 = arith.muli %add3A_82, %mul3A_83 : i32
      %add3A_85 = arith.constant 0 : i32
      %add3A_86 = arith.addi %mul3A_84, %add3A_85 : i32
      %dma_wait3A = arith.constant 0 : i32
      %dma_wait3A_87 = arith.constant 0 : i32
      %dma_wait3A_88 = arith.constant 0 : i32
      %dma_wait3A_89 = arith.constant 0 : i32
      %dma_wait3A_90 = tpu.memref_slice %arg9[%dma_wait3A, %dma_wait3A_88, %dma_wait3A_89] : memref<2x128x128xf32, #tpu.memory_space<vmem>> -> memref<1x128x128xf32, #tpu.memory_space<vmem>>
      %dma_wait3A_91 = tpu.memref_squeeze %dma_wait3A_90 : memref<1x128x128xf32, #tpu.memory_space<vmem>> -> memref<128x128xf32, #tpu.memory_space<vmem>>
      %dma_wait3A_92 = arith.constant 0 : i32
      %dma_wait3A_93 = tpu.memref_slice %arg7[%add3A_86, %dma_wait3A_92] : memref<40x128xi32, #tpu.memory_space<vmem>> -> memref<1x128xi32, #tpu.memory_space<vmem>>
      %dma_wait3A_94 = tpu.memref_squeeze %dma_wait3A_93 : memref<1x128xi32, #tpu.memory_space<vmem>> -> memref<128xi32, #tpu.memory_space<vmem>>
      %dma_wait3A_95 = arith.constant 0 : i32
      %dma_wait3A_96 = arith.constant 0 : i32
      %dma_wait3A_97 = tpu.memref_slice %arg2[%dma_wait3A_95, %dma_wait3A_96] : memref<10000x128xf32, #tpu.memory_space<hbm>> -> memref<10000x128xf32, #tpu.memory_space<hbm>>
      %dma_wait3A_98 = tpu.memref_slice %arg11[%dma_wait3A_87] : memref<2x!tpu.dma_semaphore, #tpu.memory_space<semaphore_mem>> -> memref<1x!tpu.dma_semaphore, #tpu.memory_space<semaphore_mem>>
      %dma_wait3A_99 = tpu.memref_squeeze %dma_wait3A_98 : memref<1x!tpu.dma_semaphore, #tpu.memory_space<semaphore_mem>> -> memref<!tpu.dma_semaphore, #tpu.memory_space<semaphore_mem>>
      tpu.wait_indirect_dma semaphore(%dma_wait3A_99 : memref<!tpu.dma_semaphore, #tpu.memory_space<semaphore_mem>>) src(%dma_wait3A_97 : memref<10000x128xf32, #tpu.memory_space<hbm>>) dst(%dma_wait3A_91 : memref<128x128xf32, #tpu.memory_space<vmem>>)
      %run_scoped3A = arith.constant 0 : i32
      "tpu.region"() ({
        %run_scoped3A_130 = tpu.sem_alloc : memref<!tpu.dma_semaphore, #tpu.memory_space<semaphore_mem>>
        %dma_start3A_131 = arith.constant 0 : i32
        %dma_start3A_132 = arith.constant 0 : i32
        %dma_start3A_133 = tpu.memref_slice %arg9[%run_scoped3A, %dma_start3A_131, %dma_start3A_132] : memref<2x128x128xf32, #tpu.memory_space<vmem>> -> memref<1x128x128xf32, #tpu.memory_space<vmem>>
        %dma_start3A_134 = tpu.memref_squeeze %dma_start3A_133 : memref<1x128x128xf32, #tpu.memory_space<vmem>> -> memref<128x128xf32, #tpu.memory_space<vmem>>
        %dma_start3A_135 = arith.constant 0 : i32
        %dma_start3A_136 = tpu.memref_slice %arg8[%add3A_86, %dma_start3A_135] : memref<40x128xi32, #tpu.memory_space<vmem>> -> memref<1x128xi32, #tpu.memory_space<vmem>>
        %dma_start3A_137 = tpu.memref_squeeze %dma_start3A_136 : memref<1x128xi32, #tpu.memory_space<vmem>> -> memref<128xi32, #tpu.memory_space<vmem>>
        %dma_start3A_138 = arith.constant 0 : i32
        %dma_start3A_139 = arith.constant 0 : i32
        %dma_start3A_140 = tpu.memref_slice %arg10[%dma_start3A_138, %dma_start3A_139] : memref<10240x128xf32, #tpu.memory_space<vmem_shared>> -> memref<10240x128xf32, #tpu.memory_space<vmem_shared>>
        tpu.enqueue_indirect_dma source(%dma_start3A_134 : memref<128x128xf32, #tpu.memory_space<vmem>>) target(%dma_start3A_140 : memref<10240x128xf32, #tpu.memory_space<vmem_shared>>) offsets(%dma_start3A_137 : memref<128xi32, #tpu.memory_space<vmem>>) semaphore(%run_scoped3A_130 : memref<!tpu.dma_semaphore, #tpu.memory_space<semaphore_mem>>) {add = true}
        %dma_wait3A_141 = arith.constant 0 : i32
        %dma_wait3A_142 = arith.constant 0 : i32
        %dma_wait3A_143 = tpu.memref_slice %arg9[%run_scoped3A, %dma_wait3A_141, %dma_wait3A_142] : memref<2x128x128xf32, #tpu.memory_space<vmem>> -> memref<1x128x128xf32, #tpu.memory_space<vmem>>
        %dma_wait3A_144 = tpu.memref_squeeze %dma_wait3A_143 : memref<1x128x128xf32, #tpu.memory_space<vmem>> -> memref<128x128xf32, #tpu.memory_space<vmem>>
        %dma_wait3A_145 = arith.constant 0 : i32
        %dma_wait3A_146 = tpu.memref_slice %arg8[%add3A_86, %dma_wait3A_145] : memref<40x128xi32, #tpu.memory_space<vmem>> -> memref<1x128xi32, #tpu.memory_space<vmem>>
        %dma_wait3A_147 = tpu.memref_squeeze %dma_wait3A_146 : memref<1x128xi32, #tpu.memory_space<vmem>> -> memref<128xi32, #tpu.memory_space<vmem>>
        %dma_wait3A_148 = arith.constant 0 : i32
        %dma_wait3A_149 = arith.constant 0 : i32
        %dma_wait3A_150 = tpu.memref_slice %arg10[%dma_wait3A_148, %dma_wait3A_149] : memref<10240x128xf32, #tpu.memory_space<vmem_shared>> -> memref<10240x128xf32, #tpu.memory_space<vmem_shared>>
        tpu.wait_indirect_dma semaphore(%run_scoped3A_130 : memref<!tpu.dma_semaphore, #tpu.memory_space<semaphore_mem>>) src(%dma_wait3A_144 : memref<128x128xf32, #tpu.memory_space<vmem>>) dst(%dma_wait3A_150 : memref<10240x128xf32, #tpu.memory_space<vmem_shared>>)
        tpu.yield
      }) : () -> ()
      %add3A_100 = arith.constant 2 : i32
      %add3A_101 = arith.addi %add3A_86, %add3A_100 : i32
      %lt3A = arith.constant 40 : i32
      %lt3A_102 = arith.cmpi slt, %add3A_101, %lt3A : i32
      %convert_element_type3A = arith.extui %lt3A_102 : i1 to i32
      %cond3A = arith.constant 0 : i32
      %cond3A_103 = arith.cmpi ne, %convert_element_type3A, %cond3A : i32
      scf.if %cond3A_103 {
        %add3A_130 = arith.constant 2 : i32
        %add3A_131 = arith.addi %add3A_86, %add3A_130 : i32
        %dma_start3A_132 = arith.constant 0 : i32
        %dma_start3A_133 = arith.constant 0 : i32
        %dma_start3A_134 = arith.constant 0 : i32
        %dma_start3A_135 = arith.constant 0 : i32
        %dma_start3A_136 = tpu.memref_slice %arg9[%dma_start3A_132, %dma_start3A_134, %dma_start3A_135] : memref<2x128x128xf32, #tpu.memory_space<vmem>> -> memref<1x128x128xf32, #tpu.memory_space<vmem>>
        %dma_start3A_137 = tpu.memref_squeeze %dma_start3A_136 : memref<1x128x128xf32, #tpu.memory_space<vmem>> -> memref<128x128xf32, #tpu.memory_space<vmem>>
        %dma_start3A_138 = arith.constant 0 : i32
        %dma_start3A_139 = tpu.memref_slice %arg7[%add3A_131, %dma_start3A_138] : memref<40x128xi32, #tpu.memory_space<vmem>> -> memref<1x128xi32, #tpu.memory_space<vmem>>
        %dma_start3A_140 = tpu.memref_squeeze %dma_start3A_139 : memref<1x128xi32, #tpu.memory_space<vmem>> -> memref<128xi32, #tpu.memory_space<vmem>>
        %dma_start3A_141 = arith.constant 0 : i32
        %dma_start3A_142 = arith.constant 0 : i32
        %dma_start3A_143 = tpu.memref_slice %arg2[%dma_start3A_141, %dma_start3A_142] : memref<10000x128xf32, #tpu.memory_space<hbm>> -> memref<10000x128xf32, #tpu.memory_space<hbm>>
        %dma_start3A_144 = tpu.memref_slice %arg11[%dma_start3A_133] : memref<2x!tpu.dma_semaphore, #tpu.memory_space<semaphore_mem>> -> memref<1x!tpu.dma_semaphore, #tpu.memory_space<semaphore_mem>>
        %dma_start3A_145 = tpu.memref_squeeze %dma_start3A_144 : memref<1x!tpu.dma_semaphore, #tpu.memory_space<semaphore_mem>> -> memref<!tpu.dma_semaphore, #tpu.memory_space<semaphore_mem>>
        tpu.enqueue_indirect_dma source(%dma_start3A_143 : memref<10000x128xf32, #tpu.memory_space<hbm>>) target(%dma_start3A_137 : memref<128x128xf32, #tpu.memory_space<vmem>>) offsets(%dma_start3A_140 : memref<128xi32, #tpu.memory_space<vmem>>) semaphore(%dma_start3A_145 : memref<!tpu.dma_semaphore, #tpu.memory_space<semaphore_mem>>)
      } else {
      }
      %mul3A_104 = arith.constant 2 : i32
      %mul3A_105 = arith.muli %add3A_82, %mul3A_104 : i32
      %add3A_106 = arith.constant 1 : i32
      %add3A_107 = arith.addi %mul3A_105, %add3A_106 : i32
      %dma_wait3A_108 = arith.constant 1 : i32
      %dma_wait3A_109 = arith.constant 1 : i32
      %dma_wait3A_110 = arith.constant 0 : i32
      %dma_wait3A_111 = arith.constant 0 : i32
      %dma_wait3A_112 = tpu.memref_slice %arg9[%dma_wait3A_108, %dma_wait3A_110, %dma_wait3A_111] : memref<2x128x128xf32, #tpu.memory_space<vmem>> -> memref<1x128x128xf32, #tpu.memory_space<vmem>>
      %dma_wait3A_113 = tpu.memref_squeeze %dma_wait3A_112 : memref<1x128x128xf32, #tpu.memory_space<vmem>> -> memref<128x128xf32, #tpu.memory_space<vmem>>
      %dma_wait3A_114 = arith.constant 0 : i32
      %dma_wait3A_115 = tpu.memref_slice %arg7[%add3A_107, %dma_wait3A_114] : memref<40x128xi32, #tpu.memory_space<vmem>> -> memref<1x128xi32, #tpu.memory_space<vmem>>
      %dma_wait3A_116 = tpu.memref_squeeze %dma_wait3A_115 : memref<1x128xi32, #tpu.memory_space<vmem>> -> memref<128xi32, #tpu.memory_space<vmem>>
      %dma_wait3A_117 = arith.constant 0 : i32
      %dma_wait3A_118 = arith.constant 0 : i32
      %dma_wait3A_119 = tpu.memref_slice %arg2[%dma_wait3A_117, %dma_wait3A_118] : memref<10000x128xf32, #tpu.memory_space<hbm>> -> memref<10000x128xf32, #tpu.memory_space<hbm>>
      %dma_wait3A_120 = tpu.memref_slice %arg11[%dma_wait3A_109] : memref<2x!tpu.dma_semaphore, #tpu.memory_space<semaphore_mem>> -> memref<1x!tpu.dma_semaphore, #tpu.memory_space<semaphore_mem>>
      %dma_wait3A_121 = tpu.memref_squeeze %dma_wait3A_120 : memref<1x!tpu.dma_semaphore, #tpu.memory_space<semaphore_mem>> -> memref<!tpu.dma_semaphore, #tpu.memory_space<semaphore_mem>>
      tpu.wait_indirect_dma semaphore(%dma_wait3A_121 : memref<!tpu.dma_semaphore, #tpu.memory_space<semaphore_mem>>) src(%dma_wait3A_119 : memref<10000x128xf32, #tpu.memory_space<hbm>>) dst(%dma_wait3A_113 : memref<128x128xf32, #tpu.memory_space<vmem>>)
      %run_scoped3A_122 = arith.constant 1 : i32
      "tpu.region"() ({
        %run_scoped3A_130 = tpu.sem_alloc : memref<!tpu.dma_semaphore, #tpu.memory_space<semaphore_mem>>
        %dma_start3A_131 = arith.constant 0 : i32
        %dma_start3A_132 = arith.constant 0 : i32
        %dma_start3A_133 = tpu.memref_slice %arg9[%run_scoped3A_122, %dma_start3A_131, %dma_start3A_132] : memref<2x128x128xf32, #tpu.memory_space<vmem>> -> memref<1x128x128xf32, #tpu.memory_space<vmem>>
        %dma_start3A_134 = tpu.memref_squeeze %dma_start3A_133 : memref<1x128x128xf32, #tpu.memory_space<vmem>> -> memref<128x128xf32, #tpu.memory_space<vmem>>
        %dma_start3A_135 = arith.constant 0 : i32
        %dma_start3A_136 = tpu.memref_slice %arg8[%add3A_107, %dma_start3A_135] : memref<40x128xi32, #tpu.memory_space<vmem>> -> memref<1x128xi32, #tpu.memory_space<vmem>>
        %dma_start3A_137 = tpu.memref_squeeze %dma_start3A_136 : memref<1x128xi32, #tpu.memory_space<vmem>> -> memref<128xi32, #tpu.memory_space<vmem>>
        %dma_start3A_138 = arith.constant 0 : i32
        %dma_start3A_139 = arith.constant 0 : i32
        %dma_start3A_140 = tpu.memref_slice %arg10[%dma_start3A_138, %dma_start3A_139] : memref<10240x128xf32, #tpu.memory_space<vmem_shared>> -> memref<10240x128xf32, #tpu.memory_space<vmem_shared>>
        tpu.enqueue_indirect_dma source(%dma_start3A_134 : memref<128x128xf32, #tpu.memory_space<vmem>>) target(%dma_start3A_140 : memref<10240x128xf32, #tpu.memory_space<vmem_shared>>) offsets(%dma_start3A_137 : memref<128xi32, #tpu.memory_space<vmem>>) semaphore(%run_scoped3A_130 : memref<!tpu.dma_semaphore, #tpu.memory_space<semaphore_mem>>) {add = true}
        %dma_wait3A_141 = arith.constant 0 : i32
        %dma_wait3A_142 = arith.constant 0 : i32
        %dma_wait3A_143 = tpu.memref_slice %arg9[%run_scoped3A_122, %dma_wait3A_141, %dma_wait3A_142] : memref<2x128x128xf32, #tpu.memory_space<vmem>> -> memref<1x128x128xf32, #tpu.memory_space<vmem>>
        %dma_wait3A_144 = tpu.memref_squeeze %dma_wait3A_143 : memref<1x128x128xf32, #tpu.memory_space<vmem>> -> memref<128x128xf32, #tpu.memory_space<vmem>>
        %dma_wait3A_145 = arith.constant 0 : i32
        %dma_wait3A_146 = tpu.memref_slice %arg8[%add3A_107, %dma_wait3A_145] : memref<40x128xi32, #tpu.memory_space<vmem>> -> memref<1x128xi32, #tpu.memory_space<vmem>>
        %dma_wait3A_147 = tpu.memref_squeeze %dma_wait3A_146 : memref<1x128xi32, #tpu.memory_space<vmem>> -> memref<128xi32, #tpu.memory_space<vmem>>
        %dma_wait3A_148 = arith.constant 0 : i32
        %dma_wait3A_149 = arith.constant 0 : i32
        %dma_wait3A_150 = tpu.memref_slice %arg10[%dma_wait3A_148, %dma_wait3A_149] : memref<10240x128xf32, #tpu.memory_space<vmem_shared>> -> memref<10240x128xf32, #tpu.memory_space<vmem_shared>>
        tpu.wait_indirect_dma semaphore(%run_scoped3A_130 : memref<!tpu.dma_semaphore, #tpu.memory_space<semaphore_mem>>) src(%dma_wait3A_144 : memref<128x128xf32, #tpu.memory_space<vmem>>) dst(%dma_wait3A_150 : memref<10240x128xf32, #tpu.memory_space<vmem_shared>>)
        tpu.yield
      }) : () -> ()
      %add3A_123 = arith.constant 2 : i32
      %add3A_124 = arith.addi %add3A_107, %add3A_123 : i32
      %lt3A_125 = arith.constant 40 : i32
      %lt3A_126 = arith.cmpi slt, %add3A_124, %lt3A_125 : i32
      %convert_element_type3A_127 = arith.extui %lt3A_126 : i1 to i32
      %cond3A_128 = arith.constant 0 : i32
      %cond3A_129 = arith.cmpi ne, %convert_element_type3A_127, %cond3A_128 : i32
      scf.if %cond3A_129 {
        %add3A_130 = arith.constant 2 : i32
        %add3A_131 = arith.addi %add3A_107, %add3A_130 : i32
        %dma_start3A_132 = arith.constant 1 : i32
        %dma_start3A_133 = arith.constant 1 : i32
        %dma_start3A_134 = arith.constant 0 : i32
        %dma_start3A_135 = arith.constant 0 : i32
        %dma_start3A_136 = tpu.memref_slice %arg9[%dma_start3A_132, %dma_start3A_134, %dma_start3A_135] : memref<2x128x128xf32, #tpu.memory_space<vmem>> -> memref<1x128x128xf32, #tpu.memory_space<vmem>>
        %dma_start3A_137 = tpu.memref_squeeze %dma_start3A_136 : memref<1x128x128xf32, #tpu.memory_space<vmem>> -> memref<128x128xf32, #tpu.memory_space<vmem>>
        %dma_start3A_138 = arith.constant 0 : i32
        %dma_start3A_139 = tpu.memref_slice %arg7[%add3A_131, %dma_start3A_138] : memref<40x128xi32, #tpu.memory_space<vmem>> -> memref<1x128xi32, #tpu.memory_space<vmem>>
        %dma_start3A_140 = tpu.memref_squeeze %dma_start3A_139 : memref<1x128xi32, #tpu.memory_space<vmem>> -> memref<128xi32, #tpu.memory_space<vmem>>
        %dma_start3A_141 = arith.constant 0 : i32
        %dma_start3A_142 = arith.constant 0 : i32
        %dma_start3A_143 = tpu.memref_slice %arg2[%dma_start3A_141, %dma_start3A_142] : memref<10000x128xf32, #tpu.memory_space<hbm>> -> memref<10000x128xf32, #tpu.memory_space<hbm>>
        %dma_start3A_144 = tpu.memref_slice %arg11[%dma_start3A_133] : memref<2x!tpu.dma_semaphore, #tpu.memory_space<semaphore_mem>> -> memref<1x!tpu.dma_semaphore, #tpu.memory_space<semaphore_mem>>
        %dma_start3A_145 = tpu.memref_squeeze %dma_start3A_144 : memref<1x!tpu.dma_semaphore, #tpu.memory_space<semaphore_mem>> -> memref<!tpu.dma_semaphore, #tpu.memory_space<semaphore_mem>>
        tpu.enqueue_indirect_dma source(%dma_start3A_143 : memref<10000x128xf32, #tpu.memory_space<hbm>>) target(%dma_start3A_137 : memref<128x128xf32, #tpu.memory_space<vmem>>) offsets(%dma_start3A_140 : memref<128xi32, #tpu.memory_space<vmem>>) semaphore(%dma_start3A_145 : memref<!tpu.dma_semaphore, #tpu.memory_space<semaphore_mem>>)
      } else {
      }
    }
    %scan3A_72 = arith.constant 20 : i32
    %barrier3A_73 = arith.constant 0 : index
    tpu.barrier barrier_id(%barrier3A_73)
    %mul3A_74 = arith.constant 640 : i32
    %mul3A_75 = arith.muli %arg1, %mul3A_74 : i32
    %mul3A_76 = arith.constant 640 : i32
    %mul3A_77 = arith.muli %arg1, %mul3A_76 : i32
    "tpu.region"() ({
      %run_scoped3A = tpu.sem_alloc : memref<!tpu.dma_semaphore, #tpu.memory_space<semaphore_mem>>
      %dma_start3A_78 = arith.constant 0 : i32
      %dma_start3A_79 = tpu.memref_slice %arg6[%arg0, %mul3A_77, %dma_start3A_78] : memref<2x10240x128xf32, #tpu.memory_space<hbm>> -> memref<1x640x128xf32, #tpu.memory_space<hbm>>
      %dma_start3A_80 = tpu.memref_squeeze %dma_start3A_79 : memref<1x640x128xf32, #tpu.memory_space<hbm>> -> memref<640x128xf32, #tpu.memory_space<hbm>>
      %dma_start3A_81 = arith.constant 0 : i32
      %dma_start3A_82 = tpu.memref_slice %arg10[%mul3A_75, %dma_start3A_81] : memref<10240x128xf32, #tpu.memory_space<vmem_shared>> -> memref<640x128xf32, #tpu.memory_space<vmem_shared>>
      tpu.enqueue_dma source(%dma_start3A_82 : memref<640x128xf32, #tpu.memory_space<vmem_shared>>) target(%dma_start3A_80 : memref<640x128xf32, #tpu.memory_space<hbm>>) target_semaphore(%run_scoped3A : memref<!tpu.dma_semaphore, #tpu.memory_space<semaphore_mem>>)
      %dma_wait3A = arith.constant 0 : i32
      %dma_wait3A_83 = tpu.memref_slice %arg6[%arg0, %mul3A_77, %dma_wait3A] : memref<2x10240x128xf32, #tpu.memory_space<hbm>> -> memref<1x640x128xf32, #tpu.memory_space<hbm>>
      %dma_wait3A_84 = tpu.memref_squeeze %dma_wait3A_83 : memref<1x640x128xf32, #tpu.memory_space<hbm>> -> memref<640x128xf32, #tpu.memory_space<hbm>>
      %dma_wait3A_85 = arith.constant 0 : i32
      %dma_wait3A_86 = tpu.memref_slice %arg10[%mul3A_75, %dma_wait3A_85] : memref<10240x128xf32, #tpu.memory_space<vmem_shared>> -> memref<640x128xf32, #tpu.memory_space<vmem_shared>>
      tpu.wait_dma2 semaphore(%run_scoped3A : memref<!tpu.dma_semaphore, #tpu.memory_space<semaphore_mem>>) src(%dma_wait3A_86 : memref<640x128xf32, #tpu.memory_space<vmem_shared>>) dst(%dma_wait3A_84 : memref<640x128xf32, #tpu.memory_space<hbm>>)
      tpu.yield
    }) : () -> ()
    return
  }
}

#map = affine_map<(d0, d1) -> (0, 0, 0)>
#map1 = affine_map<(d0, d1) -> (0, 0)>
module attributes {stable_mosaic.version = 14 : i64} {
  func.func @_deg_kernel(%arg0: i32, %arg1: i32, %arg2: memref<32x80x128xi32, #tpu.memory_space<hbm>>, %arg3: memref<2x10240xf32, #tpu.memory_space<hbm>>, %arg4: memref<80x128xi32, #tpu.memory_space<vmem>>, %arg5: memref<128xf32, #tpu.memory_space<vmem>>, %arg6: memref<640xf32, #tpu.memory_space<vmem>>, %arg7: memref<10240xf32, #tpu.memory_space<vmem_shared>>) attributes {dimension_semantics = [#tpu.dimension_semantics<core_parallel>, #tpu.dimension_semantics<subcore_parallel>], iteration_bounds = array<i64: 2, 16>, scalar_prefetch = 0 : i64, scratch_operands = 4 : i64, tpu.core_type = #tpu.core_type<sc_vector_subcore>, window_params = [{transform_indices = #map}, {transform_indices = #map1}]} {
    %mul3A = arith.constant 2 : i32
    %mul3A_0 = arith.muli %arg1, %mul3A : i32
    %add3A = arith.addi %mul3A_0, %arg0 : i32
    %broadcast_in_dim3A = arith.constant 0.000000e+00 : f32
    %broadcast_in_dim3A_1 = vector.broadcast %broadcast_in_dim3A : f32 to vector<16xf32>
    %swap3A = arith.constant 0 : index
    %swap3A_2 = tpu.vector_load %arg6[%swap3A] {strides = array<i32>} : memref<640xf32, #tpu.memory_space<vmem>>, vector<16xf32>,
    %swap3A_3 = vector.shape_cast %swap3A_2 : vector<16xf32> to vector<16xf32>
    %swap3A_4 = vector.shape_cast %broadcast_in_dim3A_1 : vector<16xf32> to vector<16xf32>
    tpu.vector_store %arg6[%swap3A], %swap3A_4 {strides = array<i32>} : memref<640xf32, #tpu.memory_space<vmem>>, vector<16xf32>,
    %swap3A_5 = arith.constant 16 : index
    %swap3A_6 = tpu.vector_load %arg6[%swap3A_5] {strides = array<i32>} : memref<640xf32, #tpu.memory_space<vmem>>, vector<16xf32>,
    %swap3A_7 = vector.shape_cast %swap3A_6 : vector<16xf32> to vector<16xf32>
    %swap3A_8 = vector.shape_cast %broadcast_in_dim3A_1 : vector<16xf32> to vector<16xf32>
    tpu.vector_store %arg6[%swap3A_5], %swap3A_8 {strides = array<i32>} : memref<640xf32, #tpu.memory_space<vmem>>, vector<16xf32>,
    %swap3A_9 = arith.constant 32 : index
    %swap3A_10 = tpu.vector_load %arg6[%swap3A_9] {strides = array<i32>} : memref<640xf32, #tpu.memory_space<vmem>>, vector<16xf32>,
    %swap3A_11 = vector.shape_cast %swap3A_10 : vector<16xf32> to vector<16xf32>
    %swap3A_12 = vector.shape_cast %broadcast_in_dim3A_1 : vector<16xf32> to vector<16xf32>
    tpu.vector_store %arg6[%swap3A_9], %swap3A_12 {strides = array<i32>} : memref<640xf32, #tpu.memory_space<vmem>>, vector<16xf32>,
    %swap3A_13 = arith.constant 48 : index
    %swap3A_14 = tpu.vector_load %arg6[%swap3A_13] {strides = array<i32>} : memref<640xf32, #tpu.memory_space<vmem>>, vector<16xf32>,
    %swap3A_15 = vector.shape_cast %swap3A_14 : vector<16xf32> to vector<16xf32>
    %swap3A_16 = vector.shape_cast %broadcast_in_dim3A_1 : vector<16xf32> to vector<16xf32>
    tpu.vector_store %arg6[%swap3A_13], %swap3A_16 {strides = array<i32>} : memref<640xf32, #tpu.memory_space<vmem>>, vector<16xf32>,
    %swap3A_17 = arith.constant 64 : index
    %swap3A_18 = tpu.vector_load %arg6[%swap3A_17] {strides = array<i32>} : memref<640xf32, #tpu.memory_space<vmem>>, vector<16xf32>,
    %swap3A_19 = vector.shape_cast %swap3A_18 : vector<16xf32> to vector<16xf32>
    %swap3A_20 = vector.shape_cast %broadcast_in_dim3A_1 : vector<16xf32> to vector<16xf32>
    tpu.vector_store %arg6[%swap3A_17], %swap3A_20 {strides = array<i32>} : memref<640xf32, #tpu.memory_space<vmem>>, vector<16xf32>,
    %swap3A_21 = arith.constant 80 : index
    %swap3A_22 = tpu.vector_load %arg6[%swap3A_21] {strides = array<i32>} : memref<640xf32, #tpu.memory_space<vmem>>, vector<16xf32>,
    %swap3A_23 = vector.shape_cast %swap3A_22 : vector<16xf32> to vector<16xf32>
    %swap3A_24 = vector.shape_cast %broadcast_in_dim3A_1 : vector<16xf32> to vector<16xf32>
    tpu.vector_store %arg6[%swap3A_21], %swap3A_24 {strides = array<i32>} : memref<640xf32, #tpu.memory_space<vmem>>, vector<16xf32>,
    %swap3A_25 = arith.constant 96 : index
    %swap3A_26 = tpu.vector_load %arg6[%swap3A_25] {strides = array<i32>} : memref<640xf32, #tpu.memory_space<vmem>>, vector<16xf32>,
    %swap3A_27 = vector.shape_cast %swap3A_26 : vector<16xf32> to vector<16xf32>
    %swap3A_28 = vector.shape_cast %broadcast_in_dim3A_1 : vector<16xf32> to vector<16xf32>
    tpu.vector_store %arg6[%swap3A_25], %swap3A_28 {strides = array<i32>} : memref<640xf32, #tpu.memory_space<vmem>>, vector<16xf32>,
    %swap3A_29 = arith.constant 112 : index
    %swap3A_30 = tpu.vector_load %arg6[%swap3A_29] {strides = array<i32>} : memref<640xf32, #tpu.memory_space<vmem>>, vector<16xf32>,
    %swap3A_31 = vector.shape_cast %swap3A_30 : vector<16xf32> to vector<16xf32>
    %swap3A_32 = vector.shape_cast %broadcast_in_dim3A_1 : vector<16xf32> to vector<16xf32>
    tpu.vector_store %arg6[%swap3A_29], %swap3A_32 {strides = array<i32>} : memref<640xf32, #tpu.memory_space<vmem>>, vector<16xf32>,
    %swap3A_33 = arith.constant 128 : index
    %swap3A_34 = tpu.vector_load %arg6[%swap3A_33] {strides = array<i32>} : memref<640xf32, #tpu.memory_space<vmem>>, vector<16xf32>,
    %swap3A_35 = vector.shape_cast %swap3A_34 : vector<16xf32> to vector<16xf32>
    %swap3A_36 = vector.shape_cast %broadcast_in_dim3A_1 : vector<16xf32> to vector<16xf32>
    tpu.vector_store %arg6[%swap3A_33], %swap3A_36 {strides = array<i32>} : memref<640xf32, #tpu.memory_space<vmem>>, vector<16xf32>,
    %swap3A_37 = arith.constant 144 : index
    %swap3A_38 = tpu.vector_load %arg6[%swap3A_37] {strides = array<i32>} : memref<640xf32, #tpu.memory_space<vmem>>, vector<16xf32>,
    %swap3A_39 = vector.shape_cast %swap3A_38 : vector<16xf32> to vector<16xf32>
    %swap3A_40 = vector.shape_cast %broadcast_in_dim3A_1 : vector<16xf32> to vector<16xf32>
    tpu.vector_store %arg6[%swap3A_37], %swap3A_40 {strides = array<i32>} : memref<640xf32, #tpu.memory_space<vmem>>, vector<16xf32>,
    %swap3A_41 = arith.constant 160 : index
    %swap3A_42 = tpu.vector_load %arg6[%swap3A_41] {strides = array<i32>} : memref<640xf32, #tpu.memory_space<vmem>>, vector<16xf32>,
    %swap3A_43 = vector.shape_cast %swap3A_42 : vector<16xf32> to vector<16xf32>
    %swap3A_44 = vector.shape_cast %broadcast_in_dim3A_1 : vector<16xf32> to vector<16xf32>
    tpu.vector_store %arg6[%swap3A_41], %swap3A_44 {strides = array<i32>} : memref<640xf32, #tpu.memory_space<vmem>>, vector<16xf32>,
    %swap3A_45 = arith.constant 176 : index
    %swap3A_46 = tpu.vector_load %arg6[%swap3A_45] {strides = array<i32>} : memref<640xf32, #tpu.memory_space<vmem>>, vector<16xf32>,
    %swap3A_47 = vector.shape_cast %swap3A_46 : vector<16xf32> to vector<16xf32>
    %swap3A_48 = vector.shape_cast %broadcast_in_dim3A_1 : vector<16xf32> to vector<16xf32>
    tpu.vector_store %arg6[%swap3A_45], %swap3A_48 {strides = array<i32>} : memref<640xf32, #tpu.memory_space<vmem>>, vector<16xf32>,
    %swap3A_49 = arith.constant 192 : index
    %swap3A_50 = tpu.vector_load %arg6[%swap3A_49] {strides = array<i32>} : memref<640xf32, #tpu.memory_space<vmem>>, vector<16xf32>,
    %swap3A_51 = vector.shape_cast %swap3A_50 : vector<16xf32> to vector<16xf32>
    %swap3A_52 = vector.shape_cast %broadcast_in_dim3A_1 : vector<16xf32> to vector<16xf32>
    tpu.vector_store %arg6[%swap3A_49], %swap3A_52 {strides = array<i32>} : memref<640xf32, #tpu.memory_space<vmem>>, vector<16xf32>,
    %swap3A_53 = arith.constant 208 : index
    %swap3A_54 = tpu.vector_load %arg6[%swap3A_53] {strides = array<i32>} : memref<640xf32, #tpu.memory_space<vmem>>, vector<16xf32>,
    %swap3A_55 = vector.shape_cast %swap3A_54 : vector<16xf32> to vector<16xf32>
    %swap3A_56 = vector.shape_cast %broadcast_in_dim3A_1 : vector<16xf32> to vector<16xf32>
    tpu.vector_store %arg6[%swap3A_53], %swap3A_56 {strides = array<i32>} : memref<640xf32, #tpu.memory_space<vmem>>, vector<16xf32>,
    %swap3A_57 = arith.constant 224 : index
    %swap3A_58 = tpu.vector_load %arg6[%swap3A_57] {strides = array<i32>} : memref<640xf32, #tpu.memory_space<vmem>>, vector<16xf32>,
    %swap3A_59 = vector.shape_cast %swap3A_58 : vector<16xf32> to vector<16xf32>
    %swap3A_60 = vector.shape_cast %broadcast_in_dim3A_1 : vector<16xf32> to vector<16xf32>
    tpu.vector_store %arg6[%swap3A_57], %swap3A_60 {strides = array<i32>} : memref<640xf32, #tpu.memory_space<vmem>>, vector<16xf32>,
    %swap3A_61 = arith.constant 240 : index
    %swap3A_62 = tpu.vector_load %arg6[%swap3A_61] {strides = array<i32>} : memref<640xf32, #tpu.memory_space<vmem>>, vector<16xf32>,
    %swap3A_63 = vector.shape_cast %swap3A_62 : vector<16xf32> to vector<16xf32>
    %swap3A_64 = vector.shape_cast %broadcast_in_dim3A_1 : vector<16xf32> to vector<16xf32>
    tpu.vector_store %arg6[%swap3A_61], %swap3A_64 {strides = array<i32>} : memref<640xf32, #tpu.memory_space<vmem>>, vector<16xf32>,
    %swap3A_65 = arith.constant 256 : index
    %swap3A_66 = tpu.vector_load %arg6[%swap3A_65] {strides = array<i32>} : memref<640xf32, #tpu.memory_space<vmem>>, vector<16xf32>,
    %swap3A_67 = vector.shape_cast %swap3A_66 : vector<16xf32> to vector<16xf32>
    %swap3A_68 = vector.shape_cast %broadcast_in_dim3A_1 : vector<16xf32> to vector<16xf32>
    tpu.vector_store %arg6[%swap3A_65], %swap3A_68 {strides = array<i32>} : memref<640xf32, #tpu.memory_space<vmem>>, vector<16xf32>,
    %swap3A_69 = arith.constant 272 : index
    %swap3A_70 = tpu.vector_load %arg6[%swap3A_69] {strides = array<i32>} : memref<640xf32, #tpu.memory_space<vmem>>, vector<16xf32>,
    %swap3A_71 = vector.shape_cast %swap3A_70 : vector<16xf32> to vector<16xf32>
    %swap3A_72 = vector.shape_cast %broadcast_in_dim3A_1 : vector<16xf32> to vector<16xf32>
    tpu.vector_store %arg6[%swap3A_69], %swap3A_72 {strides = array<i32>} : memref<640xf32, #tpu.memory_space<vmem>>, vector<16xf32>,
    %swap3A_73 = arith.constant 288 : index
    %swap3A_74 = tpu.vector_load %arg6[%swap3A_73] {strides = array<i32>} : memref<640xf32, #tpu.memory_space<vmem>>, vector<16xf32>,
    %swap3A_75 = vector.shape_cast %swap3A_74 : vector<16xf32> to vector<16xf32>
    %swap3A_76 = vector.shape_cast %broadcast_in_dim3A_1 : vector<16xf32> to vector<16xf32>
    tpu.vector_store %arg6[%swap3A_73], %swap3A_76 {strides = array<i32>} : memref<640xf32, #tpu.memory_space<vmem>>, vector<16xf32>,
    %swap3A_77 = arith.constant 304 : index
    %swap3A_78 = tpu.vector_load %arg6[%swap3A_77] {strides = array<i32>} : memref<640xf32, #tpu.memory_space<vmem>>, vector<16xf32>,
    %swap3A_79 = vector.shape_cast %swap3A_78 : vector<16xf32> to vector<16xf32>
    %swap3A_80 = vector.shape_cast %broadcast_in_dim3A_1 : vector<16xf32> to vector<16xf32>
    tpu.vector_store %arg6[%swap3A_77], %swap3A_80 {strides = array<i32>} : memref<640xf32, #tpu.memory_space<vmem>>, vector<16xf32>,
    %swap3A_81 = arith.constant 320 : index
    %swap3A_82 = tpu.vector_load %arg6[%swap3A_81] {strides = array<i32>} : memref<640xf32, #tpu.memory_space<vmem>>, vector<16xf32>,
    %swap3A_83 = vector.shape_cast %swap3A_82 : vector<16xf32> to vector<16xf32>
    %swap3A_84 = vector.shape_cast %broadcast_in_dim3A_1 : vector<16xf32> to vector<16xf32>
    tpu.vector_store %arg6[%swap3A_81], %swap3A_84 {strides = array<i32>} : memref<640xf32, #tpu.memory_space<vmem>>, vector<16xf32>,
    %swap3A_85 = arith.constant 336 : index
    %swap3A_86 = tpu.vector_load %arg6[%swap3A_85] {strides = array<i32>} : memref<640xf32, #tpu.memory_space<vmem>>, vector<16xf32>,
    %swap3A_87 = vector.shape_cast %swap3A_86 : vector<16xf32> to vector<16xf32>
    %swap3A_88 = vector.shape_cast %broadcast_in_dim3A_1 : vector<16xf32> to vector<16xf32>
    tpu.vector_store %arg6[%swap3A_85], %swap3A_88 {strides = array<i32>} : memref<640xf32, #tpu.memory_space<vmem>>, vector<16xf32>,
    %swap3A_89 = arith.constant 352 : index
    %swap3A_90 = tpu.vector_load %arg6[%swap3A_89] {strides = array<i32>} : memref<640xf32, #tpu.memory_space<vmem>>, vector<16xf32>,
    %swap3A_91 = vector.shape_cast %swap3A_90 : vector<16xf32> to vector<16xf32>
    %swap3A_92 = vector.shape_cast %broadcast_in_dim3A_1 : vector<16xf32> to vector<16xf32>
    tpu.vector_store %arg6[%swap3A_89], %swap3A_92 {strides = array<i32>} : memref<640xf32, #tpu.memory_space<vmem>>, vector<16xf32>,
    %swap3A_93 = arith.constant 368 : index
    %swap3A_94 = tpu.vector_load %arg6[%swap3A_93] {strides = array<i32>} : memref<640xf32, #tpu.memory_space<vmem>>, vector<16xf32>,
    %swap3A_95 = vector.shape_cast %swap3A_94 : vector<16xf32> to vector<16xf32>
    %swap3A_96 = vector.shape_cast %broadcast_in_dim3A_1 : vector<16xf32> to vector<16xf32>
    tpu.vector_store %arg6[%swap3A_93], %swap3A_96 {strides = array<i32>} : memref<640xf32, #tpu.memory_space<vmem>>, vector<16xf32>,
    %swap3A_97 = arith.constant 384 : index
    %swap3A_98 = tpu.vector_load %arg6[%swap3A_97] {strides = array<i32>} : memref<640xf32, #tpu.memory_space<vmem>>, vector<16xf32>,
    %swap3A_99 = vector.shape_cast %swap3A_98 : vector<16xf32> to vector<16xf32>
    %swap3A_100 = vector.shape_cast %broadcast_in_dim3A_1 : vector<16xf32> to vector<16xf32>
    tpu.vector_store %arg6[%swap3A_97], %swap3A_100 {strides = array<i32>} : memref<640xf32, #tpu.memory_space<vmem>>, vector<16xf32>,
    %swap3A_101 = arith.constant 400 : index
    %swap3A_102 = tpu.vector_load %arg6[%swap3A_101] {strides = array<i32>} : memref<640xf32, #tpu.memory_space<vmem>>, vector<16xf32>,
    %swap3A_103 = vector.shape_cast %swap3A_102 : vector<16xf32> to vector<16xf32>
    %swap3A_104 = vector.shape_cast %broadcast_in_dim3A_1 : vector<16xf32> to vector<16xf32>
    tpu.vector_store %arg6[%swap3A_101], %swap3A_104 {strides = array<i32>} : memref<640xf32, #tpu.memory_space<vmem>>, vector<16xf32>,
    %swap3A_105 = arith.constant 416 : index
    %swap3A_106 = tpu.vector_load %arg6[%swap3A_105] {strides = array<i32>} : memref<640xf32, #tpu.memory_space<vmem>>, vector<16xf32>,
    %swap3A_107 = vector.shape_cast %swap3A_106 : vector<16xf32> to vector<16xf32>
    %swap3A_108 = vector.shape_cast %broadcast_in_dim3A_1 : vector<16xf32> to vector<16xf32>
    tpu.vector_store %arg6[%swap3A_105], %swap3A_108 {strides = array<i32>} : memref<640xf32, #tpu.memory_space<vmem>>, vector<16xf32>,
    %swap3A_109 = arith.constant 432 : index
    %swap3A_110 = tpu.vector_load %arg6[%swap3A_109] {strides = array<i32>} : memref<640xf32, #tpu.memory_space<vmem>>, vector<16xf32>,
    %swap3A_111 = vector.shape_cast %swap3A_110 : vector<16xf32> to vector<16xf32>
    %swap3A_112 = vector.shape_cast %broadcast_in_dim3A_1 : vector<16xf32> to vector<16xf32>
    tpu.vector_store %arg6[%swap3A_109], %swap3A_112 {strides = array<i32>} : memref<640xf32, #tpu.memory_space<vmem>>, vector<16xf32>,
    %swap3A_113 = arith.constant 448 : index
    %swap3A_114 = tpu.vector_load %arg6[%swap3A_113] {strides = array<i32>} : memref<640xf32, #tpu.memory_space<vmem>>, vector<16xf32>,
    %swap3A_115 = vector.shape_cast %swap3A_114 : vector<16xf32> to vector<16xf32>
    %swap3A_116 = vector.shape_cast %broadcast_in_dim3A_1 : vector<16xf32> to vector<16xf32>
    tpu.vector_store %arg6[%swap3A_113], %swap3A_116 {strides = array<i32>} : memref<640xf32, #tpu.memory_space<vmem>>, vector<16xf32>,
    %swap3A_117 = arith.constant 464 : index
    %swap3A_118 = tpu.vector_load %arg6[%swap3A_117] {strides = array<i32>} : memref<640xf32, #tpu.memory_space<vmem>>, vector<16xf32>,
    %swap3A_119 = vector.shape_cast %swap3A_118 : vector<16xf32> to vector<16xf32>
    %swap3A_120 = vector.shape_cast %broadcast_in_dim3A_1 : vector<16xf32> to vector<16xf32>
    tpu.vector_store %arg6[%swap3A_117], %swap3A_120 {strides = array<i32>} : memref<640xf32, #tpu.memory_space<vmem>>, vector<16xf32>,
    %swap3A_121 = arith.constant 480 : index
    %swap3A_122 = tpu.vector_load %arg6[%swap3A_121] {strides = array<i32>} : memref<640xf32, #tpu.memory_space<vmem>>, vector<16xf32>,
    %swap3A_123 = vector.shape_cast %swap3A_122 : vector<16xf32> to vector<16xf32>
    %swap3A_124 = vector.shape_cast %broadcast_in_dim3A_1 : vector<16xf32> to vector<16xf32>
    tpu.vector_store %arg6[%swap3A_121], %swap3A_124 {strides = array<i32>} : memref<640xf32, #tpu.memory_space<vmem>>, vector<16xf32>,
    %swap3A_125 = arith.constant 496 : index
    %swap3A_126 = tpu.vector_load %arg6[%swap3A_125] {strides = array<i32>} : memref<640xf32, #tpu.memory_space<vmem>>, vector<16xf32>,
    %swap3A_127 = vector.shape_cast %swap3A_126 : vector<16xf32> to vector<16xf32>
    %swap3A_128 = vector.shape_cast %broadcast_in_dim3A_1 : vector<16xf32> to vector<16xf32>
    tpu.vector_store %arg6[%swap3A_125], %swap3A_128 {strides = array<i32>} : memref<640xf32, #tpu.memory_space<vmem>>, vector<16xf32>,
    %swap3A_129 = arith.constant 512 : index
    %swap3A_130 = tpu.vector_load %arg6[%swap3A_129] {strides = array<i32>} : memref<640xf32, #tpu.memory_space<vmem>>, vector<16xf32>,
    %swap3A_131 = vector.shape_cast %swap3A_130 : vector<16xf32> to vector<16xf32>
    %swap3A_132 = vector.shape_cast %broadcast_in_dim3A_1 : vector<16xf32> to vector<16xf32>
    tpu.vector_store %arg6[%swap3A_129], %swap3A_132 {strides = array<i32>} : memref<640xf32, #tpu.memory_space<vmem>>, vector<16xf32>,
    %swap3A_133 = arith.constant 528 : index
    %swap3A_134 = tpu.vector_load %arg6[%swap3A_133] {strides = array<i32>} : memref<640xf32, #tpu.memory_space<vmem>>, vector<16xf32>,
    %swap3A_135 = vector.shape_cast %swap3A_134 : vector<16xf32> to vector<16xf32>
    %swap3A_136 = vector.shape_cast %broadcast_in_dim3A_1 : vector<16xf32> to vector<16xf32>
    tpu.vector_store %arg6[%swap3A_133], %swap3A_136 {strides = array<i32>} : memref<640xf32, #tpu.memory_space<vmem>>, vector<16xf32>,
    %swap3A_137 = arith.constant 544 : index
    %swap3A_138 = tpu.vector_load %arg6[%swap3A_137] {strides = array<i32>} : memref<640xf32, #tpu.memory_space<vmem>>, vector<16xf32>,
    %swap3A_139 = vector.shape_cast %swap3A_138 : vector<16xf32> to vector<16xf32>
    %swap3A_140 = vector.shape_cast %broadcast_in_dim3A_1 : vector<16xf32> to vector<16xf32>
    tpu.vector_store %arg6[%swap3A_137], %swap3A_140 {strides = array<i32>} : memref<640xf32, #tpu.memory_space<vmem>>, vector<16xf32>,
    %swap3A_141 = arith.constant 560 : index
    %swap3A_142 = tpu.vector_load %arg6[%swap3A_141] {strides = array<i32>} : memref<640xf32, #tpu.memory_space<vmem>>, vector<16xf32>,
    %swap3A_143 = vector.shape_cast %swap3A_142 : vector<16xf32> to vector<16xf32>
    %swap3A_144 = vector.shape_cast %broadcast_in_dim3A_1 : vector<16xf32> to vector<16xf32>
    tpu.vector_store %arg6[%swap3A_141], %swap3A_144 {strides = array<i32>} : memref<640xf32, #tpu.memory_space<vmem>>, vector<16xf32>,
    %swap3A_145 = arith.constant 576 : index
    %swap3A_146 = tpu.vector_load %arg6[%swap3A_145] {strides = array<i32>} : memref<640xf32, #tpu.memory_space<vmem>>, vector<16xf32>,
    %swap3A_147 = vector.shape_cast %swap3A_146 : vector<16xf32> to vector<16xf32>
    %swap3A_148 = vector.shape_cast %broadcast_in_dim3A_1 : vector<16xf32> to vector<16xf32>
    tpu.vector_store %arg6[%swap3A_145], %swap3A_148 {strides = array<i32>} : memref<640xf32, #tpu.memory_space<vmem>>, vector<16xf32>,
    %swap3A_149 = arith.constant 592 : index
    %swap3A_150 = tpu.vector_load %arg6[%swap3A_149] {strides = array<i32>} : memref<640xf32, #tpu.memory_space<vmem>>, vector<16xf32>,
    %swap3A_151 = vector.shape_cast %swap3A_150 : vector<16xf32> to vector<16xf32>
    %swap3A_152 = vector.shape_cast %broadcast_in_dim3A_1 : vector<16xf32> to vector<16xf32>
    tpu.vector_store %arg6[%swap3A_149], %swap3A_152 {strides = array<i32>} : memref<640xf32, #tpu.memory_space<vmem>>, vector<16xf32>,
    %swap3A_153 = arith.constant 608 : index
    %swap3A_154 = tpu.vector_load %arg6[%swap3A_153] {strides = array<i32>} : memref<640xf32, #tpu.memory_space<vmem>>, vector<16xf32>,
    %swap3A_155 = vector.shape_cast %swap3A_154 : vector<16xf32> to vector<16xf32>
    %swap3A_156 = vector.shape_cast %broadcast_in_dim3A_1 : vector<16xf32> to vector<16xf32>
    tpu.vector_store %arg6[%swap3A_153], %swap3A_156 {strides = array<i32>} : memref<640xf32, #tpu.memory_space<vmem>>, vector<16xf32>,
    %swap3A_157 = arith.constant 624 : index
    %swap3A_158 = tpu.vector_load %arg6[%swap3A_157] {strides = array<i32>} : memref<640xf32, #tpu.memory_space<vmem>>, vector<16xf32>,
    %swap3A_159 = vector.shape_cast %swap3A_158 : vector<16xf32> to vector<16xf32>
    %swap3A_160 = vector.shape_cast %broadcast_in_dim3A_1 : vector<16xf32> to vector<16xf32>
    tpu.vector_store %arg6[%swap3A_157], %swap3A_160 {strides = array<i32>} : memref<640xf32, #tpu.memory_space<vmem>>, vector<16xf32>,
    %broadcast_in_dim3A_161 = arith.constant 1.000000e+00 : f32
    %broadcast_in_dim3A_162 = vector.broadcast %broadcast_in_dim3A_161 : f32 to vector<16xf32>
    %swap3A_163 = arith.constant 0 : index
    %swap3A_164 = tpu.vector_load %arg5[%swap3A_163] {strides = array<i32>} : memref<128xf32, #tpu.memory_space<vmem>>, vector<16xf32>,
    %swap3A_165 = vector.shape_cast %swap3A_164 : vector<16xf32> to vector<16xf32>
    %swap3A_166 = vector.shape_cast %broadcast_in_dim3A_162 : vector<16xf32> to vector<16xf32>
    tpu.vector_store %arg5[%swap3A_163], %swap3A_166 {strides = array<i32>} : memref<128xf32, #tpu.memory_space<vmem>>, vector<16xf32>,
    %swap3A_167 = arith.constant 16 : index
    %swap3A_168 = tpu.vector_load %arg5[%swap3A_167] {strides = array<i32>} : memref<128xf32, #tpu.memory_space<vmem>>, vector<16xf32>,
    %swap3A_169 = vector.shape_cast %swap3A_168 : vector<16xf32> to vector<16xf32>
    %swap3A_170 = vector.shape_cast %broadcast_in_dim3A_162 : vector<16xf32> to vector<16xf32>
    tpu.vector_store %arg5[%swap3A_167], %swap3A_170 {strides = array<i32>} : memref<128xf32, #tpu.memory_space<vmem>>, vector<16xf32>,
    %swap3A_171 = arith.constant 32 : index
    %swap3A_172 = tpu.vector_load %arg5[%swap3A_171] {strides = array<i32>} : memref<128xf32, #tpu.memory_space<vmem>>, vector<16xf32>,
    %swap3A_173 = vector.shape_cast %swap3A_172 : vector<16xf32> to vector<16xf32>
    %swap3A_174 = vector.shape_cast %broadcast_in_dim3A_162 : vector<16xf32> to vector<16xf32>
    tpu.vector_store %arg5[%swap3A_171], %swap3A_174 {strides = array<i32>} : memref<128xf32, #tpu.memory_space<vmem>>, vector<16xf32>,
    %swap3A_175 = arith.constant 48 : index
    %swap3A_176 = tpu.vector_load %arg5[%swap3A_175] {strides = array<i32>} : memref<128xf32, #tpu.memory_space<vmem>>, vector<16xf32>,
    %swap3A_177 = vector.shape_cast %swap3A_176 : vector<16xf32> to vector<16xf32>
    %swap3A_178 = vector.shape_cast %broadcast_in_dim3A_162 : vector<16xf32> to vector<16xf32>
    tpu.vector_store %arg5[%swap3A_175], %swap3A_178 {strides = array<i32>} : memref<128xf32, #tpu.memory_space<vmem>>, vector<16xf32>,
    %swap3A_179 = arith.constant 64 : index
    %swap3A_180 = tpu.vector_load %arg5[%swap3A_179] {strides = array<i32>} : memref<128xf32, #tpu.memory_space<vmem>>, vector<16xf32>,
    %swap3A_181 = vector.shape_cast %swap3A_180 : vector<16xf32> to vector<16xf32>
    %swap3A_182 = vector.shape_cast %broadcast_in_dim3A_162 : vector<16xf32> to vector<16xf32>
    tpu.vector_store %arg5[%swap3A_179], %swap3A_182 {strides = array<i32>} : memref<128xf32, #tpu.memory_space<vmem>>, vector<16xf32>,
    %swap3A_183 = arith.constant 80 : index
    %swap3A_184 = tpu.vector_load %arg5[%swap3A_183] {strides = array<i32>} : memref<128xf32, #tpu.memory_space<vmem>>, vector<16xf32>,
    %swap3A_185 = vector.shape_cast %swap3A_184 : vector<16xf32> to vector<16xf32>
    %swap3A_186 = vector.shape_cast %broadcast_in_dim3A_162 : vector<16xf32> to vector<16xf32>
    tpu.vector_store %arg5[%swap3A_183], %swap3A_186 {strides = array<i32>} : memref<128xf32, #tpu.memory_space<vmem>>, vector<16xf32>,
    %swap3A_187 = arith.constant 96 : index
    %swap3A_188 = tpu.vector_load %arg5[%swap3A_187] {strides = array<i32>} : memref<128xf32, #tpu.memory_space<vmem>>, vector<16xf32>,
    %swap3A_189 = vector.shape_cast %swap3A_188 : vector<16xf32> to vector<16xf32>
    %swap3A_190 = vector.shape_cast %broadcast_in_dim3A_162 : vector<16xf32> to vector<16xf32>
    tpu.vector_store %arg5[%swap3A_187], %swap3A_190 {strides = array<i32>} : memref<128xf32, #tpu.memory_space<vmem>>, vector<16xf32>,
    %swap3A_191 = arith.constant 112 : index
    %swap3A_192 = tpu.vector_load %arg5[%swap3A_191] {strides = array<i32>} : memref<128xf32, #tpu.memory_space<vmem>>, vector<16xf32>,
    %swap3A_193 = vector.shape_cast %swap3A_192 : vector<16xf32> to vector<16xf32>
    %swap3A_194 = vector.shape_cast %broadcast_in_dim3A_162 : vector<16xf32> to vector<16xf32>
    tpu.vector_store %arg5[%swap3A_191], %swap3A_194 {strides = array<i32>} : memref<128xf32, #tpu.memory_space<vmem>>, vector<16xf32>,
    %mul3A_195 = arith.constant 640 : i32
    %mul3A_196 = arith.muli %arg1, %mul3A_195 : i32
    "tpu.region"() ({
      %run_scoped3A = tpu.sem_alloc : memref<!tpu.dma_semaphore, #tpu.memory_space<semaphore_mem>>
      %dma_start3A = tpu.memref_slice %arg7[%mul3A_196] : memref<10240xf32, #tpu.memory_space<vmem_shared>> -> memref<640xf32, #tpu.memory_space<vmem_shared>>
      %dma_start3A_206 = tpu.memref_slice %arg7[%mul3A_196] : memref<10240xf32, #tpu.memory_space<vmem_shared>> -> memref<640xf32, #tpu.memory_space<vmem_shared>>
      tpu.enqueue_dma source(%arg6 : memref<640xf32, #tpu.memory_space<vmem>>) target(%dma_start3A_206 : memref<640xf32, #tpu.memory_space<vmem_shared>>) target_semaphore(%run_scoped3A : memref<!tpu.dma_semaphore, #tpu.memory_space<semaphore_mem>>)
      %dma_wait3A = tpu.memref_slice %arg7[%mul3A_196] : memref<10240xf32, #tpu.memory_space<vmem_shared>> -> memref<640xf32, #tpu.memory_space<vmem_shared>>
      %dma_wait3A_207 = tpu.memref_slice %arg7[%mul3A_196] : memref<10240xf32, #tpu.memory_space<vmem_shared>> -> memref<640xf32, #tpu.memory_space<vmem_shared>>
      tpu.wait_dma2 semaphore(%run_scoped3A : memref<!tpu.dma_semaphore, #tpu.memory_space<semaphore_mem>>) src(%arg6 : memref<640xf32, #tpu.memory_space<vmem>>) dst(%dma_wait3A_207 : memref<640xf32, #tpu.memory_space<vmem_shared>>)
      tpu.yield
    }) : () -> ()
    "tpu.region"() ({
      %run_scoped3A = tpu.sem_alloc : memref<!tpu.dma_semaphore, #tpu.memory_space<semaphore_mem>>
      %dma_start3A = arith.constant 0 : i32
      %dma_start3A_206 = arith.constant 0 : i32
      %dma_start3A_207 = tpu.memref_slice %arg2[%add3A, %dma_start3A, %dma_start3A_206] : memref<32x80x128xi32, #tpu.memory_space<hbm>> -> memref<1x80x128xi32, #tpu.memory_space<hbm>>
      %dma_start3A_208 = tpu.memref_squeeze %dma_start3A_207 : memref<1x80x128xi32, #tpu.memory_space<hbm>> -> memref<80x128xi32, #tpu.memory_space<hbm>>
      %dma_start3A_209 = arith.constant 0 : i32
      %dma_start3A_210 = arith.constant 0 : i32
      %dma_start3A_211 = tpu.memref_slice %arg2[%add3A, %dma_start3A_209, %dma_start3A_210] : memref<32x80x128xi32, #tpu.memory_space<hbm>> -> memref<1x80x128xi32, #tpu.memory_space<hbm>>
      %dma_start3A_212 = tpu.memref_squeeze %dma_start3A_211 : memref<1x80x128xi32, #tpu.memory_space<hbm>> -> memref<80x128xi32, #tpu.memory_space<hbm>>
      tpu.enqueue_dma source(%dma_start3A_212 : memref<80x128xi32, #tpu.memory_space<hbm>>) target(%arg4 : memref<80x128xi32, #tpu.memory_space<vmem>>) target_semaphore(%run_scoped3A : memref<!tpu.dma_semaphore, #tpu.memory_space<semaphore_mem>>)
      %dma_wait3A = arith.constant 0 : i32
      %dma_wait3A_213 = arith.constant 0 : i32
      %dma_wait3A_214 = tpu.memref_slice %arg2[%add3A, %dma_wait3A, %dma_wait3A_213] : memref<32x80x128xi32, #tpu.memory_space<hbm>> -> memref<1x80x128xi32, #tpu.memory_space<hbm>>
      %dma_wait3A_215 = tpu.memref_squeeze %dma_wait3A_214 : memref<1x80x128xi32, #tpu.memory_space<hbm>> -> memref<80x128xi32, #tpu.memory_space<hbm>>
      %dma_wait3A_216 = arith.constant 0 : i32
      %dma_wait3A_217 = arith.constant 0 : i32
      %dma_wait3A_218 = tpu.memref_slice %arg2[%add3A, %dma_wait3A_216, %dma_wait3A_217] : memref<32x80x128xi32, #tpu.memory_space<hbm>> -> memref<1x80x128xi32, #tpu.memory_space<hbm>>
      %dma_wait3A_219 = tpu.memref_squeeze %dma_wait3A_218 : memref<1x80x128xi32, #tpu.memory_space<hbm>> -> memref<80x128xi32, #tpu.memory_space<hbm>>
      tpu.wait_dma2 semaphore(%run_scoped3A : memref<!tpu.dma_semaphore, #tpu.memory_space<semaphore_mem>>) src(%dma_wait3A_219 : memref<80x128xi32, #tpu.memory_space<hbm>>) dst(%arg4 : memref<80x128xi32, #tpu.memory_space<vmem>>)
      tpu.yield
    }) : () -> ()
    %barrier3A = arith.constant 0 : index
    tpu.barrier barrier_id(%barrier3A)
    %scan3A = arith.constant 0 : i32
    %scan3A_197 = arith.constant 80 : i32
    %scan3A_198 = arith.addi %scan3A, %scan3A_197 : i32
    %scan3A_199 = arith.constant 1 : i32
    scf.for %scan3A_206 = %scan3A to %scan3A_198 step %scan3A_199  : i32 {
      %mul3A_207 = arith.constant 1 : i32
      %mul3A_208 = arith.muli %scan3A_206, %mul3A_207 : i32
      %add3A_209 = arith.constant 0 : i32
      %add3A_210 = arith.addi %add3A_209, %mul3A_208 : i32
      "tpu.region"() ({
        %run_scoped3A = tpu.sem_alloc : memref<!tpu.dma_semaphore, #tpu.memory_space<semaphore_mem>>
        %dma_start3A = arith.constant 0 : i32
        %dma_start3A_211 = tpu.memref_slice %arg4[%add3A_210, %dma_start3A] : memref<80x128xi32, #tpu.memory_space<vmem>> -> memref<1x128xi32, #tpu.memory_space<vmem>>
        %dma_start3A_212 = tpu.memref_squeeze %dma_start3A_211 : memref<1x128xi32, #tpu.memory_space<vmem>> -> memref<128xi32, #tpu.memory_space<vmem>>
        %dma_start3A_213 = arith.constant 0 : i32
        %dma_start3A_214 = tpu.memref_slice %arg7[%dma_start3A_213] : memref<10240xf32, #tpu.memory_space<vmem_shared>> -> memref<10240xf32, #tpu.memory_space<vmem_shared>>
        tpu.enqueue_indirect_dma source(%arg5 : memref<128xf32, #tpu.memory_space<vmem>>) target(%dma_start3A_214 : memref<10240xf32, #tpu.memory_space<vmem_shared>>) offsets(%dma_start3A_212 : memref<128xi32, #tpu.memory_space<vmem>>) semaphore(%run_scoped3A : memref<!tpu.dma_semaphore, #tpu.memory_space<semaphore_mem>>) {add = true}
        %dma_wait3A = arith.constant 0 : i32
        %dma_wait3A_215 = tpu.memref_slice %arg4[%add3A_210, %dma_wait3A] : memref<80x128xi32, #tpu.memory_space<vmem>> -> memref<1x128xi32, #tpu.memory_space<vmem>>
        %dma_wait3A_216 = tpu.memref_squeeze %dma_wait3A_215 : memref<1x128xi32, #tpu.memory_space<vmem>> -> memref<128xi32, #tpu.memory_space<vmem>>
        %dma_wait3A_217 = arith.constant 0 : i32
        %dma_wait3A_218 = tpu.memref_slice %arg7[%dma_wait3A_217] : memref<10240xf32, #tpu.memory_space<vmem_shared>> -> memref<10240xf32, #tpu.memory_space<vmem_shared>>
        tpu.wait_indirect_dma semaphore(%run_scoped3A : memref<!tpu.dma_semaphore, #tpu.memory_space<semaphore_mem>>) src(%arg5 : memref<128xf32, #tpu.memory_space<vmem>>) dst(%dma_wait3A_218 : memref<10240xf32, #tpu.memory_space<vmem_shared>>)
        tpu.yield
      }) : () -> ()
    }
    %scan3A_200 = arith.constant 80 : i32
    %barrier3A_201 = arith.constant 0 : index
    tpu.barrier barrier_id(%barrier3A_201)
    %mul3A_202 = arith.constant 640 : i32
    %mul3A_203 = arith.muli %arg1, %mul3A_202 : i32
    %mul3A_204 = arith.constant 640 : i32
    %mul3A_205 = arith.muli %arg1, %mul3A_204 : i32
    "tpu.region"() ({
      %run_scoped3A = tpu.sem_alloc : memref<!tpu.dma_semaphore, #tpu.memory_space<semaphore_mem>>
      %dma_start3A = tpu.memref_slice %arg3[%arg0, %mul3A_205] : memref<2x10240xf32, #tpu.memory_space<hbm>> -> memref<1x640xf32, #tpu.memory_space<hbm>>
      %dma_start3A_206 = tpu.memref_squeeze %dma_start3A : memref<1x640xf32, #tpu.memory_space<hbm>> -> memref<640xf32, #tpu.memory_space<hbm>>
      %dma_start3A_207 = tpu.memref_slice %arg7[%mul3A_203] : memref<10240xf32, #tpu.memory_space<vmem_shared>> -> memref<640xf32, #tpu.memory_space<vmem_shared>>
      tpu.enqueue_dma source(%dma_start3A_207 : memref<640xf32, #tpu.memory_space<vmem_shared>>) target(%dma_start3A_206 : memref<640xf32, #tpu.memory_space<hbm>>) target_semaphore(%run_scoped3A : memref<!tpu.dma_semaphore, #tpu.memory_space<semaphore_mem>>)
      %dma_wait3A = tpu.memref_slice %arg3[%arg0, %mul3A_205] : memref<2x10240xf32, #tpu.memory_space<hbm>> -> memref<1x640xf32, #tpu.memory_space<hbm>>
      %dma_wait3A_208 = tpu.memref_squeeze %dma_wait3A : memref<1x640xf32, #tpu.memory_space<hbm>> -> memref<640xf32, #tpu.memory_space<hbm>>
      %dma_wait3A_209 = tpu.memref_slice %arg7[%mul3A_203] : memref<10240xf32, #tpu.memory_space<vmem_shared>> -> memref<640xf32, #tpu.memory_space<vmem_shared>>
      tpu.wait_dma2 semaphore(%run_scoped3A : memref<!tpu.dma_semaphore, #tpu.memory_space<semaphore_mem>>) src(%dma_wait3A_209 : memref<640xf32, #tpu.memory_space<vmem_shared>>) dst(%dma_wait3A_208 : memref<640xf32, #tpu.memory_space<hbm>>)
      tpu.yield
    }) : () -> ()
    return
  }
}

#map = affine_map<(d0, d1) -> (0, 0)>
#map1 = affine_map<(d0, d1) -> (0, 0, 0)>
module attributes {stable_mosaic.version = 14 : i64} {
  func.func @_agg_kernel(%arg0: i32, %arg1: i32, %arg2: memref<10000x128xf32, #tpu.memory_space<hbm>>, %arg3: memref<32x80x128xi32, #tpu.memory_space<hbm>>, %arg4: memref<32x80x128xi32, #tpu.memory_space<hbm>>, %arg5: memref<10240x128xf32, #tpu.memory_space<hbm>>, %arg6: memref<2x10240x128xf32, #tpu.memory_space<hbm>>, %arg7: memref<40x128xi32, #tpu.memory_space<vmem>>, %arg8: memref<40x128xi32, #tpu.memory_space<vmem>>, %arg9: memref<2x128x128xf32, #tpu.memory_space<vmem>>, %arg10: memref<10240x128xf32, #tpu.memory_space<vmem_shared>>, %arg11: memref<2x!tpu.dma_semaphore, #tpu.memory_space<semaphore_mem>>) attributes {dimension_semantics = [#tpu.dimension_semantics<core_parallel>, #tpu.dimension_semantics<subcore_parallel>], iteration_bounds = array<i64: 2, 16>, scalar_prefetch = 0 : i64, scratch_operands = 5 : i64, tpu.core_type = #tpu.core_type<sc_vector_subcore>, window_params = [{transform_indices = #map}, {transform_indices = #map1}, {transform_indices = #map1}, {transform_indices = #map}, {transform_indices = #map1}]} {
    %mul3A = arith.constant 2 : i32
    %mul3A_0 = arith.muli %arg1, %mul3A : i32
    %add3A = arith.addi %mul3A_0, %arg0 : i32
    %mul3A_1 = arith.constant 640 : i32
    %mul3A_2 = arith.muli %arg1, %mul3A_1 : i32
    %mul3A_3 = arith.constant 640 : i32
    %mul3A_4 = arith.muli %arg1, %mul3A_3 : i32
    "tpu.region"() ({
      %run_scoped3A = tpu.sem_alloc : memref<!tpu.dma_semaphore, #tpu.memory_space<semaphore_mem>>
      %dma_start3A_78 = arith.constant 0 : i32
      %dma_start3A_79 = tpu.memref_slice %arg10[%mul3A_4, %dma_start3A_78] : memref<10240x128xf32, #tpu.memory_space<vmem_shared>> -> memref<640x128xf32, #tpu.memory_space<vmem_shared>>
      %dma_start3A_80 = arith.constant 0 : i32
      %dma_start3A_81 = tpu.memref_slice %arg5[%mul3A_2, %dma_start3A_80] : memref<10240x128xf32, #tpu.memory_space<hbm>> -> memref<640x128xf32, #tpu.memory_space<hbm>>
      tpu.enqueue_dma source(%dma_start3A_81 : memref<640x128xf32, #tpu.memory_space<hbm>>) target(%dma_start3A_79 : memref<640x128xf32, #tpu.memory_space<vmem_shared>>) target_semaphore(%run_scoped3A : memref<!tpu.dma_semaphore, #tpu.memory_space<semaphore_mem>>)
      %dma_wait3A = arith.constant 0 : i32
      %dma_wait3A_82 = tpu.memref_slice %arg10[%mul3A_4, %dma_wait3A] : memref<10240x128xf32, #tpu.memory_space<vmem_shared>> -> memref<640x128xf32, #tpu.memory_space<vmem_shared>>
      %dma_wait3A_83 = arith.constant 0 : i32
      %dma_wait3A_84 = tpu.memref_slice %arg5[%mul3A_2, %dma_wait3A_83] : memref<10240x128xf32, #tpu.memory_space<hbm>> -> memref<640x128xf32, #tpu.memory_space<hbm>>
      tpu.wait_dma2 semaphore(%run_scoped3A : memref<!tpu.dma_semaphore, #tpu.memory_space<semaphore_mem>>) src(%dma_wait3A_84 : memref<640x128xf32, #tpu.memory_space<hbm>>) dst(%dma_wait3A_82 : memref<640x128xf32, #tpu.memory_space<vmem_shared>>)
      tpu.yield
    }) : () -> ()
    %barrier3A = arith.constant 0 : index
    tpu.barrier barrier_id(%barrier3A)
    "tpu.region"() ({
      %run_scoped3A = tpu.sem_alloc : memref<!tpu.dma_semaphore, #tpu.memory_space<semaphore_mem>>
      %dma_start3A_78 = arith.constant 0 : i32
      %dma_start3A_79 = arith.constant 0 : i32
      %dma_start3A_80 = tpu.memref_slice %arg3[%add3A, %dma_start3A_78, %dma_start3A_79] : memref<32x80x128xi32, #tpu.memory_space<hbm>> -> memref<1x40x128xi32, #tpu.memory_space<hbm>>
      %dma_start3A_81 = tpu.memref_squeeze %dma_start3A_80 : memref<1x40x128xi32, #tpu.memory_space<hbm>> -> memref<40x128xi32, #tpu.memory_space<hbm>>
      %dma_start3A_82 = arith.constant 0 : i32
      %dma_start3A_83 = arith.constant 0 : i32
      %dma_start3A_84 = tpu.memref_slice %arg3[%add3A, %dma_start3A_82, %dma_start3A_83] : memref<32x80x128xi32, #tpu.memory_space<hbm>> -> memref<1x40x128xi32, #tpu.memory_space<hbm>>
      %dma_start3A_85 = tpu.memref_squeeze %dma_start3A_84 : memref<1x40x128xi32, #tpu.memory_space<hbm>> -> memref<40x128xi32, #tpu.memory_space<hbm>>
      tpu.enqueue_dma source(%dma_start3A_85 : memref<40x128xi32, #tpu.memory_space<hbm>>) target(%arg7 : memref<40x128xi32, #tpu.memory_space<vmem>>) target_semaphore(%run_scoped3A : memref<!tpu.dma_semaphore, #tpu.memory_space<semaphore_mem>>)
      %dma_wait3A = arith.constant 0 : i32
      %dma_wait3A_86 = arith.constant 0 : i32
      %dma_wait3A_87 = tpu.memref_slice %arg3[%add3A, %dma_wait3A, %dma_wait3A_86] : memref<32x80x128xi32, #tpu.memory_space<hbm>> -> memref<1x40x128xi32, #tpu.memory_space<hbm>>
      %dma_wait3A_88 = tpu.memref_squeeze %dma_wait3A_87 : memref<1x40x128xi32, #tpu.memory_space<hbm>> -> memref<40x128xi32, #tpu.memory_space<hbm>>
      %dma_wait3A_89 = arith.constant 0 : i32
      %dma_wait3A_90 = arith.constant 0 : i32
      %dma_wait3A_91 = tpu.memref_slice %arg3[%add3A, %dma_wait3A_89, %dma_wait3A_90] : memref<32x80x128xi32, #tpu.memory_space<hbm>> -> memref<1x40x128xi32, #tpu.memory_space<hbm>>
      %dma_wait3A_92 = tpu.memref_squeeze %dma_wait3A_91 : memref<1x40x128xi32, #tpu.memory_space<hbm>> -> memref<40x128xi32, #tpu.memory_space<hbm>>
      tpu.wait_dma2 semaphore(%run_scoped3A : memref<!tpu.dma_semaphore, #tpu.memory_space<semaphore_mem>>) src(%dma_wait3A_92 : memref<40x128xi32, #tpu.memory_space<hbm>>) dst(%arg7 : memref<40x128xi32, #tpu.memory_space<vmem>>)
      tpu.yield
    }) : () -> ()
    "tpu.region"() ({
      %run_scoped3A = tpu.sem_alloc : memref<!tpu.dma_semaphore, #tpu.memory_space<semaphore_mem>>
      %dma_start3A_78 = arith.constant 0 : i32
      %dma_start3A_79 = arith.constant 0 : i32
      %dma_start3A_80 = tpu.memref_slice %arg4[%add3A, %dma_start3A_78, %dma_start3A_79] : memref<32x80x128xi32, #tpu.memory_space<hbm>> -> memref<1x40x128xi32, #tpu.memory_space<hbm>>
      %dma_start3A_81 = tpu.memref_squeeze %dma_start3A_80 : memref<1x40x128xi32, #tpu.memory_space<hbm>> -> memref<40x128xi32, #tpu.memory_space<hbm>>
      %dma_start3A_82 = arith.constant 0 : i32
      %dma_start3A_83 = arith.constant 0 : i32
      %dma_start3A_84 = tpu.memref_slice %arg4[%add3A, %dma_start3A_82, %dma_start3A_83] : memref<32x80x128xi32, #tpu.memory_space<hbm>> -> memref<1x40x128xi32, #tpu.memory_space<hbm>>
      %dma_start3A_85 = tpu.memref_squeeze %dma_start3A_84 : memref<1x40x128xi32, #tpu.memory_space<hbm>> -> memref<40x128xi32, #tpu.memory_space<hbm>>
      tpu.enqueue_dma source(%dma_start3A_85 : memref<40x128xi32, #tpu.memory_space<hbm>>) target(%arg8 : memref<40x128xi32, #tpu.memory_space<vmem>>) target_semaphore(%run_scoped3A : memref<!tpu.dma_semaphore, #tpu.memory_space<semaphore_mem>>)
      %dma_wait3A = arith.constant 0 : i32
      %dma_wait3A_86 = arith.constant 0 : i32
      %dma_wait3A_87 = tpu.memref_slice %arg4[%add3A, %dma_wait3A, %dma_wait3A_86] : memref<32x80x128xi32, #tpu.memory_space<hbm>> -> memref<1x40x128xi32, #tpu.memory_space<hbm>>
      %dma_wait3A_88 = tpu.memref_squeeze %dma_wait3A_87 : memref<1x40x128xi32, #tpu.memory_space<hbm>> -> memref<40x128xi32, #tpu.memory_space<hbm>>
      %dma_wait3A_89 = arith.constant 0 : i32
      %dma_wait3A_90 = arith.constant 0 : i32
      %dma_wait3A_91 = tpu.memref_slice %arg4[%add3A, %dma_wait3A_89, %dma_wait3A_90] : memref<32x80x128xi32, #tpu.memory_space<hbm>> -> memref<1x40x128xi32, #tpu.memory_space<hbm>>
      %dma_wait3A_92 = tpu.memref_squeeze %dma_wait3A_91 : memref<1x40x128xi32, #tpu.memory_space<hbm>> -> memref<40x128xi32, #tpu.memory_space<hbm>>
      tpu.wait_dma2 semaphore(%run_scoped3A : memref<!tpu.dma_semaphore, #tpu.memory_space<semaphore_mem>>) src(%dma_wait3A_92 : memref<40x128xi32, #tpu.memory_space<hbm>>) dst(%arg8 : memref<40x128xi32, #tpu.memory_space<vmem>>)
      tpu.yield
    }) : () -> ()
    %dma_start3A = arith.constant 0 : i32
    %dma_start3A_5 = arith.constant 0 : i32
    %dma_start3A_6 = arith.constant 0 : i32
    %dma_start3A_7 = arith.constant 0 : i32
    %dma_start3A_8 = arith.constant 0 : i32
    %dma_start3A_9 = tpu.memref_slice %arg9[%dma_start3A_5, %dma_start3A_7, %dma_start3A_8] : memref<2x128x128xf32, #tpu.memory_space<vmem>> -> memref<1x128x128xf32, #tpu.memory_space<vmem>>
    %dma_start3A_10 = tpu.memref_squeeze %dma_start3A_9 : memref<1x128x128xf32, #tpu.memory_space<vmem>> -> memref<128x128xf32, #tpu.memory_space<vmem>>
    %dma_start3A_11 = arith.constant 0 : i32
    %dma_start3A_12 = tpu.memref_slice %arg7[%dma_start3A, %dma_start3A_11] : memref<40x128xi32, #tpu.memory_space<vmem>> -> memref<1x128xi32, #tpu.memory_space<vmem>>
    %dma_start3A_13 = tpu.memref_squeeze %dma_start3A_12 : memref<1x128xi32, #tpu.memory_space<vmem>> -> memref<128xi32, #tpu.memory_space<vmem>>
    %dma_start3A_14 = arith.constant 0 : i32
    %dma_start3A_15 = arith.constant 0 : i32
    %dma_start3A_16 = tpu.memref_slice %arg2[%dma_start3A_14, %dma_start3A_15] : memref<10000x128xf32, #tpu.memory_space<hbm>> -> memref<10000x128xf32, #tpu.memory_space<hbm>>
    %dma_start3A_17 = tpu.memref_slice %arg11[%dma_start3A_6] : memref<2x!tpu.dma_semaphore, #tpu.memory_space<semaphore_mem>> -> memref<1x!tpu.dma_semaphore, #tpu.memory_space<semaphore_mem>>
    %dma_start3A_18 = tpu.memref_squeeze %dma_start3A_17 : memref<1x!tpu.dma_semaphore, #tpu.memory_space<semaphore_mem>> -> memref<!tpu.dma_semaphore, #tpu.memory_space<semaphore_mem>>
    tpu.enqueue_indirect_dma source(%dma_start3A_16 : memref<10000x128xf32, #tpu.memory_space<hbm>>) target(%dma_start3A_10 : memref<128x128xf32, #tpu.memory_space<vmem>>) offsets(%dma_start3A_13 : memref<128xi32, #tpu.memory_space<vmem>>) semaphore(%dma_start3A_18 : memref<!tpu.dma_semaphore, #tpu.memory_space<semaphore_mem>>)
    %dma_start3A_19 = arith.constant 1 : i32
    %dma_start3A_20 = arith.constant 1 : i32
    %dma_start3A_21 = arith.constant 1 : i32
    %dma_start3A_22 = arith.constant 0 : i32
    %dma_start3A_23 = arith.constant 0 : i32
    %dma_start3A_24 = tpu.memref_slice %arg9[%dma_start3A_20, %dma_start3A_22, %dma_start3A_23] : memref<2x128x128xf32, #tpu.memory_space<vmem>> -> memref<1x128x128xf32, #tpu.memory_space<vmem>>
    %dma_start3A_25 = tpu.memref_squeeze %dma_start3A_24 : memref<1x128x128xf32, #tpu.memory_space<vmem>> -> memref<128x128xf32, #tpu.memory_space<vmem>>
    %dma_start3A_26 = arith.constant 0 : i32
    %dma_start3A_27 = tpu.memref_slice %arg7[%dma_start3A_19, %dma_start3A_26] : memref<40x128xi32, #tpu.memory_space<vmem>> -> memref<1x128xi32, #tpu.memory_space<vmem>>
    %dma_start3A_28 = tpu.memref_squeeze %dma_start3A_27 : memref<1x128xi32, #tpu.memory_space<vmem>> -> memref<128xi32, #tpu.memory_space<vmem>>
    %dma_start3A_29 = arith.constant 0 : i32
    %dma_start3A_30 = arith.constant 0 : i32
    %dma_start3A_31 = tpu.memref_slice %arg2[%dma_start3A_29, %dma_start3A_30] : memref<10000x128xf32, #tpu.memory_space<hbm>> -> memref<10000x128xf32, #tpu.memory_space<hbm>>
    %dma_start3A_32 = tpu.memref_slice %arg11[%dma_start3A_21] : memref<2x!tpu.dma_semaphore, #tpu.memory_space<semaphore_mem>> -> memref<1x!tpu.dma_semaphore, #tpu.memory_space<semaphore_mem>>
    %dma_start3A_33 = tpu.memref_squeeze %dma_start3A_32 : memref<1x!tpu.dma_semaphore, #tpu.memory_space<semaphore_mem>> -> memref<!tpu.dma_semaphore, #tpu.memory_space<semaphore_mem>>
    tpu.enqueue_indirect_dma source(%dma_start3A_31 : memref<10000x128xf32, #tpu.memory_space<hbm>>) target(%dma_start3A_25 : memref<128x128xf32, #tpu.memory_space<vmem>>) offsets(%dma_start3A_28 : memref<128xi32, #tpu.memory_space<vmem>>) semaphore(%dma_start3A_33 : memref<!tpu.dma_semaphore, #tpu.memory_space<semaphore_mem>>)
    %scan3A = arith.constant 0 : i32
    %scan3A_34 = arith.constant 20 : i32
    %scan3A_35 = arith.addi %scan3A, %scan3A_34 : i32
    %scan3A_36 = arith.constant 1 : i32
    scf.for %scan3A_78 = %scan3A to %scan3A_35 step %scan3A_36  : i32 {
      %mul3A_79 = arith.constant 1 : i32
      %mul3A_80 = arith.muli %scan3A_78, %mul3A_79 : i32
      %add3A_81 = arith.constant 0 : i32
      %add3A_82 = arith.addi %add3A_81, %mul3A_80 : i32
      %mul3A_83 = arith.constant 2 : i32
      %mul3A_84 = arith.muli %add3A_82, %mul3A_83 : i32
      %add3A_85 = arith.constant 0 : i32
      %add3A_86 = arith.addi %mul3A_84, %add3A_85 : i32
      %dma_wait3A = arith.constant 0 : i32
      %dma_wait3A_87 = arith.constant 0 : i32
      %dma_wait3A_88 = arith.constant 0 : i32
      %dma_wait3A_89 = arith.constant 0 : i32
      %dma_wait3A_90 = tpu.memref_slice %arg9[%dma_wait3A, %dma_wait3A_88, %dma_wait3A_89] : memref<2x128x128xf32, #tpu.memory_space<vmem>> -> memref<1x128x128xf32, #tpu.memory_space<vmem>>
      %dma_wait3A_91 = tpu.memref_squeeze %dma_wait3A_90 : memref<1x128x128xf32, #tpu.memory_space<vmem>> -> memref<128x128xf32, #tpu.memory_space<vmem>>
      %dma_wait3A_92 = arith.constant 0 : i32
      %dma_wait3A_93 = tpu.memref_slice %arg7[%add3A_86, %dma_wait3A_92] : memref<40x128xi32, #tpu.memory_space<vmem>> -> memref<1x128xi32, #tpu.memory_space<vmem>>
      %dma_wait3A_94 = tpu.memref_squeeze %dma_wait3A_93 : memref<1x128xi32, #tpu.memory_space<vmem>> -> memref<128xi32, #tpu.memory_space<vmem>>
      %dma_wait3A_95 = arith.constant 0 : i32
      %dma_wait3A_96 = arith.constant 0 : i32
      %dma_wait3A_97 = tpu.memref_slice %arg2[%dma_wait3A_95, %dma_wait3A_96] : memref<10000x128xf32, #tpu.memory_space<hbm>> -> memref<10000x128xf32, #tpu.memory_space<hbm>>
      %dma_wait3A_98 = tpu.memref_slice %arg11[%dma_wait3A_87] : memref<2x!tpu.dma_semaphore, #tpu.memory_space<semaphore_mem>> -> memref<1x!tpu.dma_semaphore, #tpu.memory_space<semaphore_mem>>
      %dma_wait3A_99 = tpu.memref_squeeze %dma_wait3A_98 : memref<1x!tpu.dma_semaphore, #tpu.memory_space<semaphore_mem>> -> memref<!tpu.dma_semaphore, #tpu.memory_space<semaphore_mem>>
      tpu.wait_indirect_dma semaphore(%dma_wait3A_99 : memref<!tpu.dma_semaphore, #tpu.memory_space<semaphore_mem>>) src(%dma_wait3A_97 : memref<10000x128xf32, #tpu.memory_space<hbm>>) dst(%dma_wait3A_91 : memref<128x128xf32, #tpu.memory_space<vmem>>)
      %run_scoped3A = arith.constant 0 : i32
      "tpu.region"() ({
        %run_scoped3A_130 = tpu.sem_alloc : memref<!tpu.dma_semaphore, #tpu.memory_space<semaphore_mem>>
        %dma_start3A_131 = arith.constant 0 : i32
        %dma_start3A_132 = arith.constant 0 : i32
        %dma_start3A_133 = tpu.memref_slice %arg9[%run_scoped3A, %dma_start3A_131, %dma_start3A_132] : memref<2x128x128xf32, #tpu.memory_space<vmem>> -> memref<1x128x128xf32, #tpu.memory_space<vmem>>
        %dma_start3A_134 = tpu.memref_squeeze %dma_start3A_133 : memref<1x128x128xf32, #tpu.memory_space<vmem>> -> memref<128x128xf32, #tpu.memory_space<vmem>>
        %dma_start3A_135 = arith.constant 0 : i32
        %dma_start3A_136 = tpu.memref_slice %arg8[%add3A_86, %dma_start3A_135] : memref<40x128xi32, #tpu.memory_space<vmem>> -> memref<1x128xi32, #tpu.memory_space<vmem>>
        %dma_start3A_137 = tpu.memref_squeeze %dma_start3A_136 : memref<1x128xi32, #tpu.memory_space<vmem>> -> memref<128xi32, #tpu.memory_space<vmem>>
        %dma_start3A_138 = arith.constant 0 : i32
        %dma_start3A_139 = arith.constant 0 : i32
        %dma_start3A_140 = tpu.memref_slice %arg10[%dma_start3A_138, %dma_start3A_139] : memref<10240x128xf32, #tpu.memory_space<vmem_shared>> -> memref<10240x128xf32, #tpu.memory_space<vmem_shared>>
        tpu.enqueue_indirect_dma source(%dma_start3A_134 : memref<128x128xf32, #tpu.memory_space<vmem>>) target(%dma_start3A_140 : memref<10240x128xf32, #tpu.memory_space<vmem_shared>>) offsets(%dma_start3A_137 : memref<128xi32, #tpu.memory_space<vmem>>) semaphore(%run_scoped3A_130 : memref<!tpu.dma_semaphore, #tpu.memory_space<semaphore_mem>>) {add = true}
        %dma_wait3A_141 = arith.constant 0 : i32
        %dma_wait3A_142 = arith.constant 0 : i32
        %dma_wait3A_143 = tpu.memref_slice %arg9[%run_scoped3A, %dma_wait3A_141, %dma_wait3A_142] : memref<2x128x128xf32, #tpu.memory_space<vmem>> -> memref<1x128x128xf32, #tpu.memory_space<vmem>>
        %dma_wait3A_144 = tpu.memref_squeeze %dma_wait3A_143 : memref<1x128x128xf32, #tpu.memory_space<vmem>> -> memref<128x128xf32, #tpu.memory_space<vmem>>
        %dma_wait3A_145 = arith.constant 0 : i32
        %dma_wait3A_146 = tpu.memref_slice %arg8[%add3A_86, %dma_wait3A_145] : memref<40x128xi32, #tpu.memory_space<vmem>> -> memref<1x128xi32, #tpu.memory_space<vmem>>
        %dma_wait3A_147 = tpu.memref_squeeze %dma_wait3A_146 : memref<1x128xi32, #tpu.memory_space<vmem>> -> memref<128xi32, #tpu.memory_space<vmem>>
        %dma_wait3A_148 = arith.constant 0 : i32
        %dma_wait3A_149 = arith.constant 0 : i32
        %dma_wait3A_150 = tpu.memref_slice %arg10[%dma_wait3A_148, %dma_wait3A_149] : memref<10240x128xf32, #tpu.memory_space<vmem_shared>> -> memref<10240x128xf32, #tpu.memory_space<vmem_shared>>
        tpu.wait_indirect_dma semaphore(%run_scoped3A_130 : memref<!tpu.dma_semaphore, #tpu.memory_space<semaphore_mem>>) src(%dma_wait3A_144 : memref<128x128xf32, #tpu.memory_space<vmem>>) dst(%dma_wait3A_150 : memref<10240x128xf32, #tpu.memory_space<vmem_shared>>)
        tpu.yield
      }) : () -> ()
      %add3A_100 = arith.constant 2 : i32
      %add3A_101 = arith.addi %add3A_86, %add3A_100 : i32
      %lt3A = arith.constant 40 : i32
      %lt3A_102 = arith.cmpi slt, %add3A_101, %lt3A : i32
      %convert_element_type3A = arith.extui %lt3A_102 : i1 to i32
      %cond3A = arith.constant 0 : i32
      %cond3A_103 = arith.cmpi ne, %convert_element_type3A, %cond3A : i32
      scf.if %cond3A_103 {
        %add3A_130 = arith.constant 2 : i32
        %add3A_131 = arith.addi %add3A_86, %add3A_130 : i32
        %dma_start3A_132 = arith.constant 0 : i32
        %dma_start3A_133 = arith.constant 0 : i32
        %dma_start3A_134 = arith.constant 0 : i32
        %dma_start3A_135 = arith.constant 0 : i32
        %dma_start3A_136 = tpu.memref_slice %arg9[%dma_start3A_132, %dma_start3A_134, %dma_start3A_135] : memref<2x128x128xf32, #tpu.memory_space<vmem>> -> memref<1x128x128xf32, #tpu.memory_space<vmem>>
        %dma_start3A_137 = tpu.memref_squeeze %dma_start3A_136 : memref<1x128x128xf32, #tpu.memory_space<vmem>> -> memref<128x128xf32, #tpu.memory_space<vmem>>
        %dma_start3A_138 = arith.constant 0 : i32
        %dma_start3A_139 = tpu.memref_slice %arg7[%add3A_131, %dma_start3A_138] : memref<40x128xi32, #tpu.memory_space<vmem>> -> memref<1x128xi32, #tpu.memory_space<vmem>>
        %dma_start3A_140 = tpu.memref_squeeze %dma_start3A_139 : memref<1x128xi32, #tpu.memory_space<vmem>> -> memref<128xi32, #tpu.memory_space<vmem>>
        %dma_start3A_141 = arith.constant 0 : i32
        %dma_start3A_142 = arith.constant 0 : i32
        %dma_start3A_143 = tpu.memref_slice %arg2[%dma_start3A_141, %dma_start3A_142] : memref<10000x128xf32, #tpu.memory_space<hbm>> -> memref<10000x128xf32, #tpu.memory_space<hbm>>
        %dma_start3A_144 = tpu.memref_slice %arg11[%dma_start3A_133] : memref<2x!tpu.dma_semaphore, #tpu.memory_space<semaphore_mem>> -> memref<1x!tpu.dma_semaphore, #tpu.memory_space<semaphore_mem>>
        %dma_start3A_145 = tpu.memref_squeeze %dma_start3A_144 : memref<1x!tpu.dma_semaphore, #tpu.memory_space<semaphore_mem>> -> memref<!tpu.dma_semaphore, #tpu.memory_space<semaphore_mem>>
        tpu.enqueue_indirect_dma source(%dma_start3A_143 : memref<10000x128xf32, #tpu.memory_space<hbm>>) target(%dma_start3A_137 : memref<128x128xf32, #tpu.memory_space<vmem>>) offsets(%dma_start3A_140 : memref<128xi32, #tpu.memory_space<vmem>>) semaphore(%dma_start3A_145 : memref<!tpu.dma_semaphore, #tpu.memory_space<semaphore_mem>>)
      } else {
      }
      %mul3A_104 = arith.constant 2 : i32
      %mul3A_105 = arith.muli %add3A_82, %mul3A_104 : i32
      %add3A_106 = arith.constant 1 : i32
      %add3A_107 = arith.addi %mul3A_105, %add3A_106 : i32
      %dma_wait3A_108 = arith.constant 1 : i32
      %dma_wait3A_109 = arith.constant 1 : i32
      %dma_wait3A_110 = arith.constant 0 : i32
      %dma_wait3A_111 = arith.constant 0 : i32
      %dma_wait3A_112 = tpu.memref_slice %arg9[%dma_wait3A_108, %dma_wait3A_110, %dma_wait3A_111] : memref<2x128x128xf32, #tpu.memory_space<vmem>> -> memref<1x128x128xf32, #tpu.memory_space<vmem>>
      %dma_wait3A_113 = tpu.memref_squeeze %dma_wait3A_112 : memref<1x128x128xf32, #tpu.memory_space<vmem>> -> memref<128x128xf32, #tpu.memory_space<vmem>>
      %dma_wait3A_114 = arith.constant 0 : i32
      %dma_wait3A_115 = tpu.memref_slice %arg7[%add3A_107, %dma_wait3A_114] : memref<40x128xi32, #tpu.memory_space<vmem>> -> memref<1x128xi32, #tpu.memory_space<vmem>>
      %dma_wait3A_116 = tpu.memref_squeeze %dma_wait3A_115 : memref<1x128xi32, #tpu.memory_space<vmem>> -> memref<128xi32, #tpu.memory_space<vmem>>
      %dma_wait3A_117 = arith.constant 0 : i32
      %dma_wait3A_118 = arith.constant 0 : i32
      %dma_wait3A_119 = tpu.memref_slice %arg2[%dma_wait3A_117, %dma_wait3A_118] : memref<10000x128xf32, #tpu.memory_space<hbm>> -> memref<10000x128xf32, #tpu.memory_space<hbm>>
      %dma_wait3A_120 = tpu.memref_slice %arg11[%dma_wait3A_109] : memref<2x!tpu.dma_semaphore, #tpu.memory_space<semaphore_mem>> -> memref<1x!tpu.dma_semaphore, #tpu.memory_space<semaphore_mem>>
      %dma_wait3A_121 = tpu.memref_squeeze %dma_wait3A_120 : memref<1x!tpu.dma_semaphore, #tpu.memory_space<semaphore_mem>> -> memref<!tpu.dma_semaphore, #tpu.memory_space<semaphore_mem>>
      tpu.wait_indirect_dma semaphore(%dma_wait3A_121 : memref<!tpu.dma_semaphore, #tpu.memory_space<semaphore_mem>>) src(%dma_wait3A_119 : memref<10000x128xf32, #tpu.memory_space<hbm>>) dst(%dma_wait3A_113 : memref<128x128xf32, #tpu.memory_space<vmem>>)
      %run_scoped3A_122 = arith.constant 1 : i32
      "tpu.region"() ({
        %run_scoped3A_130 = tpu.sem_alloc : memref<!tpu.dma_semaphore, #tpu.memory_space<semaphore_mem>>
        %dma_start3A_131 = arith.constant 0 : i32
        %dma_start3A_132 = arith.constant 0 : i32
        %dma_start3A_133 = tpu.memref_slice %arg9[%run_scoped3A_122, %dma_start3A_131, %dma_start3A_132] : memref<2x128x128xf32, #tpu.memory_space<vmem>> -> memref<1x128x128xf32, #tpu.memory_space<vmem>>
        %dma_start3A_134 = tpu.memref_squeeze %dma_start3A_133 : memref<1x128x128xf32, #tpu.memory_space<vmem>> -> memref<128x128xf32, #tpu.memory_space<vmem>>
        %dma_start3A_135 = arith.constant 0 : i32
        %dma_start3A_136 = tpu.memref_slice %arg8[%add3A_107, %dma_start3A_135] : memref<40x128xi32, #tpu.memory_space<vmem>> -> memref<1x128xi32, #tpu.memory_space<vmem>>
        %dma_start3A_137 = tpu.memref_squeeze %dma_start3A_136 : memref<1x128xi32, #tpu.memory_space<vmem>> -> memref<128xi32, #tpu.memory_space<vmem>>
        %dma_start3A_138 = arith.constant 0 : i32
        %dma_start3A_139 = arith.constant 0 : i32
        %dma_start3A_140 = tpu.memref_slice %arg10[%dma_start3A_138, %dma_start3A_139] : memref<10240x128xf32, #tpu.memory_space<vmem_shared>> -> memref<10240x128xf32, #tpu.memory_space<vmem_shared>>
        tpu.enqueue_indirect_dma source(%dma_start3A_134 : memref<128x128xf32, #tpu.memory_space<vmem>>) target(%dma_start3A_140 : memref<10240x128xf32, #tpu.memory_space<vmem_shared>>) offsets(%dma_start3A_137 : memref<128xi32, #tpu.memory_space<vmem>>) semaphore(%run_scoped3A_130 : memref<!tpu.dma_semaphore, #tpu.memory_space<semaphore_mem>>) {add = true}
        %dma_wait3A_141 = arith.constant 0 : i32
        %dma_wait3A_142 = arith.constant 0 : i32
        %dma_wait3A_143 = tpu.memref_slice %arg9[%run_scoped3A_122, %dma_wait3A_141, %dma_wait3A_142] : memref<2x128x128xf32, #tpu.memory_space<vmem>> -> memref<1x128x128xf32, #tpu.memory_space<vmem>>
        %dma_wait3A_144 = tpu.memref_squeeze %dma_wait3A_143 : memref<1x128x128xf32, #tpu.memory_space<vmem>> -> memref<128x128xf32, #tpu.memory_space<vmem>>
        %dma_wait3A_145 = arith.constant 0 : i32
        %dma_wait3A_146 = tpu.memref_slice %arg8[%add3A_107, %dma_wait3A_145] : memref<40x128xi32, #tpu.memory_space<vmem>> -> memref<1x128xi32, #tpu.memory_space<vmem>>
        %dma_wait3A_147 = tpu.memref_squeeze %dma_wait3A_146 : memref<1x128xi32, #tpu.memory_space<vmem>> -> memref<128xi32, #tpu.memory_space<vmem>>
        %dma_wait3A_148 = arith.constant 0 : i32
        %dma_wait3A_149 = arith.constant 0 : i32
        %dma_wait3A_150 = tpu.memref_slice %arg10[%dma_wait3A_148, %dma_wait3A_149] : memref<10240x128xf32, #tpu.memory_space<vmem_shared>> -> memref<10240x128xf32, #tpu.memory_space<vmem_shared>>
        tpu.wait_indirect_dma semaphore(%run_scoped3A_130 : memref<!tpu.dma_semaphore, #tpu.memory_space<semaphore_mem>>) src(%dma_wait3A_144 : memref<128x128xf32, #tpu.memory_space<vmem>>) dst(%dma_wait3A_150 : memref<10240x128xf32, #tpu.memory_space<vmem_shared>>)
        tpu.yield
      }) : () -> ()
      %add3A_123 = arith.constant 2 : i32
      %add3A_124 = arith.addi %add3A_107, %add3A_123 : i32
      %lt3A_125 = arith.constant 40 : i32
      %lt3A_126 = arith.cmpi slt, %add3A_124, %lt3A_125 : i32
      %convert_element_type3A_127 = arith.extui %lt3A_126 : i1 to i32
      %cond3A_128 = arith.constant 0 : i32
      %cond3A_129 = arith.cmpi ne, %convert_element_type3A_127, %cond3A_128 : i32
      scf.if %cond3A_129 {
        %add3A_130 = arith.constant 2 : i32
        %add3A_131 = arith.addi %add3A_107, %add3A_130 : i32
        %dma_start3A_132 = arith.constant 1 : i32
        %dma_start3A_133 = arith.constant 1 : i32
        %dma_start3A_134 = arith.constant 0 : i32
        %dma_start3A_135 = arith.constant 0 : i32
        %dma_start3A_136 = tpu.memref_slice %arg9[%dma_start3A_132, %dma_start3A_134, %dma_start3A_135] : memref<2x128x128xf32, #tpu.memory_space<vmem>> -> memref<1x128x128xf32, #tpu.memory_space<vmem>>
        %dma_start3A_137 = tpu.memref_squeeze %dma_start3A_136 : memref<1x128x128xf32, #tpu.memory_space<vmem>> -> memref<128x128xf32, #tpu.memory_space<vmem>>
        %dma_start3A_138 = arith.constant 0 : i32
        %dma_start3A_139 = tpu.memref_slice %arg7[%add3A_131, %dma_start3A_138] : memref<40x128xi32, #tpu.memory_space<vmem>> -> memref<1x128xi32, #tpu.memory_space<vmem>>
        %dma_start3A_140 = tpu.memref_squeeze %dma_start3A_139 : memref<1x128xi32, #tpu.memory_space<vmem>> -> memref<128xi32, #tpu.memory_space<vmem>>
        %dma_start3A_141 = arith.constant 0 : i32
        %dma_start3A_142 = arith.constant 0 : i32
        %dma_start3A_143 = tpu.memref_slice %arg2[%dma_start3A_141, %dma_start3A_142] : memref<10000x128xf32, #tpu.memory_space<hbm>> -> memref<10000x128xf32, #tpu.memory_space<hbm>>
        %dma_start3A_144 = tpu.memref_slice %arg11[%dma_start3A_133] : memref<2x!tpu.dma_semaphore, #tpu.memory_space<semaphore_mem>> -> memref<1x!tpu.dma_semaphore, #tpu.memory_space<semaphore_mem>>
        %dma_start3A_145 = tpu.memref_squeeze %dma_start3A_144 : memref<1x!tpu.dma_semaphore, #tpu.memory_space<semaphore_mem>> -> memref<!tpu.dma_semaphore, #tpu.memory_space<semaphore_mem>>
        tpu.enqueue_indirect_dma source(%dma_start3A_143 : memref<10000x128xf32, #tpu.memory_space<hbm>>) target(%dma_start3A_137 : memref<128x128xf32, #tpu.memory_space<vmem>>) offsets(%dma_start3A_140 : memref<128xi32, #tpu.memory_space<vmem>>) semaphore(%dma_start3A_145 : memref<!tpu.dma_semaphore, #tpu.memory_space<semaphore_mem>>)
      } else {
      }
    }
    %scan3A_37 = arith.constant 20 : i32
    "tpu.region"() ({
      %run_scoped3A = tpu.sem_alloc : memref<!tpu.dma_semaphore, #tpu.memory_space<semaphore_mem>>
      %dma_start3A_78 = arith.constant 40 : i32
      %dma_start3A_79 = arith.constant 0 : i32
      %dma_start3A_80 = tpu.memref_slice %arg3[%add3A, %dma_start3A_78, %dma_start3A_79] : memref<32x80x128xi32, #tpu.memory_space<hbm>> -> memref<1x40x128xi32, #tpu.memory_space<hbm>>
      %dma_start3A_81 = tpu.memref_squeeze %dma_start3A_80 : memref<1x40x128xi32, #tpu.memory_space<hbm>> -> memref<40x128xi32, #tpu.memory_space<hbm>>
      %dma_start3A_82 = arith.constant 40 : i32
      %dma_start3A_83 = arith.constant 0 : i32
      %dma_start3A_84 = tpu.memref_slice %arg3[%add3A, %dma_start3A_82, %dma_start3A_83] : memref<32x80x128xi32, #tpu.memory_space<hbm>> -> memref<1x40x128xi32, #tpu.memory_space<hbm>>
      %dma_start3A_85 = tpu.memref_squeeze %dma_start3A_84 : memref<1x40x128xi32, #tpu.memory_space<hbm>> -> memref<40x128xi32, #tpu.memory_space<hbm>>
      tpu.enqueue_dma source(%dma_start3A_85 : memref<40x128xi32, #tpu.memory_space<hbm>>) target(%arg7 : memref<40x128xi32, #tpu.memory_space<vmem>>) target_semaphore(%run_scoped3A : memref<!tpu.dma_semaphore, #tpu.memory_space<semaphore_mem>>)
      %dma_wait3A = arith.constant 40 : i32
      %dma_wait3A_86 = arith.constant 0 : i32
      %dma_wait3A_87 = tpu.memref_slice %arg3[%add3A, %dma_wait3A, %dma_wait3A_86] : memref<32x80x128xi32, #tpu.memory_space<hbm>> -> memref<1x40x128xi32, #tpu.memory_space<hbm>>
      %dma_wait3A_88 = tpu.memref_squeeze %dma_wait3A_87 : memref<1x40x128xi32, #tpu.memory_space<hbm>> -> memref<40x128xi32, #tpu.memory_space<hbm>>
      %dma_wait3A_89 = arith.constant 40 : i32
      %dma_wait3A_90 = arith.constant 0 : i32
      %dma_wait3A_91 = tpu.memref_slice %arg3[%add3A, %dma_wait3A_89, %dma_wait3A_90] : memref<32x80x128xi32, #tpu.memory_space<hbm>> -> memref<1x40x128xi32, #tpu.memory_space<hbm>>
      %dma_wait3A_92 = tpu.memref_squeeze %dma_wait3A_91 : memref<1x40x128xi32, #tpu.memory_space<hbm>> -> memref<40x128xi32, #tpu.memory_space<hbm>>
      tpu.wait_dma2 semaphore(%run_scoped3A : memref<!tpu.dma_semaphore, #tpu.memory_space<semaphore_mem>>) src(%dma_wait3A_92 : memref<40x128xi32, #tpu.memory_space<hbm>>) dst(%arg7 : memref<40x128xi32, #tpu.memory_space<vmem>>)
      tpu.yield
    }) : () -> ()
    "tpu.region"() ({
      %run_scoped3A = tpu.sem_alloc : memref<!tpu.dma_semaphore, #tpu.memory_space<semaphore_mem>>
      %dma_start3A_78 = arith.constant 40 : i32
      %dma_start3A_79 = arith.constant 0 : i32
      %dma_start3A_80 = tpu.memref_slice %arg4[%add3A, %dma_start3A_78, %dma_start3A_79] : memref<32x80x128xi32, #tpu.memory_space<hbm>> -> memref<1x40x128xi32, #tpu.memory_space<hbm>>
      %dma_start3A_81 = tpu.memref_squeeze %dma_start3A_80 : memref<1x40x128xi32, #tpu.memory_space<hbm>> -> memref<40x128xi32, #tpu.memory_space<hbm>>
      %dma_start3A_82 = arith.constant 40 : i32
      %dma_start3A_83 = arith.constant 0 : i32
      %dma_start3A_84 = tpu.memref_slice %arg4[%add3A, %dma_start3A_82, %dma_start3A_83] : memref<32x80x128xi32, #tpu.memory_space<hbm>> -> memref<1x40x128xi32, #tpu.memory_space<hbm>>
      %dma_start3A_85 = tpu.memref_squeeze %dma_start3A_84 : memref<1x40x128xi32, #tpu.memory_space<hbm>> -> memref<40x128xi32, #tpu.memory_space<hbm>>
      tpu.enqueue_dma source(%dma_start3A_85 : memref<40x128xi32, #tpu.memory_space<hbm>>) target(%arg8 : memref<40x128xi32, #tpu.memory_space<vmem>>) target_semaphore(%run_scoped3A : memref<!tpu.dma_semaphore, #tpu.memory_space<semaphore_mem>>)
      %dma_wait3A = arith.constant 40 : i32
      %dma_wait3A_86 = arith.constant 0 : i32
      %dma_wait3A_87 = tpu.memref_slice %arg4[%add3A, %dma_wait3A, %dma_wait3A_86] : memref<32x80x128xi32, #tpu.memory_space<hbm>> -> memref<1x40x128xi32, #tpu.memory_space<hbm>>
      %dma_wait3A_88 = tpu.memref_squeeze %dma_wait3A_87 : memref<1x40x128xi32, #tpu.memory_space<hbm>> -> memref<40x128xi32, #tpu.memory_space<hbm>>
      %dma_wait3A_89 = arith.constant 40 : i32
      %dma_wait3A_90 = arith.constant 0 : i32
      %dma_wait3A_91 = tpu.memref_slice %arg4[%add3A, %dma_wait3A_89, %dma_wait3A_90] : memref<32x80x128xi32, #tpu.memory_space<hbm>> -> memref<1x40x128xi32, #tpu.memory_space<hbm>>
      %dma_wait3A_92 = tpu.memref_squeeze %dma_wait3A_91 : memref<1x40x128xi32, #tpu.memory_space<hbm>> -> memref<40x128xi32, #tpu.memory_space<hbm>>
      tpu.wait_dma2 semaphore(%run_scoped3A : memref<!tpu.dma_semaphore, #tpu.memory_space<semaphore_mem>>) src(%dma_wait3A_92 : memref<40x128xi32, #tpu.memory_space<hbm>>) dst(%arg8 : memref<40x128xi32, #tpu.memory_space<vmem>>)
      tpu.yield
    }) : () -> ()
    %dma_start3A_38 = arith.constant 0 : i32
    %dma_start3A_39 = arith.constant 0 : i32
    %dma_start3A_40 = arith.constant 0 : i32
    %dma_start3A_41 = arith.constant 0 : i32
    %dma_start3A_42 = arith.constant 0 : i32
    %dma_start3A_43 = tpu.memref_slice %arg9[%dma_start3A_39, %dma_start3A_41, %dma_start3A_42] : memref<2x128x128xf32, #tpu.memory_space<vmem>> -> memref<1x128x128xf32, #tpu.memory_space<vmem>>
    %dma_start3A_44 = tpu.memref_squeeze %dma_start3A_43 : memref<1x128x128xf32, #tpu.memory_space<vmem>> -> memref<128x128xf32, #tpu.memory_space<vmem>>
    %dma_start3A_45 = arith.constant 0 : i32
    %dma_start3A_46 = tpu.memref_slice %arg7[%dma_start3A_38, %dma_start3A_45] : memref<40x128xi32, #tpu.memory_space<vmem>> -> memref<1x128xi32, #tpu.memory_space<vmem>>
    %dma_start3A_47 = tpu.memref_squeeze %dma_start3A_46 : memref<1x128xi32, #tpu.memory_space<vmem>> -> memref<128xi32, #tpu.memory_space<vmem>>
    %dma_start3A_48 = arith.constant 0 : i32
    %dma_start3A_49 = arith.constant 0 : i32
    %dma_start3A_50 = tpu.memref_slice %arg2[%dma_start3A_48, %dma_start3A_49] : memref<10000x128xf32, #tpu.memory_space<hbm>> -> memref<10000x128xf32, #tpu.memory_space<hbm>>
    %dma_start3A_51 = tpu.memref_slice %arg11[%dma_start3A_40] : memref<2x!tpu.dma_semaphore, #tpu.memory_space<semaphore_mem>> -> memref<1x!tpu.dma_semaphore, #tpu.memory_space<semaphore_mem>>
    %dma_start3A_52 = tpu.memref_squeeze %dma_start3A_51 : memref<1x!tpu.dma_semaphore, #tpu.memory_space<semaphore_mem>> -> memref<!tpu.dma_semaphore, #tpu.memory_space<semaphore_mem>>
    tpu.enqueue_indirect_dma source(%dma_start3A_50 : memref<10000x128xf32, #tpu.memory_space<hbm>>) target(%dma_start3A_44 : memref<128x128xf32, #tpu.memory_space<vmem>>) offsets(%dma_start3A_47 : memref<128xi32, #tpu.memory_space<vmem>>) semaphore(%dma_start3A_52 : memref<!tpu.dma_semaphore, #tpu.memory_space<semaphore_mem>>)
    %dma_start3A_53 = arith.constant 1 : i32
    %dma_start3A_54 = arith.constant 1 : i32
    %dma_start3A_55 = arith.constant 1 : i32
    %dma_start3A_56 = arith.constant 0 : i32
    %dma_start3A_57 = arith.constant 0 : i32
    %dma_start3A_58 = tpu.memref_slice %arg9[%dma_start3A_54, %dma_start3A_56, %dma_start3A_57] : memref<2x128x128xf32, #tpu.memory_space<vmem>> -> memref<1x128x128xf32, #tpu.memory_space<vmem>>
    %dma_start3A_59 = tpu.memref_squeeze %dma_start3A_58 : memref<1x128x128xf32, #tpu.memory_space<vmem>> -> memref<128x128xf32, #tpu.memory_space<vmem>>
    %dma_start3A_60 = arith.constant 0 : i32
    %dma_start3A_61 = tpu.memref_slice %arg7[%dma_start3A_53, %dma_start3A_60] : memref<40x128xi32, #tpu.memory_space<vmem>> -> memref<1x128xi32, #tpu.memory_space<vmem>>
    %dma_start3A_62 = tpu.memref_squeeze %dma_start3A_61 : memref<1x128xi32, #tpu.memory_space<vmem>> -> memref<128xi32, #tpu.memory_space<vmem>>
    %dma_start3A_63 = arith.constant 0 : i32
    %dma_start3A_64 = arith.constant 0 : i32
    %dma_start3A_65 = tpu.memref_slice %arg2[%dma_start3A_63, %dma_start3A_64] : memref<10000x128xf32, #tpu.memory_space<hbm>> -> memref<10000x128xf32, #tpu.memory_space<hbm>>
    %dma_start3A_66 = tpu.memref_slice %arg11[%dma_start3A_55] : memref<2x!tpu.dma_semaphore, #tpu.memory_space<semaphore_mem>> -> memref<1x!tpu.dma_semaphore, #tpu.memory_space<semaphore_mem>>
    %dma_start3A_67 = tpu.memref_squeeze %dma_start3A_66 : memref<1x!tpu.dma_semaphore, #tpu.memory_space<semaphore_mem>> -> memref<!tpu.dma_semaphore, #tpu.memory_space<semaphore_mem>>
    tpu.enqueue_indirect_dma source(%dma_start3A_65 : memref<10000x128xf32, #tpu.memory_space<hbm>>) target(%dma_start3A_59 : memref<128x128xf32, #tpu.memory_space<vmem>>) offsets(%dma_start3A_62 : memref<128xi32, #tpu.memory_space<vmem>>) semaphore(%dma_start3A_67 : memref<!tpu.dma_semaphore, #tpu.memory_space<semaphore_mem>>)
    %scan3A_68 = arith.constant 0 : i32
    %scan3A_69 = arith.constant 20 : i32
    %scan3A_70 = arith.addi %scan3A_68, %scan3A_69 : i32
    %scan3A_71 = arith.constant 1 : i32
    scf.for %scan3A_78 = %scan3A_68 to %scan3A_70 step %scan3A_71  : i32 {
      %mul3A_79 = arith.constant 1 : i32
      %mul3A_80 = arith.muli %scan3A_78, %mul3A_79 : i32
      %add3A_81 = arith.constant 0 : i32
      %add3A_82 = arith.addi %add3A_81, %mul3A_80 : i32
      %mul3A_83 = arith.constant 2 : i32
      %mul3A_84 = arith.muli %add3A_82, %mul3A_83 : i32
      %add3A_85 = arith.constant 0 : i32
      %add3A_86 = arith.addi %mul3A_84, %add3A_85 : i32
      %dma_wait3A = arith.constant 0 : i32
      %dma_wait3A_87 = arith.constant 0 : i32
      %dma_wait3A_88 = arith.constant 0 : i32
      %dma_wait3A_89 = arith.constant 0 : i32
      %dma_wait3A_90 = tpu.memref_slice %arg9[%dma_wait3A, %dma_wait3A_88, %dma_wait3A_89] : memref<2x128x128xf32, #tpu.memory_space<vmem>> -> memref<1x128x128xf32, #tpu.memory_space<vmem>>
      %dma_wait3A_91 = tpu.memref_squeeze %dma_wait3A_90 : memref<1x128x128xf32, #tpu.memory_space<vmem>> -> memref<128x128xf32, #tpu.memory_space<vmem>>
      %dma_wait3A_92 = arith.constant 0 : i32
      %dma_wait3A_93 = tpu.memref_slice %arg7[%add3A_86, %dma_wait3A_92] : memref<40x128xi32, #tpu.memory_space<vmem>> -> memref<1x128xi32, #tpu.memory_space<vmem>>
      %dma_wait3A_94 = tpu.memref_squeeze %dma_wait3A_93 : memref<1x128xi32, #tpu.memory_space<vmem>> -> memref<128xi32, #tpu.memory_space<vmem>>
      %dma_wait3A_95 = arith.constant 0 : i32
      %dma_wait3A_96 = arith.constant 0 : i32
      %dma_wait3A_97 = tpu.memref_slice %arg2[%dma_wait3A_95, %dma_wait3A_96] : memref<10000x128xf32, #tpu.memory_space<hbm>> -> memref<10000x128xf32, #tpu.memory_space<hbm>>
      %dma_wait3A_98 = tpu.memref_slice %arg11[%dma_wait3A_87] : memref<2x!tpu.dma_semaphore, #tpu.memory_space<semaphore_mem>> -> memref<1x!tpu.dma_semaphore, #tpu.memory_space<semaphore_mem>>
      %dma_wait3A_99 = tpu.memref_squeeze %dma_wait3A_98 : memref<1x!tpu.dma_semaphore, #tpu.memory_space<semaphore_mem>> -> memref<!tpu.dma_semaphore, #tpu.memory_space<semaphore_mem>>
      tpu.wait_indirect_dma semaphore(%dma_wait3A_99 : memref<!tpu.dma_semaphore, #tpu.memory_space<semaphore_mem>>) src(%dma_wait3A_97 : memref<10000x128xf32, #tpu.memory_space<hbm>>) dst(%dma_wait3A_91 : memref<128x128xf32, #tpu.memory_space<vmem>>)
      %run_scoped3A = arith.constant 0 : i32
      "tpu.region"() ({
        %run_scoped3A_130 = tpu.sem_alloc : memref<!tpu.dma_semaphore, #tpu.memory_space<semaphore_mem>>
        %dma_start3A_131 = arith.constant 0 : i32
        %dma_start3A_132 = arith.constant 0 : i32
        %dma_start3A_133 = tpu.memref_slice %arg9[%run_scoped3A, %dma_start3A_131, %dma_start3A_132] : memref<2x128x128xf32, #tpu.memory_space<vmem>> -> memref<1x128x128xf32, #tpu.memory_space<vmem>>
        %dma_start3A_134 = tpu.memref_squeeze %dma_start3A_133 : memref<1x128x128xf32, #tpu.memory_space<vmem>> -> memref<128x128xf32, #tpu.memory_space<vmem>>
        %dma_start3A_135 = arith.constant 0 : i32
        %dma_start3A_136 = tpu.memref_slice %arg8[%add3A_86, %dma_start3A_135] : memref<40x128xi32, #tpu.memory_space<vmem>> -> memref<1x128xi32, #tpu.memory_space<vmem>>
        %dma_start3A_137 = tpu.memref_squeeze %dma_start3A_136 : memref<1x128xi32, #tpu.memory_space<vmem>> -> memref<128xi32, #tpu.memory_space<vmem>>
        %dma_start3A_138 = arith.constant 0 : i32
        %dma_start3A_139 = arith.constant 0 : i32
        %dma_start3A_140 = tpu.memref_slice %arg10[%dma_start3A_138, %dma_start3A_139] : memref<10240x128xf32, #tpu.memory_space<vmem_shared>> -> memref<10240x128xf32, #tpu.memory_space<vmem_shared>>
        tpu.enqueue_indirect_dma source(%dma_start3A_134 : memref<128x128xf32, #tpu.memory_space<vmem>>) target(%dma_start3A_140 : memref<10240x128xf32, #tpu.memory_space<vmem_shared>>) offsets(%dma_start3A_137 : memref<128xi32, #tpu.memory_space<vmem>>) semaphore(%run_scoped3A_130 : memref<!tpu.dma_semaphore, #tpu.memory_space<semaphore_mem>>) {add = true}
        %dma_wait3A_141 = arith.constant 0 : i32
        %dma_wait3A_142 = arith.constant 0 : i32
        %dma_wait3A_143 = tpu.memref_slice %arg9[%run_scoped3A, %dma_wait3A_141, %dma_wait3A_142] : memref<2x128x128xf32, #tpu.memory_space<vmem>> -> memref<1x128x128xf32, #tpu.memory_space<vmem>>
        %dma_wait3A_144 = tpu.memref_squeeze %dma_wait3A_143 : memref<1x128x128xf32, #tpu.memory_space<vmem>> -> memref<128x128xf32, #tpu.memory_space<vmem>>
        %dma_wait3A_145 = arith.constant 0 : i32
        %dma_wait3A_146 = tpu.memref_slice %arg8[%add3A_86, %dma_wait3A_145] : memref<40x128xi32, #tpu.memory_space<vmem>> -> memref<1x128xi32, #tpu.memory_space<vmem>>
        %dma_wait3A_147 = tpu.memref_squeeze %dma_wait3A_146 : memref<1x128xi32, #tpu.memory_space<vmem>> -> memref<128xi32, #tpu.memory_space<vmem>>
        %dma_wait3A_148 = arith.constant 0 : i32
        %dma_wait3A_149 = arith.constant 0 : i32
        %dma_wait3A_150 = tpu.memref_slice %arg10[%dma_wait3A_148, %dma_wait3A_149] : memref<10240x128xf32, #tpu.memory_space<vmem_shared>> -> memref<10240x128xf32, #tpu.memory_space<vmem_shared>>
        tpu.wait_indirect_dma semaphore(%run_scoped3A_130 : memref<!tpu.dma_semaphore, #tpu.memory_space<semaphore_mem>>) src(%dma_wait3A_144 : memref<128x128xf32, #tpu.memory_space<vmem>>) dst(%dma_wait3A_150 : memref<10240x128xf32, #tpu.memory_space<vmem_shared>>)
        tpu.yield
      }) : () -> ()
      %add3A_100 = arith.constant 2 : i32
      %add3A_101 = arith.addi %add3A_86, %add3A_100 : i32
      %lt3A = arith.constant 40 : i32
      %lt3A_102 = arith.cmpi slt, %add3A_101, %lt3A : i32
      %convert_element_type3A = arith.extui %lt3A_102 : i1 to i32
      %cond3A = arith.constant 0 : i32
      %cond3A_103 = arith.cmpi ne, %convert_element_type3A, %cond3A : i32
      scf.if %cond3A_103 {
        %add3A_130 = arith.constant 2 : i32
        %add3A_131 = arith.addi %add3A_86, %add3A_130 : i32
        %dma_start3A_132 = arith.constant 0 : i32
        %dma_start3A_133 = arith.constant 0 : i32
        %dma_start3A_134 = arith.constant 0 : i32
        %dma_start3A_135 = arith.constant 0 : i32
        %dma_start3A_136 = tpu.memref_slice %arg9[%dma_start3A_132, %dma_start3A_134, %dma_start3A_135] : memref<2x128x128xf32, #tpu.memory_space<vmem>> -> memref<1x128x128xf32, #tpu.memory_space<vmem>>
        %dma_start3A_137 = tpu.memref_squeeze %dma_start3A_136 : memref<1x128x128xf32, #tpu.memory_space<vmem>> -> memref<128x128xf32, #tpu.memory_space<vmem>>
        %dma_start3A_138 = arith.constant 0 : i32
        %dma_start3A_139 = tpu.memref_slice %arg7[%add3A_131, %dma_start3A_138] : memref<40x128xi32, #tpu.memory_space<vmem>> -> memref<1x128xi32, #tpu.memory_space<vmem>>
        %dma_start3A_140 = tpu.memref_squeeze %dma_start3A_139 : memref<1x128xi32, #tpu.memory_space<vmem>> -> memref<128xi32, #tpu.memory_space<vmem>>
        %dma_start3A_141 = arith.constant 0 : i32
        %dma_start3A_142 = arith.constant 0 : i32
        %dma_start3A_143 = tpu.memref_slice %arg2[%dma_start3A_141, %dma_start3A_142] : memref<10000x128xf32, #tpu.memory_space<hbm>> -> memref<10000x128xf32, #tpu.memory_space<hbm>>
        %dma_start3A_144 = tpu.memref_slice %arg11[%dma_start3A_133] : memref<2x!tpu.dma_semaphore, #tpu.memory_space<semaphore_mem>> -> memref<1x!tpu.dma_semaphore, #tpu.memory_space<semaphore_mem>>
        %dma_start3A_145 = tpu.memref_squeeze %dma_start3A_144 : memref<1x!tpu.dma_semaphore, #tpu.memory_space<semaphore_mem>> -> memref<!tpu.dma_semaphore, #tpu.memory_space<semaphore_mem>>
        tpu.enqueue_indirect_dma source(%dma_start3A_143 : memref<10000x128xf32, #tpu.memory_space<hbm>>) target(%dma_start3A_137 : memref<128x128xf32, #tpu.memory_space<vmem>>) offsets(%dma_start3A_140 : memref<128xi32, #tpu.memory_space<vmem>>) semaphore(%dma_start3A_145 : memref<!tpu.dma_semaphore, #tpu.memory_space<semaphore_mem>>)
      } else {
      }
      %mul3A_104 = arith.constant 2 : i32
      %mul3A_105 = arith.muli %add3A_82, %mul3A_104 : i32
      %add3A_106 = arith.constant 1 : i32
      %add3A_107 = arith.addi %mul3A_105, %add3A_106 : i32
      %dma_wait3A_108 = arith.constant 1 : i32
      %dma_wait3A_109 = arith.constant 1 : i32
      %dma_wait3A_110 = arith.constant 0 : i32
      %dma_wait3A_111 = arith.constant 0 : i32
      %dma_wait3A_112 = tpu.memref_slice %arg9[%dma_wait3A_108, %dma_wait3A_110, %dma_wait3A_111] : memref<2x128x128xf32, #tpu.memory_space<vmem>> -> memref<1x128x128xf32, #tpu.memory_space<vmem>>
      %dma_wait3A_113 = tpu.memref_squeeze %dma_wait3A_112 : memref<1x128x128xf32, #tpu.memory_space<vmem>> -> memref<128x128xf32, #tpu.memory_space<vmem>>
      %dma_wait3A_114 = arith.constant 0 : i32
      %dma_wait3A_115 = tpu.memref_slice %arg7[%add3A_107, %dma_wait3A_114] : memref<40x128xi32, #tpu.memory_space<vmem>> -> memref<1x128xi32, #tpu.memory_space<vmem>>
      %dma_wait3A_116 = tpu.memref_squeeze %dma_wait3A_115 : memref<1x128xi32, #tpu.memory_space<vmem>> -> memref<128xi32, #tpu.memory_space<vmem>>
      %dma_wait3A_117 = arith.constant 0 : i32
      %dma_wait3A_118 = arith.constant 0 : i32
      %dma_wait3A_119 = tpu.memref_slice %arg2[%dma_wait3A_117, %dma_wait3A_118] : memref<10000x128xf32, #tpu.memory_space<hbm>> -> memref<10000x128xf32, #tpu.memory_space<hbm>>
      %dma_wait3A_120 = tpu.memref_slice %arg11[%dma_wait3A_109] : memref<2x!tpu.dma_semaphore, #tpu.memory_space<semaphore_mem>> -> memref<1x!tpu.dma_semaphore, #tpu.memory_space<semaphore_mem>>
      %dma_wait3A_121 = tpu.memref_squeeze %dma_wait3A_120 : memref<1x!tpu.dma_semaphore, #tpu.memory_space<semaphore_mem>> -> memref<!tpu.dma_semaphore, #tpu.memory_space<semaphore_mem>>
      tpu.wait_indirect_dma semaphore(%dma_wait3A_121 : memref<!tpu.dma_semaphore, #tpu.memory_space<semaphore_mem>>) src(%dma_wait3A_119 : memref<10000x128xf32, #tpu.memory_space<hbm>>) dst(%dma_wait3A_113 : memref<128x128xf32, #tpu.memory_space<vmem>>)
      %run_scoped3A_122 = arith.constant 1 : i32
      "tpu.region"() ({
        %run_scoped3A_130 = tpu.sem_alloc : memref<!tpu.dma_semaphore, #tpu.memory_space<semaphore_mem>>
        %dma_start3A_131 = arith.constant 0 : i32
        %dma_start3A_132 = arith.constant 0 : i32
        %dma_start3A_133 = tpu.memref_slice %arg9[%run_scoped3A_122, %dma_start3A_131, %dma_start3A_132] : memref<2x128x128xf32, #tpu.memory_space<vmem>> -> memref<1x128x128xf32, #tpu.memory_space<vmem>>
        %dma_start3A_134 = tpu.memref_squeeze %dma_start3A_133 : memref<1x128x128xf32, #tpu.memory_space<vmem>> -> memref<128x128xf32, #tpu.memory_space<vmem>>
        %dma_start3A_135 = arith.constant 0 : i32
        %dma_start3A_136 = tpu.memref_slice %arg8[%add3A_107, %dma_start3A_135] : memref<40x128xi32, #tpu.memory_space<vmem>> -> memref<1x128xi32, #tpu.memory_space<vmem>>
        %dma_start3A_137 = tpu.memref_squeeze %dma_start3A_136 : memref<1x128xi32, #tpu.memory_space<vmem>> -> memref<128xi32, #tpu.memory_space<vmem>>
        %dma_start3A_138 = arith.constant 0 : i32
        %dma_start3A_139 = arith.constant 0 : i32
        %dma_start3A_140 = tpu.memref_slice %arg10[%dma_start3A_138, %dma_start3A_139] : memref<10240x128xf32, #tpu.memory_space<vmem_shared>> -> memref<10240x128xf32, #tpu.memory_space<vmem_shared>>
        tpu.enqueue_indirect_dma source(%dma_start3A_134 : memref<128x128xf32, #tpu.memory_space<vmem>>) target(%dma_start3A_140 : memref<10240x128xf32, #tpu.memory_space<vmem_shared>>) offsets(%dma_start3A_137 : memref<128xi32, #tpu.memory_space<vmem>>) semaphore(%run_scoped3A_130 : memref<!tpu.dma_semaphore, #tpu.memory_space<semaphore_mem>>) {add = true}
        %dma_wait3A_141 = arith.constant 0 : i32
        %dma_wait3A_142 = arith.constant 0 : i32
        %dma_wait3A_143 = tpu.memref_slice %arg9[%run_scoped3A_122, %dma_wait3A_141, %dma_wait3A_142] : memref<2x128x128xf32, #tpu.memory_space<vmem>> -> memref<1x128x128xf32, #tpu.memory_space<vmem>>
        %dma_wait3A_144 = tpu.memref_squeeze %dma_wait3A_143 : memref<1x128x128xf32, #tpu.memory_space<vmem>> -> memref<128x128xf32, #tpu.memory_space<vmem>>
        %dma_wait3A_145 = arith.constant 0 : i32
        %dma_wait3A_146 = tpu.memref_slice %arg8[%add3A_107, %dma_wait3A_145] : memref<40x128xi32, #tpu.memory_space<vmem>> -> memref<1x128xi32, #tpu.memory_space<vmem>>
        %dma_wait3A_147 = tpu.memref_squeeze %dma_wait3A_146 : memref<1x128xi32, #tpu.memory_space<vmem>> -> memref<128xi32, #tpu.memory_space<vmem>>
        %dma_wait3A_148 = arith.constant 0 : i32
        %dma_wait3A_149 = arith.constant 0 : i32
        %dma_wait3A_150 = tpu.memref_slice %arg10[%dma_wait3A_148, %dma_wait3A_149] : memref<10240x128xf32, #tpu.memory_space<vmem_shared>> -> memref<10240x128xf32, #tpu.memory_space<vmem_shared>>
        tpu.wait_indirect_dma semaphore(%run_scoped3A_130 : memref<!tpu.dma_semaphore, #tpu.memory_space<semaphore_mem>>) src(%dma_wait3A_144 : memref<128x128xf32, #tpu.memory_space<vmem>>) dst(%dma_wait3A_150 : memref<10240x128xf32, #tpu.memory_space<vmem_shared>>)
        tpu.yield
      }) : () -> ()
      %add3A_123 = arith.constant 2 : i32
      %add3A_124 = arith.addi %add3A_107, %add3A_123 : i32
      %lt3A_125 = arith.constant 40 : i32
      %lt3A_126 = arith.cmpi slt, %add3A_124, %lt3A_125 : i32
      %convert_element_type3A_127 = arith.extui %lt3A_126 : i1 to i32
      %cond3A_128 = arith.constant 0 : i32
      %cond3A_129 = arith.cmpi ne, %convert_element_type3A_127, %cond3A_128 : i32
      scf.if %cond3A_129 {
        %add3A_130 = arith.constant 2 : i32
        %add3A_131 = arith.addi %add3A_107, %add3A_130 : i32
        %dma_start3A_132 = arith.constant 1 : i32
        %dma_start3A_133 = arith.constant 1 : i32
        %dma_start3A_134 = arith.constant 0 : i32
        %dma_start3A_135 = arith.constant 0 : i32
        %dma_start3A_136 = tpu.memref_slice %arg9[%dma_start3A_132, %dma_start3A_134, %dma_start3A_135] : memref<2x128x128xf32, #tpu.memory_space<vmem>> -> memref<1x128x128xf32, #tpu.memory_space<vmem>>
        %dma_start3A_137 = tpu.memref_squeeze %dma_start3A_136 : memref<1x128x128xf32, #tpu.memory_space<vmem>> -> memref<128x128xf32, #tpu.memory_space<vmem>>
        %dma_start3A_138 = arith.constant 0 : i32
        %dma_start3A_139 = tpu.memref_slice %arg7[%add3A_131, %dma_start3A_138] : memref<40x128xi32, #tpu.memory_space<vmem>> -> memref<1x128xi32, #tpu.memory_space<vmem>>
        %dma_start3A_140 = tpu.memref_squeeze %dma_start3A_139 : memref<1x128xi32, #tpu.memory_space<vmem>> -> memref<128xi32, #tpu.memory_space<vmem>>
        %dma_start3A_141 = arith.constant 0 : i32
        %dma_start3A_142 = arith.constant 0 : i32
        %dma_start3A_143 = tpu.memref_slice %arg2[%dma_start3A_141, %dma_start3A_142] : memref<10000x128xf32, #tpu.memory_space<hbm>> -> memref<10000x128xf32, #tpu.memory_space<hbm>>
        %dma_start3A_144 = tpu.memref_slice %arg11[%dma_start3A_133] : memref<2x!tpu.dma_semaphore, #tpu.memory_space<semaphore_mem>> -> memref<1x!tpu.dma_semaphore, #tpu.memory_space<semaphore_mem>>
        %dma_start3A_145 = tpu.memref_squeeze %dma_start3A_144 : memref<1x!tpu.dma_semaphore, #tpu.memory_space<semaphore_mem>> -> memref<!tpu.dma_semaphore, #tpu.memory_space<semaphore_mem>>
        tpu.enqueue_indirect_dma source(%dma_start3A_143 : memref<10000x128xf32, #tpu.memory_space<hbm>>) target(%dma_start3A_137 : memref<128x128xf32, #tpu.memory_space<vmem>>) offsets(%dma_start3A_140 : memref<128xi32, #tpu.memory_space<vmem>>) semaphore(%dma_start3A_145 : memref<!tpu.dma_semaphore, #tpu.memory_space<semaphore_mem>>)
      } else {
      }
    }
    %scan3A_72 = arith.constant 20 : i32
    %barrier3A_73 = arith.constant 0 : index
    tpu.barrier barrier_id(%barrier3A_73)
    %mul3A_74 = arith.constant 640 : i32
    %mul3A_75 = arith.muli %arg1, %mul3A_74 : i32
    %mul3A_76 = arith.constant 640 : i32
    %mul3A_77 = arith.muli %arg1, %mul3A_76 : i32
    "tpu.region"() ({
      %run_scoped3A = tpu.sem_alloc : memref<!tpu.dma_semaphore, #tpu.memory_space<semaphore_mem>>
      %dma_start3A_78 = arith.constant 0 : i32
      %dma_start3A_79 = tpu.memref_slice %arg6[%arg0, %mul3A_77, %dma_start3A_78] : memref<2x10240x128xf32, #tpu.memory_space<hbm>> -> memref<1x640x128xf32, #tpu.memory_space<hbm>>
      %dma_start3A_80 = tpu.memref_squeeze %dma_start3A_79 : memref<1x640x128xf32, #tpu.memory_space<hbm>> -> memref<640x128xf32, #tpu.memory_space<hbm>>
      %dma_start3A_81 = arith.constant 0 : i32
      %dma_start3A_82 = tpu.memref_slice %arg10[%mul3A_75, %dma_start3A_81] : memref<10240x128xf32, #tpu.memory_space<vmem_shared>> -> memref<640x128xf32, #tpu.memory_space<vmem_shared>>
      tpu.enqueue_dma source(%dma_start3A_82 : memref<640x128xf32, #tpu.memory_space<vmem_shared>>) target(%dma_start3A_80 : memref<640x128xf32, #tpu.memory_space<hbm>>) target_semaphore(%run_scoped3A : memref<!tpu.dma_semaphore, #tpu.memory_space<semaphore_mem>>)
      %dma_wait3A = arith.constant 0 : i32
      %dma_wait3A_83 = tpu.memref_slice %arg6[%arg0, %mul3A_77, %dma_wait3A] : memref<2x10240x128xf32, #tpu.memory_space<hbm>> -> memref<1x640x128xf32, #tpu.memory_space<hbm>>
      %dma_wait3A_84 = tpu.memref_squeeze %dma_wait3A_83 : memref<1x640x128xf32, #tpu.memory_space<hbm>> -> memref<640x128xf32, #tpu.memory_space<hbm>>
      %dma_wait3A_85 = arith.constant 0 : i32
      %dma_wait3A_86 = tpu.memref_slice %arg10[%mul3A_75, %dma_wait3A_85] : memref<10240x128xf32, #tpu.memory_space<vmem_shared>> -> memref<640x128xf32, #tpu.memory_space<vmem_shared>>
      tpu.wait_dma2 semaphore(%run_scoped3A : memref<!tpu.dma_semaphore, #tpu.memory_space<semaphore_mem>>) src(%dma_wait3A_86 : memref<640x128xf32, #tpu.memory_space<vmem_shared>>) dst(%dma_wait3A_84 : memref<640x128xf32, #tpu.memory_space<hbm>>)
      tpu.yield
    }) : () -> ()
    return
  }
}

module attributes {stable_mosaic.version = 14 : i64} {
  func.func @_g1_body(%arg0: i32, %arg1: memref<1000x128xf32, #tpu.memory_space<vmem>>, %arg2: memref<128x128xf32, #tpu.memory_space<vmem>>, %arg3: memref<1000x1xf32, #tpu.memory_space<vmem>>, %arg4: memref<1000x1xf32, #tpu.memory_space<vmem>>, %arg5: memref<1000x128xf32, #tpu.memory_space<vmem>>, %arg6: memref<1000x1xf32, #tpu.memory_space<vmem>>) attributes {dimension_semantics = [#tpu.dimension_semantics<arbitrary>], iteration_bounds = array<i64: 10>, scalar_prefetch = 0 : i64, scratch_operands = 0 : i64, tpu.core_type = #tpu.core_type<tc>, window_params = [{transform_indices = @transform_0, window_bounds = array<i64: 1000, 128>}, {pipeline_mode = #tpu.pipeline_mode<synchronous>, transform_indices = @transform_1, window_bounds = array<i64: 128, 128>}, {transform_indices = @transform_2, window_bounds = array<i64: 1000, 1>}, {transform_indices = @transform_3, window_bounds = array<i64: 1000, 1>}, {transform_indices = @transform_4, window_bounds = array<i64: 1000, 128>}, {transform_indices = @transform_5, window_bounds = array<i64: 1000, 1>}]} {
    %get3A = arith.constant 0 : index
    %get3A_0 = arith.constant 0 : index
    %get3A_1 = vector.load %arg3[%get3A, %get3A_0] : memref<1000x1xf32, #tpu.memory_space<vmem>>, vector<1000x1xf32>
    %get3A_2 = arith.constant 0 : index
    %get3A_3 = arith.constant 0 : index
    %get3A_4 = vector.load %arg4[%get3A_2, %get3A_3] : memref<1000x1xf32, #tpu.memory_space<vmem>>, vector<1000x1xf32>
    %add3A = arith.addf %get3A_1, %get3A_4 : vector<1000x1xf32>
    %add3A_5 = arith.constant 1.000000e+00 : f32
    %add3A_6 = vector.broadcast %add3A_5 : f32 to vector<1000x1xf32>
    %add3A_7 = arith.addf %add3A, %add3A_6 : vector<1000x1xf32>
    %rsqrt3A = math.rsqrt %add3A_7 : vector<1000x1xf32>
    %get3A_8 = arith.constant 0 : index
    %get3A_9 = arith.constant 0 : index
    %get3A_10 = vector.load %arg1[%get3A_8, %get3A_9] : memref<1000x128xf32, #tpu.memory_space<vmem>>, vector<1000x128xf32>
    %get3A_11 = arith.constant 0 : index
    %get3A_12 = arith.constant 0 : index
    %get3A_13 = vector.load %arg2[%get3A_11, %get3A_12] : memref<128x128xf32, #tpu.memory_space<vmem>>, vector<128x128xf32>
    %dot_general3A = arith.constant dense<0.000000e+00> : vector<1000x128xf32>
    %dot_general3A_14 = tpu.matmul %get3A_10, %get3A_13, %dot_general3A {dimension_numbers = #tpu.dot_dimension_numbers<[1], [0], [0], [1], [0, 0, 1, 1], [], []>, transpose_lhs_hint = false} : vector<1000x128xf32>, vector<128x128xf32>, vector<1000x128xf32> -> vector<1000x128xf32>
    %mul3A = vector.broadcast %rsqrt3A : vector<1000x1xf32> to vector<1000x128xf32>
    %mul3A_15 = arith.mulf %dot_general3A_14, %mul3A : vector<1000x128xf32>
    %swap3A = arith.constant 0 : index
    %swap3A_16 = arith.constant 0 : index
    %swap3A_17 = vector.load %arg5[%swap3A, %swap3A_16] : memref<1000x128xf32, #tpu.memory_space<vmem>>, vector<1000x128xf32>
    tpu.vector_store %arg5[%swap3A, %swap3A_16], %mul3A_15 {strides = array<i32>} : memref<1000x128xf32, #tpu.memory_space<vmem>>, vector<1000x128xf32>,
    %swap3A_18 = arith.constant 0 : index
    %swap3A_19 = arith.constant 0 : index
    %swap3A_20 = vector.load %arg6[%swap3A_18, %swap3A_19] : memref<1000x1xf32, #tpu.memory_space<vmem>>, vector<1000x1xf32>
    tpu.vector_store %arg6[%swap3A_18, %swap3A_19], %rsqrt3A {strides = array<i32>} : memref<1000x1xf32, #tpu.memory_space<vmem>>, vector<1000x1xf32>,
    return
  }
  func.func @transform_0(%arg0: i32) -> (i32, i32) {
    %c0_i32 = arith.constant 0 : i32
    %c0_i32_0 = arith.constant 0 : i32
    return %arg0, %c0_i32 : i32, i32
  }
  func.func @transform_1(%arg0: i32) -> (i32, i32) {
    %c0_i32 = arith.constant 0 : i32
    %c0_i32_0 = arith.constant 0 : i32
    %c0_i32_1 = arith.constant 0 : i32
    return %c0_i32, %c0_i32_0 : i32, i32
  }
  func.func @transform_2(%arg0: i32) -> (i32, i32) {
    %c0_i32 = arith.constant 0 : i32
    %c0_i32_0 = arith.constant 0 : i32
    return %arg0, %c0_i32 : i32, i32
  }
  func.func @transform_3(%arg0: i32) -> (i32, i32) {
    %c0_i32 = arith.constant 0 : i32
    %c0_i32_0 = arith.constant 0 : i32
    return %arg0, %c0_i32 : i32, i32
  }
  func.func @transform_4(%arg0: i32) -> (i32, i32) {
    %c0_i32 = arith.constant 0 : i32
    %c0_i32_0 = arith.constant 0 : i32
    return %arg0, %c0_i32 : i32, i32
  }
  func.func @transform_5(%arg0: i32) -> (i32, i32) {
    %c0_i32 = arith.constant 0 : i32
    %c0_i32_0 = arith.constant 0 : i32
    return %arg0, %c0_i32 : i32, i32
  }
}

module attributes {stable_mosaic.version = 14 : i64} {
  func.func @_g2_body(%arg0: i32, %arg1: memref<1000x128xf32, #tpu.memory_space<vmem>>, %arg2: memref<1000x128xf32, #tpu.memory_space<vmem>>, %arg3: memref<1000x128xf32, #tpu.memory_space<vmem>>, %arg4: memref<1000x1xf32, #tpu.memory_space<vmem>>, %arg5: memref<128xf32, #tpu.memory_space<vmem>>, %arg6: memref<128x128xf32, #tpu.memory_space<vmem>>, %arg7: memref<1000x128xf32, #tpu.memory_space<vmem>>) attributes {dimension_semantics = [#tpu.dimension_semantics<arbitrary>], iteration_bounds = array<i64: 10>, scalar_prefetch = 0 : i64, scratch_operands = 0 : i64, tpu.core_type = #tpu.core_type<tc>, window_params = [{transform_indices = @transform_0, window_bounds = array<i64: 1000, 128>}, {transform_indices = @transform_1, window_bounds = array<i64: 1000, 128>}, {transform_indices = @transform_2, window_bounds = array<i64: 1000, 128>}, {transform_indices = @transform_3, window_bounds = array<i64: 1000, 1>}, {pipeline_mode = #tpu.pipeline_mode<synchronous>, transform_indices = @transform_4, window_bounds = array<i64: 128>}, {pipeline_mode = #tpu.pipeline_mode<synchronous>, transform_indices = @transform_5, window_bounds = array<i64: 128, 128>}, {transform_indices = @transform_6, window_bounds = array<i64: 1000, 128>}]} {
    %get3A = arith.constant 0 : index
    %get3A_0 = arith.constant 0 : index
    %get3A_1 = vector.load %arg4[%get3A, %get3A_0] : memref<1000x1xf32, #tpu.memory_space<vmem>>, vector<1000x1xf32>
    %get3A_2 = arith.constant 0 : index
    %get3A_3 = arith.constant 0 : index
    %get3A_4 = vector.load %arg1[%get3A_2, %get3A_3] : memref<1000x128xf32, #tpu.memory_space<vmem>>, vector<1000x128xf32>
    %get3A_5 = arith.constant 0 : index
    %get3A_6 = arith.constant 0 : index
    %get3A_7 = vector.load %arg2[%get3A_5, %get3A_6] : memref<1000x128xf32, #tpu.memory_space<vmem>>, vector<1000x128xf32>
    %add3A = arith.addf %get3A_4, %get3A_7 : vector<1000x128xf32>
    %get3A_8 = arith.constant 0 : index
    %get3A_9 = arith.constant 0 : index
    %get3A_10 = vector.load %arg3[%get3A_8, %get3A_9] : memref<1000x128xf32, #tpu.memory_space<vmem>>, vector<1000x128xf32>
    %add3A_11 = arith.addf %add3A, %get3A_10 : vector<1000x128xf32>
    %mul3A = vector.broadcast %get3A_1 : vector<1000x1xf32> to vector<1000x128xf32>
    %mul3A_12 = arith.mulf %add3A_11, %mul3A : vector<1000x128xf32>
    %get3A_13 = arith.constant 0 : index
    %get3A_14 = vector.load %arg5[%get3A_13] : memref<128xf32, #tpu.memory_space<vmem>>, vector<128xf32>
    %broadcast_in_dim3A = vector.shape_cast %get3A_14 : vector<128xf32> to vector<1x128xf32>
    %add3A_15 = vector.broadcast %broadcast_in_dim3A : vector<1x128xf32> to vector<1000x128xf32>
    %add3A_16 = arith.addf %mul3A_12, %add3A_15 : vector<1000x128xf32>
    %max3A = arith.constant 0.000000e+00 : f32
    %max3A_17 = vector.broadcast %max3A : f32 to vector<1000x128xf32>
    %max3A_18 = arith.maximumf %add3A_16, %max3A_17 : vector<1000x128xf32>
    %get3A_19 = arith.constant 0 : index
    %get3A_20 = arith.constant 0 : index
    %get3A_21 = vector.load %arg6[%get3A_19, %get3A_20] : memref<128x128xf32, #tpu.memory_space<vmem>>, vector<128x128xf32>
    %dot_general3A = arith.constant dense<0.000000e+00> : vector<1000x128xf32>
    %dot_general3A_22 = tpu.matmul %max3A_18, %get3A_21, %dot_general3A {dimension_numbers = #tpu.dot_dimension_numbers<[1], [0], [0], [1], [0, 0, 1, 1], [], []>, transpose_lhs_hint = false} : vector<1000x128xf32>, vector<128x128xf32>, vector<1000x128xf32> -> vector<1000x128xf32>
    %mul3A_23 = vector.broadcast %get3A_1 : vector<1000x1xf32> to vector<1000x128xf32>
    %mul3A_24 = arith.mulf %dot_general3A_22, %mul3A_23 : vector<1000x128xf32>
    %swap3A = arith.constant 0 : index
    %swap3A_25 = arith.constant 0 : index
    %swap3A_26 = vector.load %arg7[%swap3A, %swap3A_25] : memref<1000x128xf32, #tpu.memory_space<vmem>>, vector<1000x128xf32>
    tpu.vector_store %arg7[%swap3A, %swap3A_25], %mul3A_24 {strides = array<i32>} : memref<1000x128xf32, #tpu.memory_space<vmem>>, vector<1000x128xf32>,
    return
  }
  func.func @transform_0(%arg0: i32) -> (i32, i32) {
    %c0_i32 = arith.constant 0 : i32
    %c0_i32_0 = arith.constant 0 : i32
    return %arg0, %c0_i32 : i32, i32
  }
  func.func @transform_1(%arg0: i32) -> (i32, i32) {
    %c0_i32 = arith.constant 0 : i32
    %c0_i32_0 = arith.constant 0 : i32
    return %arg0, %c0_i32 : i32, i32
  }
  func.func @transform_2(%arg0: i32) -> (i32, i32) {
    %c0_i32 = arith.constant 0 : i32
    %c0_i32_0 = arith.constant 0 : i32
    return %arg0, %c0_i32 : i32, i32
  }
  func.func @transform_3(%arg0: i32) -> (i32, i32) {
    %c0_i32 = arith.constant 0 : i32
    %c0_i32_0 = arith.constant 0 : i32
    return %arg0, %c0_i32 : i32, i32
  }
  func.func @transform_4(%arg0: i32) -> i32 {
    %c0_i32 = arith.constant 0 : i32
    %c0_i32_0 = arith.constant 0 : i32
    return %c0_i32 : i32
  }
  func.func @transform_5(%arg0: i32) -> (i32, i32) {
    %c0_i32 = arith.constant 0 : i32
    %c0_i32_0 = arith.constant 0 : i32
    %c0_i32_1 = arith.constant 0 : i32
    return %c0_i32, %c0_i32_0 : i32, i32
  }
  func.func @transform_6(%arg0: i32) -> (i32, i32) {
    %c0_i32 = arith.constant 0 : i32
    %c0_i32_0 = arith.constant 0 : i32
    return %arg0, %c0_i32 : i32, i32
  }
}

module attributes {stable_mosaic.version = 14 : i64} {
  func.func @_fin_body(%arg0: i32, %arg1: memref<1000x128xf32, #tpu.memory_space<vmem>>, %arg2: memref<1000x128xf32, #tpu.memory_space<vmem>>, %arg3: memref<1000x128xf32, #tpu.memory_space<vmem>>, %arg4: memref<1000x1xf32, #tpu.memory_space<vmem>>, %arg5: memref<128xf32, #tpu.memory_space<vmem>>, %arg6: memref<128x64xf32, #tpu.memory_space<vmem>>, %arg7: memref<64xf32, #tpu.memory_space<vmem>>, %arg8: memref<1000x64xf32, #tpu.memory_space<vmem>>, %arg9: memref<1000x128xf32, #tpu.memory_space<vmem>>) attributes {dimension_semantics = [#tpu.dimension_semantics<arbitrary>], iteration_bounds = array<i64: 10>, scalar_prefetch = 0 : i64, scratch_operands = 0 : i64, tpu.core_type = #tpu.core_type<tc>, window_params = [{transform_indices = @transform_0, window_bounds = array<i64: 1000, 128>}, {transform_indices = @transform_1, window_bounds = array<i64: 1000, 128>}, {transform_indices = @transform_2, window_bounds = array<i64: 1000, 128>}, {transform_indices = @transform_3, window_bounds = array<i64: 1000, 1>}, {pipeline_mode = #tpu.pipeline_mode<synchronous>, transform_indices = @transform_4, window_bounds = array<i64: 128>}, {pipeline_mode = #tpu.pipeline_mode<synchronous>, transform_indices = @transform_5, window_bounds = array<i64: 128, 64>}, {pipeline_mode = #tpu.pipeline_mode<synchronous>, transform_indices = @transform_6, window_bounds = array<i64: 64>}, {transform_indices = @transform_7, window_bounds = array<i64: 1000, 64>}, {transform_indices = @transform_8, window_bounds = array<i64: 1000, 128>}]} {
    %get3A = arith.constant 0 : index
    %get3A_0 = arith.constant 0 : index
    %get3A_1 = vector.load %arg1[%get3A, %get3A_0] : memref<1000x128xf32, #tpu.memory_space<vmem>>, vector<1000x128xf32>
    %get3A_2 = arith.constant 0 : index
    %get3A_3 = arith.constant 0 : index
    %get3A_4 = vector.load %arg2[%get3A_2, %get3A_3] : memref<1000x128xf32, #tpu.memory_space<vmem>>, vector<1000x128xf32>
    %add3A = arith.addf %get3A_1, %get3A_4 : vector<1000x128xf32>
    %get3A_5 = arith.constant 0 : index
    %get3A_6 = arith.constant 0 : index
    %get3A_7 = vector.load %arg3[%get3A_5, %get3A_6] : memref<1000x128xf32, #tpu.memory_space<vmem>>, vector<1000x128xf32>
    %add3A_8 = arith.addf %add3A, %get3A_7 : vector<1000x128xf32>
    %get3A_9 = arith.constant 0 : index
    %get3A_10 = arith.constant 0 : index
    %get3A_11 = vector.load %arg4[%get3A_9, %get3A_10] : memref<1000x1xf32, #tpu.memory_space<vmem>>, vector<1000x1xf32>
    %mul3A = vector.broadcast %get3A_11 : vector<1000x1xf32> to vector<1000x128xf32>
    %mul3A_12 = arith.mulf %add3A_8, %mul3A : vector<1000x128xf32>
    %get3A_13 = arith.constant 0 : index
    %get3A_14 = vector.load %arg5[%get3A_13] : memref<128xf32, #tpu.memory_space<vmem>>, vector<128xf32>
    %broadcast_in_dim3A = vector.shape_cast %get3A_14 : vector<128xf32> to vector<1x128xf32>
    %add3A_15 = vector.broadcast %broadcast_in_dim3A : vector<1x128xf32> to vector<1000x128xf32>
    %add3A_16 = arith.addf %mul3A_12, %add3A_15 : vector<1000x128xf32>
    %max3A = arith.constant 0.000000e+00 : f32
    %max3A_17 = vector.broadcast %max3A : f32 to vector<1000x128xf32>
    %max3A_18 = arith.maximumf %add3A_16, %max3A_17 : vector<1000x128xf32>
    %swap3A = arith.constant 0 : index
    %swap3A_19 = arith.constant 0 : index
    %swap3A_20 = vector.load %arg9[%swap3A, %swap3A_19] : memref<1000x128xf32, #tpu.memory_space<vmem>>, vector<1000x128xf32>
    tpu.vector_store %arg9[%swap3A, %swap3A_19], %max3A_18 {strides = array<i32>} : memref<1000x128xf32, #tpu.memory_space<vmem>>, vector<1000x128xf32>,
    %get3A_21 = arith.constant 0 : index
    %get3A_22 = arith.constant 0 : index
    %get3A_23 = vector.load %arg6[%get3A_21, %get3A_22] : memref<128x64xf32, #tpu.memory_space<vmem>>, vector<128x64xf32>
    %dot_general3A = arith.constant dense<0.000000e+00> : vector<1000x64xf32>
    %dot_general3A_24 = tpu.matmul %max3A_18, %get3A_23, %dot_general3A {dimension_numbers = #tpu.dot_dimension_numbers<[1], [0], [0], [1], [0, 0, 1, 1], [], []>, transpose_lhs_hint = false} : vector<1000x128xf32>, vector<128x64xf32>, vector<1000x64xf32> -> vector<1000x64xf32>
    %get3A_25 = arith.constant 0 : index
    %get3A_26 = vector.load %arg7[%get3A_25] : memref<64xf32, #tpu.memory_space<vmem>>, vector<64xf32>
    %broadcast_in_dim3A_27 = vector.shape_cast %get3A_26 : vector<64xf32> to vector<1x64xf32>
    %add3A_28 = vector.broadcast %broadcast_in_dim3A_27 : vector<1x64xf32> to vector<1000x64xf32>
    %add3A_29 = arith.addf %dot_general3A_24, %add3A_28 : vector<1000x64xf32>
    %swap3A_30 = arith.constant 0 : index
    %swap3A_31 = arith.constant 0 : index
    %swap3A_32 = vector.load %arg8[%swap3A_30, %swap3A_31] : memref<1000x64xf32, #tpu.memory_space<vmem>>, vector<1000x64xf32>
    tpu.vector_store %arg8[%swap3A_30, %swap3A_31], %add3A_29 {strides = array<i32>} : memref<1000x64xf32, #tpu.memory_space<vmem>>, vector<1000x64xf32>,
    return
  }
  func.func @transform_0(%arg0: i32) -> (i32, i32) {
    %c0_i32 = arith.constant 0 : i32
    %c0_i32_0 = arith.constant 0 : i32
    return %arg0, %c0_i32 : i32, i32
  }
  func.func @transform_1(%arg0: i32) -> (i32, i32) {
    %c0_i32 = arith.constant 0 : i32
    %c0_i32_0 = arith.constant 0 : i32
    return %arg0, %c0_i32 : i32, i32
  }
  func.func @transform_2(%arg0: i32) -> (i32, i32) {
    %c0_i32 = arith.constant 0 : i32
    %c0_i32_0 = arith.constant 0 : i32
    return %arg0, %c0_i32 : i32, i32
  }
  func.func @transform_3(%arg0: i32) -> (i32, i32) {
    %c0_i32 = arith.constant 0 : i32
    %c0_i32_0 = arith.constant 0 : i32
    return %arg0, %c0_i32 : i32, i32
  }
  func.func @transform_4(%arg0: i32) -> i32 {
    %c0_i32 = arith.constant 0 : i32
    %c0_i32_0 = arith.constant 0 : i32
    return %c0_i32 : i32
  }
  func.func @transform_5(%arg0: i32) -> (i32, i32) {
    %c0_i32 = arith.constant 0 : i32
    %c0_i32_0 = arith.constant 0 : i32
    %c0_i32_1 = arith.constant 0 : i32
    return %c0_i32, %c0_i32_0 : i32, i32
  }
  func.func @transform_6(%arg0: i32) -> i32 {
    %c0_i32 = arith.constant 0 : i32
    %c0_i32_0 = arith.constant 0 : i32
    return %c0_i32 : i32
  }
  func.func @transform_7(%arg0: i32) -> (i32, i32) {
    %c0_i32 = arith.constant 0 : i32
    %c0_i32_0 = arith.constant 0 : i32
    return %arg0, %c0_i32 : i32, i32
  }
  func.func @transform_8(%arg0: i32) -> (i32, i32) {
    %c0_i32 = arith.constant 0 : i32
    %c0_i32_0 = arith.constant 0 : i32
    return %arg0, %c0_i32 : i32, i32
  }
}

</mosaic_0001>

<sc_bundles>
// kernel: kernel.11.cloned.1.call-start
scs
__scs_entry_jumppad:
0x0: {  	(pc) =	sbr.rel $0x88, $3  }
0x1: {  	(tag) =	ssettag $0x0;
	lr =	simm.s32 $0x1  }
0x2: {  	[smem:$0x3F99] =	sst lr;
	_ =	strace $0xD0000000  }
0x3: {  	_ = 	snop  }
0x4: {  	_ = 	snop  }
0x5: {  	_ = 	snop  }
0x6: {  	_ = 	snop  }
0x7: {  	_ = 	snop  }
__scs_overlays_trampoline_lowered:
0x8: {  	[smem:$0x3FA8] =	sst s0  }
0x9: {  	[smem:$0x3FA9] =	sst s1  }
0xa: {  	[smem:$0x3FAA] =	sst s2  }
0xb: {  	[smem:$0x3FAB] =	sst s3  }
0xc: {  	[smem:$0x3FAC] =	sst s4  }
0xd: {  	[smem:$0x3FAD] =	sst s5  }
0xe: {  	[smem:$0x3FAE] =	sst s6  }
0xf: {  	[smem:$0x3FAF] =	sst s7  }
0x10: {  	[smem:$0x3FB0] =	sst s8  }
0x11: {  	[smem:$0x3FB1] =	sst s9;
	s0 =	simm.s32 @!p0 $0x0  }
0x12: {  	s1 =	sld [smem:$0x3F97];
	s0 =	simm.s32 @p0 $0x1  }
0x13: {  	[smem:$0x3FB2] =	sst s0;
	s0 =	simm.s32 @!p1 $0x0  }
0x14: {  	s2 =	sld [smem:$0x3F96];
	s0 =	simm.s32 @p1 $0x1  }
0x15: {  	[smem:$0x3FB3] =	sst s0;
	s0 =	simm.s32 @!p2 $0x0  }
0x16: {  	s3 =	sld [smem:$0x3FDB];
	s0 =	simm.s32 @p2 $0x1  }
0x17: {  	s4 =	simm.s32 $0x1BF5;
	[smem:$0x3FB5] =	sst s0  }
0x18: {  	s0 =	sld [smem:$0x3F98];
	_ =	swait.ge [sflag:s4], $0x0  }
0x19: {  	s7 =	sld [smem:$0x3F99]  }
0x1a: {  	s8 =	sadd.s32 $0xFFFFE003, lr  }
0x1b: {  	s9 =	sadd.s32 $0xFFFFFEF7, lr;
	s5 =	simm.s32 $0xFFFFFFFF;
	p2 =	slt.u32 s8, $0xFFFFF086  }
0x1c: {  	p1 =	slt.u32 s9, $0xF7A;
	s5 =	simm.s32 @!p2 $0x0  }
0x1d: {  	s5 =	simm.s32 @p1 $0x1;
	p0 =	seq.s32 s7, s2  }
0x1e: {  	s7 =	smul.u32 @!p0 $0xF7A, s2;
	p2 =	seq.s32 @!p0 s5, $0x0  }
0x1f: {  	s9 =	smul.u32 $0xF7A, s1;
	s8 =	simm.s32 @!p0 $0x1BF5;
	p2 =	por !p2, p0  }
0x20: {  	[sflag:s8] =	ssyncset.s32 @!p0 $0xFFFFF086;
	s6 =	sadd.s32 @!p0 s3, s7;
	s7 =	simm.s32 @!p0 $0x108  }
0x21: {  	s3 =	sadd.s32 s3, s9;
	s6 =	sadd.s32 @!p0 $0x88, s6;
	s7 =	simm.s32 @p2 $0x1082  }
0x22: {  	[simem:s7], [sflag:s8] =	dma.local @!p0 [hbm:s6], $0xF7A  }
0x23: {  	s9 =	sor.u32 $0xD0000000, s2;
	s6 =	simm.s32 $0x108;
	_ =	swait.ge @!p0 [sflag:s8], $0x0  }
0x24: {  	s3 =	sadd.s32 $0x88, s3;
	s6 =	simm.s32 @!p1 $0x1082;
	[sflag:s4] =	ssyncset.s32 $0xFFFFF086  }
0x25: {  	[simem:s6], [sflag:s4] =	dma.local [hbm:s3], $0xF7A  }
0x26: {  	[smem:$0x3F99] =	sst s1;
	(tag) =	ssettag s2;
	_ =	strace s9  }
0x27: {  	s1 =	sld [smem:$0x3FA9]  }
0x28: {  	s2 =	sld [smem:$0x3FAA]  }
0x29: {  	s4 =	sld [smem:$0x3FAC]  }
0x2a: {  	p0 =	seq.s32 s5, $0x0;
	s5 =	sld [smem:$0x3FAD]  }
0x2b: {  	s6 =	sld [smem:$0x3FAE]  }
0x2c: {  	s7 =	sld [smem:$0x3FAF]  }
0x2d: {  	s3 =	simm.s32 $0x108;
	s8 =	sld [smem:$0x3FB0]  }
0x2e: {  	s3 =	simm.s32 @!p0 $0x1082;
	s9 =	sld [smem:$0x3FB1]  }
0x2f: {  	lr =	sadd.s32 s0, s3;
	s0 =	sld [smem:$0x3FA8]  }
0x30: {  	s3 =	sld [smem:$0x3FAB]  }
0x31: {  	[smem:$0x3FB4] =	sst s10  }
0x32: {  	s10 =	sld [smem:$0x3FB2];
	_ =	sdelay $0x3  }
0x33: {  	p0 =	seq.s32 s10, $0x1;
	s10 =	sld [smem:$0x3FB4];
	_ =	sdelay $0x3  }
0x34: {  	[smem:$0x3FB4] =	sst s10  }
0x35: {  	s10 =	sld [smem:$0x3FB3];
	_ =	sdelay $0x3  }
0x36: {  	p1 =	seq.s32 s10, $0x1;
	s10 =	sld [smem:$0x3FB4];
	_ =	sdelay $0x3  }
0x37: {  	[smem:$0x3FB4] =	sst s10  }
0x38: {  	s10 =	sld [smem:$0x3FB5]  }
0x39: {  	_ = 	snop;
	(pc) =	sbr.ind lr, $3  }
0x3a: {  	_ = 	snop  }
0x3b: {  	_ = 	snop  }
0x3c: {  	p2 =	seq.s32 s10, $0x1;
	s10 =	sld [smem:$0x3FB4]  }
0x3d: {  	_ =	shalt  }
0x3e: {  	_ =	shalt  }
0x3f: {  	_ =	shalt  }
0x40: {  	_ =	shalt  }
0x41: {  	_ =	shalt  }
0x42: {  	_ =	shalt  }
0x43: {  	_ =	shalt  }
0x44: {  	_ =	shalt  }
0x45: {  	_ =	shalt  }
0x46: {  	_ =	shalt  }
0x47: {  	_ =	shalt  }
0x48: {  	_ =	shalt  }
0x49: {  	_ =	shalt  }
0x4a: {  	_ =	shalt  }
0x4b: {  	_ =	shalt  }
0x4c: {  	_ =	shalt  }
0x4d: {  	_ =	shalt  }
0x4e: {  	_ =	shalt  }
0x4f: {  	_ =	shalt  }
0x50: {  	_ =	shalt  }
0x51: {  	_ =	shalt  }
0x52: {  	_ =	shalt  }
0x53: {  	_ =	shalt  }
0x54: {  	_ =	shalt  }
0x55: {  	_ =	shalt  }
0x56: {  	_ =	shalt  }
0x57: {  	_ =	shalt  }
0x58: {  	_ =	shalt  }
0x59: {  	_ =	shalt  }
0x5a: {  	_ =	shalt  }
0x5b: {  	_ =	shalt  }
0x5c: {  	_ =	shalt  }
0x5d: {  	_ =	shalt  }
0x5e: {  	_ =	shalt  }
0x5f: {  	_ =	shalt  }
0x60: {  	_ =	shalt  }
0x61: {  	_ =	shalt  }
0x62: {  	_ =	shalt  }
0x63: {  	_ =	shalt  }
0x64: {  	_ =	shalt  }
0x65: {  	_ =	shalt  }
0x66: {  	_ =	shalt  }
0x67: {  	_ =	shalt  }
0x68: {  	_ =	shalt  }
0x69: {  	_ =	shalt  }
0x6a: {  	_ =	shalt  }
0x6b: {  	_ =	shalt  }
0x6c: {  	_ =	shalt  }
0x6d: {  	_ =	shalt  }
0x6e: {  	_ =	shalt  }
0x6f: {  	_ =	shalt  }
0x70: {  	_ =	shalt  }
0x71: {  	_ =	shalt  }
0x72: {  	_ =	shalt  }
0x73: {  	_ =	shalt  }
0x74: {  	_ =	shalt  }
0x75: {  	_ =	shalt  }
0x76: {  	_ =	shalt  }
0x77: {  	_ =	shalt  }
0x78: {  	_ =	shalt  }
0x79: {  	_ =	shalt  }
0x7a: {  	_ =	shalt  }
0x7b: {  	_ =	shalt  }
0x7c: {  	_ =	shalt  }
0x7d: {  	_ =	shalt  }
0x7e: {  	_ =	shalt  }
0x7f: {  	_ =	shalt  }
0x80: {  	_ =	shalt  }
0x81: {  	_ =	shalt  }
0x82: {  	_ =	shalt  }
0x83: {  	_ =	shalt  }
0x84: {  	_ =	shalt  }
0x85: {  	_ =	shalt  }
0x86: {  	_ =	shalt  }
0x87: {  	_ =	shalt  }
.Lfunc_end0:
.L_simem_size_0:
called_computation.1_lowered:
.L_overlay_start_0:
0x88: {  	s2 =	sld [smem:$0x3FD9]  }
0x89: {  	s3 =	sld [smem:$0x3FFE];
	_ =	sdelay $0x1  }
0x8a: {  	s1 =	srdreg.scid  }
0x8b: {  	s0 =	sand.u32 $0x1, s1  }
0x8c: {  	s14 =	sshll.u32 s0, $0xA;
	s2 =	sadd.s32 s3, s2  }
0x8d: {  	s2 =	sadd.s32 s2, s14  }
0x8e: {  	[smem:$0x3FC0] =	sst s2  }
0x8f: {  	_ = 	snop  }
0x90: {  	s2 =	sld [smem:$0x3FD0];
	_ =	sdelay $0x2  }
0x91: {  	s15 =	simm.s32 $0xA;
	s4 =	simm.s32 $0x10  }
0x92: {  	[smem:s4], [sflag:s15] =	dma.local [hbm:s2], $0x1  }
0x93: {  	_ =	swait.eq [sflag:s15], $0x1  }
0x94: {  	[sflag:s15] =	ssyncset.done $0x0  }
0x95: {  	s16 =	sld [smem:$0x10];
	[sflag:s15] =	ssyncadd.s32 $0xFFFFFFFF  }
0x96: {  	s17 =	sld [smem:$0x11];
	(tm) =	ssettm $0x1  }
0x97: {  	s18 =	sld [smem:$0x3FFB];
	_ =	sdelay $0x3  }
0x98: {  	_ =	strace s18  }
0x99: {  	s4 =	sld [smem:$0x3FFC];
	_ =	sdelay $0x3  }
0x9a: {  	_ =	strace s4  }
0x9b: {  	s4 =	sld [smem:$0x3FFD];
	_ =	sdelay $0x3  }
0x9c: {  	_ =	strace s4  }
0x9d: {  	_ =	strace $0x8FFFFFFF  }
0x9e: {  	s19 =	sld [smem:$0x3FDB];
	_ =	sdelay $0x1  }
0x9f: {  	s5 =	simm.s32 $_scs_section_size  }
0xa0: {  	s6 =	simm.s32 $_size__tile_overlayer_lowered;
	s7 =	simm.s32 $_tile_overlayer_lowered  }
0xa1: {  	s22 =	simm.s32 $0x1BFF;
	s21 =	sshll.u32 s7, $0x1;
	s4 =	sadd.s32 s5, s19  }
0xa2: {  	s8 =	simm.s32 $0x0;
	s20 =	sshll.u32 s6, $0x1;
	s6 =	sadd.s32 s21, s4  }
0xa3: {  	[timem:s8], [sflag:s22] =	dma.local [hbm:s6], s20  }
0xa4: {  	_ =	swait.ge [sflag:s22], s20  }
0xa5: {  	s5 =	ssub.s32 $0x0, s20;
	[sflag:s22] =	ssyncset.done $0x0  }
0xa6: {  	[sflag:s22] =	ssyncadd.s32 s5;
	_ =	sdelay $0x1  }
0xa7: {  	s23 =	simm.s32 $0x1B8B  }
0xa8: {  	_ =	swait.ge [sflag:s23], $0x1  }
0xa9: {  	[sflag:s23] =	ssyncset.done $0x0  }
0xaa: {  	s25 =	simm.s32 $0x1B8E;
	s24 =	sld [smem:$0x3FFE];
	[sflag:s23] =	ssyncadd.s32 $0xFFFFFFFF  }
0xab: {  	s26 =	simm.s32 $execute0_lowered;
	[smem:$0x3FD2] =	sst s25  }
0xac: {  	s6 =	sshll.u32 s26, $0x1;
	_ =	strace $0x80000049;
	[dreg:$0x1] =	wrdreg $0xFFFFFFFF  }
0xad: {  	s28 =	simm.s32 $_size_execute0_lowered;
	s4 =	sadd.s32 s4, s6;
	[dreg:$0x0] =	wrdreg $0x0  }
0xae: {  	s6 =	sshll.u32 s28, $0x1;
	[dreg:$0x2] =	wrdreg s4  }
0xaf: {  	[dreg:$0x3] =	wrdreg s6  }
0xb0: {  	[dreg:$0x4] =	wrdreg $0xC0  }
0xb1: {  	_ =	task [dreg:s8], $0x5FFFF  }
0xb2: {  	[dreg:$0x1] =	wrdreg $0xFFFFFFFF  }
0xb3: {  	[dreg:$0x0] =	wrdreg $0x60  }
0xb4: {  	[dreg:$0x2] =	wrdreg s17  }
0xb5: {  	[dreg:$0x3] =	wrdreg s24  }
0xb6: {  	[dreg:$0x4] =	wrdreg s16  }
0xb7: {  	[dreg:$0x5] =	wrdreg $0xA8000  }
0xb8: {  	[dreg:$0x6] =	wrdreg $0x9  }
0xb9: {  	_ =	task.clear_ibuf [dreg:s8], $0x7FFFF;
	_ =	strace $0x90000049  }
0xba: {  	s29 =	simm.s32 $0x9;
	_ =	strace $0x8000004B  }
0xbb: {  	_ =	swait.ge [sflag:s29], $0x1  }
0xbc: {  	[sflag:s29] =	ssyncadd.s32 $0xFFFFFFFF  }
0xbd: {  	_ =	strace $0x9000004B  }
0xbe: {  	_ =	sfence  }
0xbf: {  	s30 =	sld [smem:$0x0];
	_ =	sdelay $0x2  }
0xc0: {  	s31 =	sshll.u32 s1, $0xD;
	s1 =	sshrl.u32 s1, $0x2  }
0xc1: {  	s3 =	sand.u32 $0x4000, s31;
	s1 =	sadd.s32 s1, s30  }
0xc2: {  	s0 =	sor.u32 s3, s0;
	s1 =	sshll.u32 s1, $0x11  }
0xc3: {  	s0 =	sor.u32 s1, s0  }
0xc4: {  	s0 =	sadd.s32 $0x8F2B, s0  }
0xc5: {  	[sflag:s0] =	ssyncadd.remote.s32 $0x1  }
0xc6: {  	_ =	sfence.sel $0xFFFF  }
0xc7: {  	[dreg:$0x0] =	wrdreg $0xFFFFFFFF;
	(pc) =	sbr.abs _section_cstart, $3  }
0xc8: {  	[dreg:$0x1] =	wrdreg $0xFFFFFFFF  }
0xc9: {  	_ =	task.clear_ibuf [dreg:s8], $0x2FFFF;
	_ =	strace $0x9FFFFFFF  }
0xca: {  	(tm) =	ssettm $0x7FFFFFFF  }
0xcb: {  	_ =	shalt  }
tec
execute0_lowered:
.L_overlay_start_1:
0x0: {  	(tag) =	ssettag $0x1  }
0x1: {  	s1 =	rddreg [dreg:$0x0]  }
0x2: {  	s5 =	rddreg [dreg:$0x1]  }
0x3: {  	s10 =	rddreg [dreg:$0x2]  }
0x4: {  	s3 =	rddreg [dreg:$0x3]  }
0x5: {  	s0 =	rddreg [dreg:$0x4]  }
0x6: {  	s2 =	stileid.u32;
	s6 =	srdreg.scid;
	s4 =	simm.s32 $0x0  }
0x7: {  	s16 =	simm.s32 $0x80;
	s17 =	simm.s32 $0x2800;
	s18 =	simm.s32 $0x6800  }
0x8: {  	s19 =	simm.s32 $0x1;
	s20 =	simm.s32 $0x2;
	s21 =	simm.s32 $0x2700  }
0x9: {  	s22 =	simm.s32 $0x2780;
	s23 =	simm.s32 $0x0;
	s7 =	smul.u32 $0x14000, s2  }
0xa: {  	s6 =	sand.u32 $0x1, s6;
	[smem:$0x7FF] =	sst s4;
	s11 =	sadd.s32 $0x3800, s5  }
0xb: {  	s26 =	smul.u32 $0x50000, s2;
	s12 =	sshll.u32 s2, $0x1;
	s30 =	sshll.u32 s2, $0x6  }
0xc: {  	s8 =	smul.u32 $0x140000, s6;
	_ =	strace $0x8000004A;
	s28 =	ssub.s32 $0x2, s6  }
0xd: {  	s6 =	sor.u32 s6, s12;
	s9 =	sshrl.u32 s7, $0x3;
	s29 =	sshrl.u32 s28, $0x1  }
0xe: {  	s12 =	smul.u32 $0x2800, s6;
	s6 =	sor.u32 $0x1C03, s30;
	s9 =	sadd.s32 s9, s5  }
0xf: {  	s7 =	sadd.s32 s7, s8;
	s8 =	sshrl.u32 s26, $0x2;
	s14 =	ssub.s32 s28, s29  }
0x10: {  	s7 =	sshrl.u32 s7, $0x3;
	s15 =	sadd.s32 s8, s3;
	s31 =	sshrl.u32 s12, $0x3  }
0x11: {  	s13 =	sadd.s32 s7, s5;
	s5 =	sadd.s32 $0x34A00, s9;
	s12 =	sadd.s32 $0x280, s31  }
0x12: {  	s7 =	sadd.s32 s11, s31;
	s8 =	sadd.s32 s10, s31;
	s9 =	sadd.s32 s11, s12  }
0x13: {  	s10 =	sadd.s32 s10, s12;
	s11 =	sadd.s32 $0x5CA00, s13;
	s12 =	smax.u32 s14, $0x1  }
0x14: {  	s13 =	sshrl.u32 s15, $0x3;
	s14 =	simm.s32 $0x3;
	s15 =	simm.s32 $0x1400  }
.LBB2_1:
0x15: {  	[spmem:s13], [sflag:s6] =	dma.local [hbm:s5], $0x2800  }
0x16: {  	_ =	swait.ge [sflag:s14], $0x2800  }
0x17: {  	[sflag:s14] =	ssyncset.done $0x0  }
0x18: {  	[sflag:s14] =	ssyncadd.s32 $0xFFFFD800  }
0x19: {  	[bflag:$0x0] =	sbarrier.arrive $0xFFFF  }
0x1a: {  	[tilespmem:s4], [sflag:$0x3] =	stream.linear.gather [hbm4b:s7+s4], $0x1400, $0x38;
	[tilespmem:$0x1E800] =	vst v63  }
0x1b: {  	_ =	swait.ge [sflag:s14], $0x1400  }
0x1c: {  	[sflag:s14] =	ssyncset.done $0x0  }
0x1d: {  	[sflag:s14] =	ssyncadd.s32 $0xFFFFEC00  }
0x1e: {  	[tilespmem:s15], [sflag:$0x3] =	stream.linear.gather [hbm4b:s8+s4], $0x1400, $0x38;
	[tilespmem:$0x1E800] =	vst v63  }
0x1f: {  	_ =	swait.ge [sflag:s14], $0x1400  }
0x20: {  	[sflag:s14] =	ssyncset.done $0x0  }
0x21: {  	[sflag:s14] =	ssyncadd.s32 $0xFFFFEC00  }
0x22: {  	[tilespmem:s17], [sflag:$0x1] =	stream.indirect.gather [hbm4b:s1+s16], $0x80, s4, s16, $0xb8;
	[tilespmem:$0x1E800] =	vst v63  }
0x23: {  	_ = 	snop  }
0x24: {  	[tilespmem:s18], [sflag:$0x2] =	stream.indirect.gather [hbm4b:s1+s16], $0x80, s16, s16, $0xb8;
	[tilespmem:$0x1E800] =	vst v63  }
0x25: {  	_ =	swait.ge [sflag:s19], $0x4000  }
0x26: {  	[sflag:s19] =	ssyncset.done $0x0  }
0x27: {  	s24 =	simm.s32 $0x1400;
	[sflag:s19] =	ssyncadd.s32 $0xFFFFC000  }
0x28: {  	[spmem:s3] =	stream.indirect.scatter.add.f32 [tilespmem:s17], [sflag:$0x3], $0x80, s24, s16, $0xb8;
	[tilespmem:$0x1E800] =	vst v63  }
0x29: {  	_ =	swait.ge [sflag:s14], $0x4000  }
0x2a: {  	[sflag:s14] =	ssyncset.done $0x0  }
0x2b: {  	s30 =	simm.s32 $0x100;
	[sflag:s14] =	ssyncadd.s32 $0xFFFFC000  }
0x2c: {  	[tilespmem:s17], [sflag:$0x1] =	stream.indirect.gather [hbm4b:s1+s16], $0x80, s30, s16, $0xb8;
	[tilespmem:$0x1E800] =	vst v63  }
0x2d: {  	_ =	swait.ge [sflag:s20], $0x4000  }
0x2e: {  	[sflag:s20] =	ssyncset.done $0x0  }
0x2f: {  	s31 =	simm.s32 $0x1480;
	[sflag:s20] =	ssyncadd.s32 $0xFFFFC000  }
0x30: {  	[spmem:s3] =	stream.indirect.scatter.add.f32 [tilespmem:s18], [sflag:$0x3], $0x80, s31, s16, $0xb8;
	[tilespmem:$0x1E800] =	vst v63  }
0x31: {  	_ =	swait.ge [sflag:s14], $0x4000  }
0x32: {  	[sflag:s14] =	ssyncset.done $0x0  }
0x33: {  	s25 =	simm.s32 $0x180;
	s24 =	simm.s32 $0x400;
	[sflag:s14] =	ssyncadd.s32 $0xFFFFC000  }
.LBB2_2:
0x34: {  	[tilespmem:s18], [sflag:$0x2] =	stream.indirect.gather [hbm4b:s1+s16], $0x80, s25, s16, $0xb8;
	[tilespmem:$0x1E800] =	vst v63  }
0x35: {  	s25 =	smov.u32 s24  }
0x36: {  	p0 =	sne.s32 s24, $0x4800;
	s24 =	sadd.s32 $0x400, s24;
	_ =	swait.ge [sflag:s19], $0x4000  }
0x37: {  	s25 =	sshra.s32 s25, $0x2;
	[sflag:s19] =	ssyncset.done $0x0  }
0x38: {  	s26 =	sadd.s32 $0x1400, s25;
	[sflag:s19] =	ssyncadd.s32 $0xFFFFC000  }
0x39: {  	[spmem:s3] =	stream.indirect.scatter.add.f32 [tilespmem:s17], [sflag:$0x3], $0x80, s26, s16, $0xb8;
	[tilespmem:$0x1E800] =	vst v63  }
0x3a: {  	_ =	swait.ge [sflag:s14], $0x4000  }
0x3b: {  	[sflag:s14] =	ssyncset.done $0x0  }
0x3c: {  	s26 =	sadd.s32 $0x100, s25;
	[sflag:s14] =	ssyncadd.s32 $0xFFFFC000  }
0x3d: {  	[tilespmem:s17], [sflag:$0x1] =	stream.indirect.gather [hbm4b:s1+s16], $0x80, s26, s16, $0xb8;
	[tilespmem:$0x1E800] =	vst v63  }
0x3e: {  	_ =	swait.ge [sflag:s20], $0x4000  }
0x3f: {  	[sflag:s20] =	ssyncset.done $0x0  }
.Ltmp0:
0x40: {  	s26 =	sadd.s32 $0x1480, s25;
	[sflag:s20] =	ssyncadd.s32 $0xFFFFC000;
	(pc) =	sbr.rel @p0 .LBB2_2-.Ltmp0, $4  }
0x41: {  	[spmem:s3] =	stream.indirect.scatter.add.f32 [tilespmem:s18], [sflag:$0x3], $0x80, s26, s16, $0xb8;
	[tilespmem:$0x1E800] =	vst v63  }
0x42: {  	_ =	swait.ge [sflag:s14], $0x4000  }
0x43: {  	[sflag:s14] =	ssyncset.done $0x0  }
0x44: {  	s25 =	sadd.s32 $0x180, s25;
	[sflag:s14] =	ssyncadd.s32 $0xFFFFC000  }
0x45: {  	[tilespmem:s18], [sflag:$0x2] =	stream.indirect.gather [hbm4b:s1+s16], $0x80, s25, s16, $0xb8;
	[tilespmem:$0x1E800] =	vst v63  }
0x46: {  	_ =	swait.ge [sflag:s19], $0x4000  }
0x47: {  	[sflag:s19] =	ssyncset.done $0x0  }
0x48: {  	[sflag:s19] =	ssyncadd.s32 $0xFFFFC000  }
0x49: {  	[spmem:s3] =	stream.indirect.scatter.add.f32 [tilespmem:s17], [sflag:$0x3], $0x80, s21, s16, $0xb8;
	[tilespmem:$0x1E800] =	vst v63  }
0x4a: {  	_ =	swait.ge [sflag:s14], $0x4000  }
0x4b: {  	[sflag:s14] =	ssyncset.done $0x0  }
0x4c: {  	[sflag:s14] =	ssyncadd.s32 $0xFFFFC000  }
0x4d: {  	_ =	swait.ge [sflag:s20], $0x4000  }
0x4e: {  	[sflag:s20] =	ssyncset.done $0x0  }
0x4f: {  	[sflag:s20] =	ssyncadd.s32 $0xFFFFC000  }
0x50: {  	[spmem:s3] =	stream.indirect.scatter.add.f32 [tilespmem:s18], [sflag:$0x3], $0x80, s22, s16, $0xb8;
	[tilespmem:$0x1E800] =	vst v63  }
0x51: {  	_ =	swait.ge [sflag:s14], $0x4000  }
0x52: {  	[sflag:s14] =	ssyncset.done $0x0  }
0x53: {  	s24 =	simm.s32 $0x0;
	[sflag:s14] =	ssyncadd.s32 $0xFFFFC000  }
0x54: {  	[tilespmem:s24], [sflag:$0x3] =	stream.linear.gather [hbm4b:s9+s24], $0x1400, $0x38;
	[tilespmem:$0x1E800] =	vst v63  }
0x55: {  	_ =	swait.ge [sflag:s14], $0x1400  }
0x56: {  	[sflag:s14] =	ssyncset.done $0x0  }
0x57: {  	[sflag:s14] =	ssyncadd.s32 $0xFFFFEC00  }
0x58: {  	[tilespmem:s15], [sflag:$0x3] =	stream.linear.gather [hbm4b:s10+s24], $0x1400, $0x38;
	[tilespmem:$0x1E800] =	vst v63  }
0x59: {  	_ =	swait.ge [sflag:s14], $0x1400  }
0x5a: {  	[sflag:s14] =	ssyncset.done $0x0  }
0x5b: {  	[sflag:s14] =	ssyncadd.s32 $0xFFFFEC00  }
0x5c: {  	[tilespmem:s17], [sflag:$0x1] =	stream.indirect.gather [hbm4b:s1+s16], $0x80, s24, s16, $0xb8;
	[tilespmem:$0x1E800] =	vst v63  }
0x5d: {  	_ = 	snop  }
0x5e: {  	[tilespmem:s18], [sflag:$0x2] =	stream.indirect.gather [hbm4b:s1+s16], $0x80, s16, s16, $0xb8;
	[tilespmem:$0x1E800] =	vst v63  }
0x5f: {  	_ =	swait.ge [sflag:s19], $0x4000  }
0x60: {  	[sflag:s19] =	ssyncset.done $0x0  }
0x61: {  	s29 =	simm.s32 $0x1400;
	[sflag:s19] =	ssyncadd.s32 $0xFFFFC000  }
0x62: {  	[spmem:s3] =	stream.indirect.scatter.add.f32 [tilespmem:s17], [sflag:$0x3], $0x80, s29, s16, $0xb8;
	[tilespmem:$0x1E800] =	vst v63  }
0x63: {  	_ =	swait.ge [sflag:s14], $0x4000  }
0x64: {  	[sflag:s14] =	ssyncset.done $0x0  }
0x65: {  	s30 =	simm.s32 $0x100;
	[sflag:s14] =	ssyncadd.s32 $0xFFFFC000  }
0x66: {  	[tilespmem:s17], [sflag:$0x1] =	stream.indirect.gather [hbm4b:s1+s16], $0x80, s30, s16, $0xb8;
	[tilespmem:$0x1E800] =	vst v63  }
0x67: {  	_ =	swait.ge [sflag:s20], $0x4000  }
0x68: {  	[sflag:s20] =	ssyncset.done $0x0  }
0x69: {  	s31 =	simm.s32 $0x1480;
	[sflag:s20] =	ssyncadd.s32 $0xFFFFC000  }
0x6a: {  	[spmem:s3] =	stream.indirect.scatter.add.f32 [tilespmem:s18], [sflag:$0x3], $0x80, s31, s16, $0xb8;
	[tilespmem:$0x1E800] =	vst v63  }
0x6b: {  	_ =	swait.ge [sflag:s14], $0x4000  }
0x6c: {  	[sflag:s14] =	ssyncset.done $0x0  }
0x6d: {  	s25 =	simm.s32 $0x180;
	s24 =	simm.s32 $0x400;
	[sflag:s14] =	ssyncadd.s32 $0xFFFFC000  }
.LBB2_4:
0x6e: {  	[tilespmem:s18], [sflag:$0x2] =	stream.indirect.gather [hbm4b:s1+s16], $0x80, s25, s16, $0xb8;
	[tilespmem:$0x1E800] =	vst v63  }
0x6f: {  	s25 =	smov.u32 s24  }
0x70: {  	p0 =	sne.s32 s24, $0x4800;
	s24 =	sadd.s32 $0x400, s24;
	_ =	swait.ge [sflag:s19], $0x4000  }
0x71: {  	s25 =	sshra.s32 s25, $0x2;
	[sflag:s19] =	ssyncset.done $0x0  }
0x72: {  	s26 =	sadd.s32 $0x1400, s25;
	[sflag:s19] =	ssyncadd.s32 $0xFFFFC000  }
0x73: {  	[spmem:s3] =	stream.indirect.scatter.add.f32 [tilespmem:s17], [sflag:$0x3], $0x80, s26, s16, $0xb8;
	[tilespmem:$0x1E800] =	vst v63  }
0x74: {  	_ =	swait.ge [sflag:s14], $0x4000  }
0x75: {  	[sflag:s14] =	ssyncset.done $0x0  }
0x76: {  	s26 =	sadd.s32 $0x100, s25;
	[sflag:s14] =	ssyncadd.s32 $0xFFFFC000  }
0x77: {  	[tilespmem:s17], [sflag:$0x1] =	stream.indirect.gather [hbm4b:s1+s16], $0x80, s26, s16, $0xb8;
	[tilespmem:$0x1E800] =	vst v63  }
0x78: {  	_ =	swait.ge [sflag:s20], $0x4000  }
0x79: {  	[sflag:s20] =	ssyncset.done $0x0  }
.Ltmp1:
0x7a: {  	s26 =	sadd.s32 $0x1480, s25;
	[sflag:s20] =	ssyncadd.s32 $0xFFFFC000;
	(pc) =	sbr.rel @p0 .LBB2_4-.Ltmp1, $4  }
0x7b: {  	[spmem:s3] =	stream.indirect.scatter.add.f32 [tilespmem:s18], [sflag:$0x3], $0x80, s26, s16, $0xb8;
	[tilespmem:$0x1E800] =	vst v63  }
0x7c: {  	_ =	swait.ge [sflag:s14], $0x4000  }
0x7d: {  	[sflag:s14] =	ssyncset.done $0x0  }
0x7e: {  	s25 =	sadd.s32 $0x180, s25;
	[sflag:s14] =	ssyncadd.s32 $0xFFFFC000  }
0x7f: {  	[tilespmem:s18], [sflag:$0x2] =	stream.indirect.gather [hbm4b:s1+s16], $0x80, s25, s16, $0xb8;
	[tilespmem:$0x1E800] =	vst v63  }
0x80: {  	_ =	swait.ge [sflag:s19], $0x4000  }
0x81: {  	[sflag:s19] =	ssyncset.done $0x0  }
0x82: {  	[sflag:s19] =	ssyncadd.s32 $0xFFFFC000  }
0x83: {  	[spmem:s3] =	stream.indirect.scatter.add.f32 [tilespmem:s17], [sflag:$0x3], $0x80, s21, s16, $0xb8;
	[tilespmem:$0x1E800] =	vst v63  }
0x84: {  	_ =	swait.ge [sflag:s14], $0x4000  }
0x85: {  	[sflag:s14] =	ssyncset.done $0x0  }
0x86: {  	[sflag:s14] =	ssyncadd.s32 $0xFFFFC000  }
0x87: {  	_ =	swait.ge [sflag:s20], $0x4000  }
0x88: {  	[sflag:s20] =	ssyncset.done $0x0  }
0x89: {  	[sflag:s20] =	ssyncadd.s32 $0xFFFFC000  }
0x8a: {  	[spmem:s3] =	stream.indirect.scatter.add.f32 [tilespmem:s18], [sflag:$0x3], $0x80, s22, s16, $0xb8;
	[tilespmem:$0x1E800] =	vst v63  }
0x8b: {  	_ =	swait.ge [sflag:s14], $0x4000  }
0x8c: {  	s23 =	sadd.s32 $0x1, s23;
	[sflag:s14] =	ssyncset.done $0x0  }
0x8d: {  	p0 =	sne.s32 s23, s12;
	[sflag:s14] =	ssyncadd.s32 $0xFFFFC000  }
.Ltmp2:
0x8e: {  	[bflag:$0x0] =	sbarrier.arrive $0xFFFF;
	(pc) =	sbr.rel @p0 .LBB2_1-.Ltmp2, $4  }
0x8f: {  	[hbm:s11], [sflag:s6] =	dma.local [spmem:s13], $0x2800  }
0x90: {  	_ =	swait.ge [sflag:s14], $0x2800  }
0x91: {  	[sflag:s14] =	ssyncset.done $0x0  }
0x92: {  	[sflag:s14] =	ssyncadd.s32 $0xFFFFD800  }
0x93: {  	_ =	sfence.sel $0x180000  }
0x94: {  	[bflag:$0x0] =	sbarrier.arrive $0xFFFF  }
0x95: {  	p0 =	sne.s32 s2, $0x0;
	_ =	strace $0x9000004A  }
0x96: {  	s0 =	sadd.s32 @!p0 $0x100000, s0;
	[bflag:$0x2] =	sbarrier.arrive $0xFFFF  }
0x97: {  	[sflag:s0] =	ssyncadd.tile.s32 @!p0 $0x1;
	_ =	shalt  }
.Lfunc_end2:
_tile_overlayer_lowered:
.L_overlay_start_2:
0x98: {  	(tag) =	ssettag $0x2  }
0x99: {  	s0 =	rddreg [dreg:$0x0];
	s2 =	stileid.u32  }
0x9a: {  	s1 =	rddreg [dreg:$0x1];
	p0 =	sne.s32 s2, $0x0  }
0x9b: {  	s3 =	rddreg [dreg:$0x2];
	[bflag:$0x3] =	sbarrier.arrive $0xFFFF;
	s2 =	simm.s32 @!p0 $0x1C03  }
0x9c: {  	[timem:s3], [sflag:s2] =	dma.local @!p0 [hbm:s0], s1  }
0x9d: {  	s0 =	simm.s32 @!p0 $0x3  }
0x9e: {  	_ =	swait.ge @!p0 [sflag:s0], s1  }
0x9f: {  	s1 =	ssub.s32 @!p0 $0x0, s1;
	[sflag:s0] =	ssyncset.done @!p0 $0x0  }
0xa0: {  	[sflag:s0] =	ssyncadd.s32 @!p0 s1  }
0xa1: {  	[bflag:$0x3] =	sbarrier.arrive $0xFFFF  }
0xa2: {  	_ =	shalt  }

// kernel: kernel.14.cloned.1.call-start
scs
__scs_entry_jumppad:
0x0: {  	(pc) =	sbr.rel $0x88, $3  }
0x1: {  	(tag) =	ssettag $0x0;
	lr =	simm.s32 $0x1  }
0x2: {  	[smem:$0x3F99] =	sst lr;
	_ =	strace $0xD0000000  }
0x3: {  	_ = 	snop  }
0x4: {  	_ = 	snop  }
0x5: {  	_ = 	snop  }
0x6: {  	_ = 	snop  }
0x7: {  	_ = 	snop  }
__scs_overlays_trampoline_lowered:
0x8: {  	[smem:$0x3FA8] =	sst s0  }
0x9: {  	[smem:$0x3FA9] =	sst s1  }
0xa: {  	[smem:$0x3FAA] =	sst s2  }
0xb: {  	[smem:$0x3FAB] =	sst s3  }
0xc: {  	[smem:$0x3FAC] =	sst s4  }
0xd: {  	[smem:$0x3FAD] =	sst s5  }
0xe: {  	[smem:$0x3FAE] =	sst s6  }
0xf: {  	[smem:$0x3FAF] =	sst s7  }
0x10: {  	[smem:$0x3FB0] =	sst s8  }
0x11: {  	[smem:$0x3FB1] =	sst s9;
	s0 =	simm.s32 @!p0 $0x0  }
0x12: {  	s1 =	sld [smem:$0x3F97];
	s0 =	simm.s32 @p0 $0x1  }
0x13: {  	[smem:$0x3FB2] =	sst s0;
	s0 =	simm.s32 @!p1 $0x0  }
0x14: {  	s2 =	sld [smem:$0x3F96];
	s0 =	simm.s32 @p1 $0x1  }
0x15: {  	[smem:$0x3FB3] =	sst s0;
	s0 =	simm.s32 @!p2 $0x0  }
0x16: {  	s3 =	sld [smem:$0x3FDB];
	s0 =	simm.s32 @p2 $0x1  }
0x17: {  	s4 =	simm.s32 $0x1BF5;
	[smem:$0x3FB5] =	sst s0  }
0x18: {  	s0 =	sld [smem:$0x3F98];
	_ =	swait.ge [sflag:s4], $0x0  }
0x19: {  	s7 =	sld [smem:$0x3F99]  }
0x1a: {  	s8 =	sadd.s32 $0xFFFFE003, lr  }
0x1b: {  	s9 =	sadd.s32 $0xFFFFFEF7, lr;
	s5 =	simm.s32 $0xFFFFFFFF;
	p2 =	slt.u32 s8, $0xFFFFF086  }
0x1c: {  	p1 =	slt.u32 s9, $0xF7A;
	s5 =	simm.s32 @!p2 $0x0  }
0x1d: {  	s5 =	simm.s32 @p1 $0x1;
	p0 =	seq.s32 s7, s2  }
0x1e: {  	s7 =	smul.u32 @!p0 $0xF7A, s2;
	p2 =	seq.s32 @!p0 s5, $0x0  }
0x1f: {  	s9 =	smul.u32 $0xF7A, s1;
	s8 =	simm.s32 @!p0 $0x1BF5;
	p2 =	por !p2, p0  }
0x20: {  	[sflag:s8] =	ssyncset.s32 @!p0 $0xFFFFF086;
	s6 =	sadd.s32 @!p0 s3, s7;
	s7 =	simm.s32 @!p0 $0x108  }
0x21: {  	s3 =	sadd.s32 s3, s9;
	s6 =	sadd.s32 @!p0 $0x88, s6;
	s7 =	simm.s32 @p2 $0x1082  }
0x22: {  	[simem:s7], [sflag:s8] =	dma.local @!p0 [hbm:s6], $0xF7A  }
0x23: {  	s9 =	sor.u32 $0xD0000000, s2;
	s6 =	simm.s32 $0x108;
	_ =	swait.ge @!p0 [sflag:s8], $0x0  }
0x24: {  	s3 =	sadd.s32 $0x88, s3;
	s6 =	simm.s32 @!p1 $0x1082;
	[sflag:s4] =	ssyncset.s32 $0xFFFFF086  }
0x25: {  	[simem:s6], [sflag:s4] =	dma.local [hbm:s3], $0xF7A  }
0x26: {  	[smem:$0x3F99] =	sst s1;
	(tag) =	ssettag s2;
	_ =	strace s9  }
0x27: {  	s1 =	sld [smem:$0x3FA9]  }
0x28: {  	s2 =	sld [smem:$0x3FAA]  }
0x29: {  	s4 =	sld [smem:$0x3FAC]  }
0x2a: {  	p0 =	seq.s32 s5, $0x0;
	s5 =	sld [smem:$0x3FAD]  }
0x2b: {  	s6 =	sld [smem:$0x3FAE]  }
0x2c: {  	s7 =	sld [smem:$0x3FAF]  }
0x2d: {  	s3 =	simm.s32 $0x108;
	s8 =	sld [smem:$0x3FB0]  }
0x2e: {  	s3 =	simm.s32 @!p0 $0x1082;
	s9 =	sld [smem:$0x3FB1]  }
0x2f: {  	lr =	sadd.s32 s0, s3;
	s0 =	sld [smem:$0x3FA8]  }
0x30: {  	s3 =	sld [smem:$0x3FAB]  }
0x31: {  	[smem:$0x3FB4] =	sst s10  }
0x32: {  	s10 =	sld [smem:$0x3FB2];
	_ =	sdelay $0x3  }
0x33: {  	p0 =	seq.s32 s10, $0x1;
	s10 =	sld [smem:$0x3FB4];
	_ =	sdelay $0x3  }
0x34: {  	[smem:$0x3FB4] =	sst s10  }
0x35: {  	s10 =	sld [smem:$0x3FB3];
	_ =	sdelay $0x3  }
0x36: {  	p1 =	seq.s32 s10, $0x1;
	s10 =	sld [smem:$0x3FB4];
	_ =	sdelay $0x3  }
0x37: {  	[smem:$0x3FB4] =	sst s10  }
0x38: {  	s10 =	sld [smem:$0x3FB5]  }
0x39: {  	_ = 	snop;
	(pc) =	sbr.ind lr, $3  }
0x3a: {  	_ = 	snop  }
0x3b: {  	_ = 	snop  }
0x3c: {  	p2 =	seq.s32 s10, $0x1;
	s10 =	sld [smem:$0x3FB4]  }
0x3d: {  	_ =	shalt  }
0x3e: {  	_ =	shalt  }
0x3f: {  	_ =	shalt  }
0x40: {  	_ =	shalt  }
0x41: {  	_ =	shalt  }
0x42: {  	_ =	shalt  }
0x43: {  	_ =	shalt  }
0x44: {  	_ =	shalt  }
0x45: {  	_ =	shalt  }
0x46: {  	_ =	shalt  }
0x47: {  	_ =	shalt  }
0x48: {  	_ =	shalt  }
0x49: {  	_ =	shalt  }
0x4a: {  	_ =	shalt  }
0x4b: {  	_ =	shalt  }
0x4c: {  	_ =	shalt  }
0x4d: {  	_ =	shalt  }
0x4e: {  	_ =	shalt  }
0x4f: {  	_ =	shalt  }
0x50: {  	_ =	shalt  }
0x51: {  	_ =	shalt  }
0x52: {  	_ =	shalt  }
0x53: {  	_ =	shalt  }
0x54: {  	_ =	shalt  }
0x55: {  	_ =	shalt  }
0x56: {  	_ =	shalt  }
0x57: {  	_ =	shalt  }
0x58: {  	_ =	shalt  }
0x59: {  	_ =	shalt  }
0x5a: {  	_ =	shalt  }
0x5b: {  	_ =	shalt  }
0x5c: {  	_ =	shalt  }
0x5d: {  	_ =	shalt  }
0x5e: {  	_ =	shalt  }
0x5f: {  	_ =	shalt  }
0x60: {  	_ =	shalt  }
0x61: {  	_ =	shalt  }
0x62: {  	_ =	shalt  }
0x63: {  	_ =	shalt  }
0x64: {  	_ =	shalt  }
0x65: {  	_ =	shalt  }
0x66: {  	_ =	shalt  }
0x67: {  	_ =	shalt  }
0x68: {  	_ =	shalt  }
0x69: {  	_ =	shalt  }
0x6a: {  	_ =	shalt  }
0x6b: {  	_ =	shalt  }
0x6c: {  	_ =	shalt  }
0x6d: {  	_ =	shalt  }
0x6e: {  	_ =	shalt  }
0x6f: {  	_ =	shalt  }
0x70: {  	_ =	shalt  }
0x71: {  	_ =	shalt  }
0x72: {  	_ =	shalt  }
0x73: {  	_ =	shalt  }
0x74: {  	_ =	shalt  }
0x75: {  	_ =	shalt  }
0x76: {  	_ =	shalt  }
0x77: {  	_ =	shalt  }
0x78: {  	_ =	shalt  }
0x79: {  	_ =	shalt  }
0x7a: {  	_ =	shalt  }
0x7b: {  	_ =	shalt  }
0x7c: {  	_ =	shalt  }
0x7d: {  	_ =	shalt  }
0x7e: {  	_ =	shalt  }
0x7f: {  	_ =	shalt  }
0x80: {  	_ =	shalt  }
0x81: {  	_ =	shalt  }
0x82: {  	_ =	shalt  }
0x83: {  	_ =	shalt  }
0x84: {  	_ =	shalt  }
0x85: {  	_ =	shalt  }
0x86: {  	_ =	shalt  }
0x87: {  	_ =	shalt  }
.Lfunc_end0:
.L_simem_size_0:
called_computation.2_lowered:
.L_overlay_start_0:
0x88: {  	s2 =	sld [smem:$0x3FD9]  }
0x89: {  	s3 =	sld [smem:$0x3FFE];
	_ =	sdelay $0x1  }
0x8a: {  	s1 =	srdreg.scid  }
0x8b: {  	s0 =	sand.u32 $0x1, s1  }
0x8c: {  	s14 =	sshll.u32 s0, $0xA;
	s2 =	sadd.s32 s3, s2  }
0x8d: {  	s2 =	sadd.s32 s2, s14  }
0x8e: {  	[smem:$0x3FC0] =	sst s2  }
0x8f: {  	_ = 	snop  }
0x90: {  	s2 =	sld [smem:$0x3FD0];
	_ =	sdelay $0x2  }
0x91: {  	s15 =	simm.s32 $0xA;
	s4 =	simm.s32 $0x10  }
0x92: {  	[smem:s4], [sflag:s15] =	dma.local [hbm:s2], $0x1  }
0x93: {  	_ =	swait.eq [sflag:s15], $0x1  }
0x94: {  	[sflag:s15] =	ssyncset.done $0x0  }
0x95: {  	s16 =	sld [smem:$0x10];
	[sflag:s15] =	ssyncadd.s32 $0xFFFFFFFF  }
0x96: {  	s17 =	sld [smem:$0x11];
	(tm) =	ssettm $0x1  }
0x97: {  	s18 =	sld [smem:$0x3FFB];
	_ =	sdelay $0x3  }
0x98: {  	_ =	strace s18  }
0x99: {  	s4 =	sld [smem:$0x3FFC];
	_ =	sdelay $0x3  }
0x9a: {  	_ =	strace s4  }
0x9b: {  	s4 =	sld [smem:$0x3FFD];
	_ =	sdelay $0x3  }
0x9c: {  	_ =	strace s4  }
0x9d: {  	_ =	strace $0x8FFFFFFF  }
0x9e: {  	s19 =	sld [smem:$0x3FDB];
	_ =	sdelay $0x1  }
0x9f: {  	s5 =	simm.s32 $_scs_section_size  }
0xa0: {  	s6 =	simm.s32 $_size__tile_overlayer_lowered;
	s7 =	simm.s32 $_tile_overlayer_lowered  }
0xa1: {  	s22 =	simm.s32 $0x1BFF;
	s21 =	sshll.u32 s7, $0x1;
	s4 =	sadd.s32 s5, s19  }
0xa2: {  	s8 =	simm.s32 $0x0;
	s20 =	sshll.u32 s6, $0x1;
	s6 =	sadd.s32 s21, s4  }
0xa3: {  	[timem:s8], [sflag:s22] =	dma.local [hbm:s6], s20  }
0xa4: {  	_ =	swait.ge [sflag:s22], s20  }
0xa5: {  	s5 =	ssub.s32 $0x0, s20;
	[sflag:s22] =	ssyncset.done $0x0  }
0xa6: {  	[sflag:s22] =	ssyncadd.s32 s5;
	_ =	sdelay $0x1  }
0xa7: {  	s23 =	simm.s32 $0x1B8B  }
0xa8: {  	_ =	swait.ge [sflag:s23], $0x1  }
0xa9: {  	[sflag:s23] =	ssyncset.done $0x0  }
0xaa: {  	s25 =	simm.s32 $0x1B8E;
	s24 =	sld [smem:$0x3FFE];
	[sflag:s23] =	ssyncadd.s32 $0xFFFFFFFF  }
0xab: {  	s26 =	simm.s32 $execute0_lowered;
	[smem:$0x3FD2] =	sst s25  }
0xac: {  	s6 =	sshll.u32 s26, $0x1;
	_ =	strace $0x8000004C;
	[dreg:$0x1] =	wrdreg $0xFFFFFFFF  }
0xad: {  	s28 =	simm.s32 $_size_execute0_lowered;
	s4 =	sadd.s32 s4, s6;
	[dreg:$0x0] =	wrdreg $0x0  }
0xae: {  	s6 =	sshll.u32 s28, $0x1;
	[dreg:$0x2] =	wrdreg s4  }
0xaf: {  	[dreg:$0x3] =	wrdreg s6  }
0xb0: {  	[dreg:$0x4] =	wrdreg $0xC0  }
0xb1: {  	_ =	task [dreg:s8], $0x5FFFF  }
0xb2: {  	[dreg:$0x1] =	wrdreg $0xFFFFFFFF  }
0xb3: {  	[dreg:$0x0] =	wrdreg $0x60  }
0xb4: {  	[dreg:$0x2] =	wrdreg s17  }
0xb5: {  	[dreg:$0x3] =	wrdreg s24  }
0xb6: {  	[dreg:$0x4] =	wrdreg s16  }
0xb7: {  	[dreg:$0x5] =	wrdreg $0xA8000  }
0xb8: {  	[dreg:$0x6] =	wrdreg $0x9  }
0xb9: {  	_ =	task.clear_ibuf [dreg:s8], $0x7FFFF;
	_ =	strace $0x9000004C  }
0xba: {  	s29 =	simm.s32 $0x9;
	_ =	strace $0x8000004E  }
0xbb: {  	_ =	swait.ge [sflag:s29], $0x1  }
0xbc: {  	[sflag:s29] =	ssyncadd.s32 $0xFFFFFFFF  }
0xbd: {  	_ =	strace $0x9000004E  }
0xbe: {  	_ =	sfence  }
0xbf: {  	s30 =	sld [smem:$0x0];
	_ =	sdelay $0x2  }
0xc0: {  	s31 =	sshll.u32 s1, $0xD;
	s1 =	sshrl.u32 s1, $0x2  }
0xc1: {  	s3 =	sand.u32 $0x4000, s31;
	s1 =	sadd.s32 s1, s30  }
0xc2: {  	s0 =	sor.u32 s3, s0;
	s1 =	sshll.u32 s1, $0x11  }
0xc3: {  	s0 =	sor.u32 s1, s0  }
0xc4: {  	s0 =	sadd.s32 $0x8F2B, s0  }
0xc5: {  	[sflag:s0] =	ssyncadd.remote.s32 $0x1  }
0xc6: {  	_ =	sfence.sel $0xFFFF  }
0xc7: {  	[dreg:$0x0] =	wrdreg $0xFFFFFFFF;
	(pc) =	sbr.abs _section_cstart, $3  }
0xc8: {  	[dreg:$0x1] =	wrdreg $0xFFFFFFFF  }
0xc9: {  	_ =	task.clear_ibuf [dreg:s8], $0x2FFFF;
	_ =	strace $0x9FFFFFFF  }
0xca: {  	(tm) =	ssettm $0x7FFFFFFF  }
0xcb: {  	_ =	shalt  }
tec
execute0_lowered:
.L_overlay_start_1:
0x0: {  	(tag) =	ssettag $0x1  }
0x1: {  	s1 =	rddreg [dreg:$0x0]  }
0x2: {  	s5 =	rddreg [dreg:$0x1]  }
0x3: {  	s10 =	rddreg [dreg:$0x2]  }
0x4: {  	s3 =	rddreg [dreg:$0x3]  }
0x5: {  	s0 =	rddreg [dreg:$0x4]  }
0x6: {  	s2 =	stileid.u32;
	s6 =	srdreg.scid;
	s4 =	simm.s32 $0x0  }
0x7: {  	s16 =	simm.s32 $0x80;
	s17 =	simm.s32 $0x2800;
	s18 =	simm.s32 $0x6800  }
0x8: {  	s19 =	simm.s32 $0x1;
	s20 =	simm.s32 $0x2;
	s21 =	simm.s32 $0x2700  }
0x9: {  	s22 =	simm.s32 $0x2780;
	s23 =	simm.s32 $0x0;
	s7 =	smul.u32 $0x14000, s2  }
0xa: {  	s6 =	sand.u32 $0x1, s6;
	[smem:$0x7FF] =	sst s4;
	s11 =	sadd.s32 $0x3800, s5  }
0xb: {  	s26 =	smul.u32 $0x50000, s2;
	s12 =	sshll.u32 s2, $0x1;
	s30 =	sshll.u32 s2, $0x6  }
0xc: {  	s8 =	smul.u32 $0x140000, s6;
	_ =	strace $0x8000004D;
	s28 =	ssub.s32 $0x2, s6  }
0xd: {  	s6 =	sor.u32 s6, s12;
	s9 =	sshrl.u32 s7, $0x3;
	s29 =	sshrl.u32 s28, $0x1  }
0xe: {  	s12 =	smul.u32 $0x2800, s6;
	s6 =	sor.u32 $0x1C03, s30;
	s9 =	sadd.s32 s9, s5  }
0xf: {  	s7 =	sadd.s32 s7, s8;
	s8 =	sshrl.u32 s26, $0x2;
	s14 =	ssub.s32 s28, s29  }
0x10: {  	s7 =	sshrl.u32 s7, $0x3;
	s15 =	sadd.s32 s8, s3;
	s31 =	sshrl.u32 s12, $0x3  }
0x11: {  	s13 =	sadd.s32 s7, s5;
	s5 =	sadd.s32 $0x34A00, s9;
	s12 =	sadd.s32 $0x280, s31  }
0x12: {  	s7 =	sadd.s32 s11, s31;
	s8 =	sadd.s32 s10, s31;
	s9 =	sadd.s32 s11, s12  }
0x13: {  	s10 =	sadd.s32 s10, s12;
	s11 =	sadd.s32 $0x5CA00, s13;
	s12 =	smax.u32 s14, $0x1  }
0x14: {  	s13 =	sshrl.u32 s15, $0x3;
	s14 =	simm.s32 $0x3;
	s15 =	simm.s32 $0x1400  }
.LBB2_1:
0x15: {  	[spmem:s13], [sflag:s6] =	dma.local [hbm:s5], $0x2800  }
0x16: {  	_ =	swait.ge [sflag:s14], $0x2800  }
0x17: {  	[sflag:s14] =	ssyncset.done $0x0  }
0x18: {  	[sflag:s14] =	ssyncadd.s32 $0xFFFFD800  }
0x19: {  	[bflag:$0x0] =	sbarrier.arrive $0xFFFF  }
0x1a: {  	[tilespmem:s4], [sflag:$0x3] =	stream.linear.gather [hbm4b:s7+s4], $0x1400, $0x38;
	[tilespmem:$0x1E800] =	vst v63  }
0x1b: {  	_ =	swait.ge [sflag:s14], $0x1400  }
0x1c: {  	[sflag:s14] =	ssyncset.done $0x0  }
0x1d: {  	[sflag:s14] =	ssyncadd.s32 $0xFFFFEC00  }
0x1e: {  	[tilespmem:s15], [sflag:$0x3] =	stream.linear.gather [hbm4b:s8+s4], $0x1400, $0x38;
	[tilespmem:$0x1E800] =	vst v63  }
0x1f: {  	_ =	swait.ge [sflag:s14], $0x1400  }
0x20: {  	[sflag:s14] =	ssyncset.done $0x0  }
0x21: {  	[sflag:s14] =	ssyncadd.s32 $0xFFFFEC00  }
0x22: {  	[tilespmem:s17], [sflag:$0x1] =	stream.indirect.gather [hbm4b:s1+s16], $0x80, s4, s16, $0xb8;
	[tilespmem:$0x1E800] =	vst v63  }
0x23: {  	_ = 	snop  }
0x24: {  	[tilespmem:s18], [sflag:$0x2] =	stream.indirect.gather [hbm4b:s1+s16], $0x80, s16, s16, $0xb8;
	[tilespmem:$0x1E800] =	vst v63  }
0x25: {  	_ =	swait.ge [sflag:s19], $0x4000  }
0x26: {  	[sflag:s19] =	ssyncset.done $0x0  }
0x27: {  	s24 =	simm.s32 $0x1400;
	[sflag:s19] =	ssyncadd.s32 $0xFFFFC000  }
0x28: {  	[spmem:s3] =	stream.indirect.scatter.add.f32 [tilespmem:s17], [sflag:$0x3], $0x80, s24, s16, $0xb8;
	[tilespmem:$0x1E800] =	vst v63  }
0x29: {  	_ =	swait.ge [sflag:s14], $0x4000  }
0x2a: {  	[sflag:s14] =	ssyncset.done $0x0  }
0x2b: {  	s30 =	simm.s32 $0x100;
	[sflag:s14] =	ssyncadd.s32 $0xFFFFC000  }
0x2c: {  	[tilespmem:s17], [sflag:$0x1] =	stream.indirect.gather [hbm4b:s1+s16], $0x80, s30, s16, $0xb8;
	[tilespmem:$0x1E800] =	vst v63  }
0x2d: {  	_ =	swait.ge [sflag:s20], $0x4000  }
0x2e: {  	[sflag:s20] =	ssyncset.done $0x0  }
0x2f: {  	s31 =	simm.s32 $0x1480;
	[sflag:s20] =	ssyncadd.s32 $0xFFFFC000  }
0x30: {  	[spmem:s3] =	stream.indirect.scatter.add.f32 [tilespmem:s18], [sflag:$0x3], $0x80, s31, s16, $0xb8;
	[tilespmem:$0x1E800] =	vst v63  }
0x31: {  	_ =	swait.ge [sflag:s14], $0x4000  }
0x32: {  	[sflag:s14] =	ssyncset.done $0x0  }
0x33: {  	s25 =	simm.s32 $0x180;
	s24 =	simm.s32 $0x400;
	[sflag:s14] =	ssyncadd.s32 $0xFFFFC000  }
.LBB2_2:
0x34: {  	[tilespmem:s18], [sflag:$0x2] =	stream.indirect.gather [hbm4b:s1+s16], $0x80, s25, s16, $0xb8;
	[tilespmem:$0x1E800] =	vst v63  }
0x35: {  	s25 =	smov.u32 s24  }
0x36: {  	p0 =	sne.s32 s24, $0x4800;
	s24 =	sadd.s32 $0x400, s24;
	_ =	swait.ge [sflag:s19], $0x4000  }
0x37: {  	s25 =	sshra.s32 s25, $0x2;
	[sflag:s19] =	ssyncset.done $0x0  }
0x38: {  	s26 =	sadd.s32 $0x1400, s25;
	[sflag:s19] =	ssyncadd.s32 $0xFFFFC000  }
0x39: {  	[spmem:s3] =	stream.indirect.scatter.add.f32 [tilespmem:s17], [sflag:$0x3], $0x80, s26, s16, $0xb8;
	[tilespmem:$0x1E800] =	vst v63  }
0x3a: {  	_ =	swait.ge [sflag:s14], $0x4000  }
0x3b: {  	[sflag:s14] =	ssyncset.done $0x0  }
0x3c: {  	s26 =	sadd.s32 $0x100, s25;
	[sflag:s14] =	ssyncadd.s32 $0xFFFFC000  }
0x3d: {  	[tilespmem:s17], [sflag:$0x1] =	stream.indirect.gather [hbm4b:s1+s16], $0x80, s26, s16, $0xb8;
	[tilespmem:$0x1E800] =	vst v63  }
0x3e: {  	_ =	swait.ge [sflag:s20], $0x4000  }
0x3f: {  	[sflag:s20] =	ssyncset.done $0x0  }
.Ltmp0:
0x40: {  	s26 =	sadd.s32 $0x1480, s25;
	[sflag:s20] =	ssyncadd.s32 $0xFFFFC000;
	(pc) =	sbr.rel @p0 .LBB2_2-.Ltmp0, $4  }
0x41: {  	[spmem:s3] =	stream.indirect.scatter.add.f32 [tilespmem:s18], [sflag:$0x3], $0x80, s26, s16, $0xb8;
	[tilespmem:$0x1E800] =	vst v63  }
0x42: {  	_ =	swait.ge [sflag:s14], $0x4000  }
0x43: {  	[sflag:s14] =	ssyncset.done $0x0  }
0x44: {  	s25 =	sadd.s32 $0x180, s25;
	[sflag:s14] =	ssyncadd.s32 $0xFFFFC000  }
0x45: {  	[tilespmem:s18], [sflag:$0x2] =	stream.indirect.gather [hbm4b:s1+s16], $0x80, s25, s16, $0xb8;
	[tilespmem:$0x1E800] =	vst v63  }
0x46: {  	_ =	swait.ge [sflag:s19], $0x4000  }
0x47: {  	[sflag:s19] =	ssyncset.done $0x0  }
0x48: {  	[sflag:s19] =	ssyncadd.s32 $0xFFFFC000  }
0x49: {  	[spmem:s3] =	stream.indirect.scatter.add.f32 [tilespmem:s17], [sflag:$0x3], $0x80, s21, s16, $0xb8;
	[tilespmem:$0x1E800] =	vst v63  }
0x4a: {  	_ =	swait.ge [sflag:s14], $0x4000  }
0x4b: {  	[sflag:s14] =	ssyncset.done $0x0  }
0x4c: {  	[sflag:s14] =	ssyncadd.s32 $0xFFFFC000  }
0x4d: {  	_ =	swait.ge [sflag:s20], $0x4000  }
0x4e: {  	[sflag:s20] =	ssyncset.done $0x0  }
0x4f: {  	[sflag:s20] =	ssyncadd.s32 $0xFFFFC000  }
0x50: {  	[spmem:s3] =	stream.indirect.scatter.add.f32 [tilespmem:s18], [sflag:$0x3], $0x80, s22, s16, $0xb8;
	[tilespmem:$0x1E800] =	vst v63  }
0x51: {  	_ =	swait.ge [sflag:s14], $0x4000  }
0x52: {  	[sflag:s14] =	ssyncset.done $0x0  }
0x53: {  	s24 =	simm.s32 $0x0;
	[sflag:s14] =	ssyncadd.s32 $0xFFFFC000  }
0x54: {  	[tilespmem:s24], [sflag:$0x3] =	stream.linear.gather [hbm4b:s9+s24], $0x1400, $0x38;
	[tilespmem:$0x1E800] =	vst v63  }
0x55: {  	_ =	swait.ge [sflag:s14], $0x1400  }
0x56: {  	[sflag:s14] =	ssyncset.done $0x0  }
0x57: {  	[sflag:s14] =	ssyncadd.s32 $0xFFFFEC00  }
0x58: {  	[tilespmem:s15], [sflag:$0x3] =	stream.linear.gather [hbm4b:s10+s24], $0x1400, $0x38;
	[tilespmem:$0x1E800] =	vst v63  }
0x59: {  	_ =	swait.ge [sflag:s14], $0x1400  }
0x5a: {  	[sflag:s14] =	ssyncset.done $0x0  }
0x5b: {  	[sflag:s14] =	ssyncadd.s32 $0xFFFFEC00  }
0x5c: {  	[tilespmem:s17], [sflag:$0x1] =	stream.indirect.gather [hbm4b:s1+s16], $0x80, s24, s16, $0xb8;
	[tilespmem:$0x1E800] =	vst v63  }
0x5d: {  	_ = 	snop  }
0x5e: {  	[tilespmem:s18], [sflag:$0x2] =	stream.indirect.gather [hbm4b:s1+s16], $0x80, s16, s16, $0xb8;
	[tilespmem:$0x1E800] =	vst v63  }
0x5f: {  	_ =	swait.ge [sflag:s19], $0x4000  }
0x60: {  	[sflag:s19] =	ssyncset.done $0x0  }
0x61: {  	s29 =	simm.s32 $0x1400;
	[sflag:s19] =	ssyncadd.s32 $0xFFFFC000  }
0x62: {  	[spmem:s3] =	stream.indirect.scatter.add.f32 [tilespmem:s17], [sflag:$0x3], $0x80, s29, s16, $0xb8;
	[tilespmem:$0x1E800] =	vst v63  }
0x63: {  	_ =	swait.ge [sflag:s14], $0x4000  }
0x64: {  	[sflag:s14] =	ssyncset.done $0x0  }
0x65: {  	s30 =	simm.s32 $0x100;
	[sflag:s14] =	ssyncadd.s32 $0xFFFFC000  }
0x66: {  	[tilespmem:s17], [sflag:$0x1] =	stream.indirect.gather [hbm4b:s1+s16], $0x80, s30, s16, $0xb8;
	[tilespmem:$0x1E800] =	vst v63  }
0x67: {  	_ =	swait.ge [sflag:s20], $0x4000  }
0x68: {  	[sflag:s20] =	ssyncset.done $0x0  }
0x69: {  	s31 =	simm.s32 $0x1480;
	[sflag:s20] =	ssyncadd.s32 $0xFFFFC000  }
0x6a: {  	[spmem:s3] =	stream.indirect.scatter.add.f32 [tilespmem:s18], [sflag:$0x3], $0x80, s31, s16, $0xb8;
	[tilespmem:$0x1E800] =	vst v63  }
0x6b: {  	_ =	swait.ge [sflag:s14], $0x4000  }
0x6c: {  	[sflag:s14] =	ssyncset.done $0x0  }
0x6d: {  	s25 =	simm.s32 $0x180;
	s24 =	simm.s32 $0x400;
	[sflag:s14] =	ssyncadd.s32 $0xFFFFC000  }
.LBB2_4:
0x6e: {  	[tilespmem:s18], [sflag:$0x2] =	stream.indirect.gather [hbm4b:s1+s16], $0x80, s25, s16, $0xb8;
	[tilespmem:$0x1E800] =	vst v63  }
0x6f: {  	s25 =	smov.u32 s24  }
0x70: {  	p0 =	sne.s32 s24, $0x4800;
	s24 =	sadd.s32 $0x400, s24;
	_ =	swait.ge [sflag:s19], $0x4000  }
0x71: {  	s25 =	sshra.s32 s25, $0x2;
	[sflag:s19] =	ssyncset.done $0x0  }
0x72: {  	s26 =	sadd.s32 $0x1400, s25;
	[sflag:s19] =	ssyncadd.s32 $0xFFFFC000  }
0x73: {  	[spmem:s3] =	stream.indirect.scatter.add.f32 [tilespmem:s17], [sflag:$0x3], $0x80, s26, s16, $0xb8;
	[tilespmem:$0x1E800] =	vst v63  }
0x74: {  	_ =	swait.ge [sflag:s14], $0x4000  }
0x75: {  	[sflag:s14] =	ssyncset.done $0x0  }
0x76: {  	s26 =	sadd.s32 $0x100, s25;
	[sflag:s14] =	ssyncadd.s32 $0xFFFFC000  }
0x77: {  	[tilespmem:s17], [sflag:$0x1] =	stream.indirect.gather [hbm4b:s1+s16], $0x80, s26, s16, $0xb8;
	[tilespmem:$0x1E800] =	vst v63  }
0x78: {  	_ =	swait.ge [sflag:s20], $0x4000  }
0x79: {  	[sflag:s20] =	ssyncset.done $0x0  }
.Ltmp1:
0x7a: {  	s26 =	sadd.s32 $0x1480, s25;
	[sflag:s20] =	ssyncadd.s32 $0xFFFFC000;
	(pc) =	sbr.rel @p0 .LBB2_4-.Ltmp1, $4  }
0x7b: {  	[spmem:s3] =	stream.indirect.scatter.add.f32 [tilespmem:s18], [sflag:$0x3], $0x80, s26, s16, $0xb8;
	[tilespmem:$0x1E800] =	vst v63  }
0x7c: {  	_ =	swait.ge [sflag:s14], $0x4000  }
0x7d: {  	[sflag:s14] =	ssyncset.done $0x0  }
0x7e: {  	s25 =	sadd.s32 $0x180, s25;
	[sflag:s14] =	ssyncadd.s32 $0xFFFFC000  }
0x7f: {  	[tilespmem:s18], [sflag:$0x2] =	stream.indirect.gather [hbm4b:s1+s16], $0x80, s25, s16, $0xb8;
	[tilespmem:$0x1E800] =	vst v63  }
0x80: {  	_ =	swait.ge [sflag:s19], $0x4000  }
0x81: {  	[sflag:s19] =	ssyncset.done $0x0  }
0x82: {  	[sflag:s19] =	ssyncadd.s32 $0xFFFFC000  }
0x83: {  	[spmem:s3] =	stream.indirect.scatter.add.f32 [tilespmem:s17], [sflag:$0x3], $0x80, s21, s16, $0xb8;
	[tilespmem:$0x1E800] =	vst v63  }
0x84: {  	_ =	swait.ge [sflag:s14], $0x4000  }
0x85: {  	[sflag:s14] =	ssyncset.done $0x0  }
0x86: {  	[sflag:s14] =	ssyncadd.s32 $0xFFFFC000  }
0x87: {  	_ =	swait.ge [sflag:s20], $0x4000  }
0x88: {  	[sflag:s20] =	ssyncset.done $0x0  }
0x89: {  	[sflag:s20] =	ssyncadd.s32 $0xFFFFC000  }
0x8a: {  	[spmem:s3] =	stream.indirect.scatter.add.f32 [tilespmem:s18], [sflag:$0x3], $0x80, s22, s16, $0xb8;
	[tilespmem:$0x1E800] =	vst v63  }
0x8b: {  	_ =	swait.ge [sflag:s14], $0x4000  }
0x8c: {  	s23 =	sadd.s32 $0x1, s23;
	[sflag:s14] =	ssyncset.done $0x0  }
0x8d: {  	p0 =	sne.s32 s23, s12;
	[sflag:s14] =	ssyncadd.s32 $0xFFFFC000  }
.Ltmp2:
0x8e: {  	[bflag:$0x0] =	sbarrier.arrive $0xFFFF;
	(pc) =	sbr.rel @p0 .LBB2_1-.Ltmp2, $4  }
0x8f: {  	[hbm:s11], [sflag:s6] =	dma.local [spmem:s13], $0x2800  }
0x90: {  	_ =	swait.ge [sflag:s14], $0x2800  }
0x91: {  	[sflag:s14] =	ssyncset.done $0x0  }
0x92: {  	[sflag:s14] =	ssyncadd.s32 $0xFFFFD800  }
0x93: {  	_ =	sfence.sel $0x180000  }
0x94: {  	[bflag:$0x0] =	sbarrier.arrive $0xFFFF  }
0x95: {  	p0 =	sne.s32 s2, $0x0;
	_ =	strace $0x9000004D  }
0x96: {  	s0 =	sadd.s32 @!p0 $0x100000, s0;
	[bflag:$0x2] =	sbarrier.arrive $0xFFFF  }
0x97: {  	[sflag:s0] =	ssyncadd.tile.s32 @!p0 $0x1;
	_ =	shalt  }
.Lfunc_end2:
_tile_overlayer_lowered:
.L_overlay_start_2:
0x98: {  	(tag) =	ssettag $0x2  }
0x99: {  	s0 =	rddreg [dreg:$0x0];
	s2 =	stileid.u32  }
0x9a: {  	s1 =	rddreg [dreg:$0x1];
	p0 =	sne.s32 s2, $0x0  }
0x9b: {  	s3 =	rddreg [dreg:$0x2];
	[bflag:$0x3] =	sbarrier.arrive $0xFFFF;
	s2 =	simm.s32 @!p0 $0x1C03  }
0x9c: {  	[timem:s3], [sflag:s2] =	dma.local @!p0 [hbm:s0], s1  }
0x9d: {  	s0 =	simm.s32 @!p0 $0x3  }
0x9e: {  	_ =	swait.ge @!p0 [sflag:s0], s1  }
0x9f: {  	s1 =	ssub.s32 @!p0 $0x0, s1;
	[sflag:s0] =	ssyncset.done @!p0 $0x0  }
0xa0: {  	[sflag:s0] =	ssyncadd.s32 @!p0 s1  }
0xa1: {  	[bflag:$0x3] =	sbarrier.arrive $0xFFFF  }
0xa2: {  	_ =	shalt  }

// kernel: kernel.8.cloned.1.call-start
scs
__scs_entry_jumppad:
0x0: {  	(pc) =	sbr.rel $0x88, $3  }
0x1: {  	(tag) =	ssettag $0x0;
	lr =	simm.s32 $0x1  }
0x2: {  	[smem:$0x3F99] =	sst lr;
	_ =	strace $0xD0000000  }
0x3: {  	_ = 	snop  }
0x4: {  	_ = 	snop  }
0x5: {  	_ = 	snop  }
0x6: {  	_ = 	snop  }
0x7: {  	_ = 	snop  }
__scs_overlays_trampoline_lowered:
0x8: {  	[smem:$0x3FA8] =	sst s0  }
0x9: {  	[smem:$0x3FA9] =	sst s1  }
0xa: {  	[smem:$0x3FAA] =	sst s2  }
0xb: {  	[smem:$0x3FAB] =	sst s3  }
0xc: {  	[smem:$0x3FAC] =	sst s4  }
0xd: {  	[smem:$0x3FAD] =	sst s5  }
0xe: {  	[smem:$0x3FAE] =	sst s6  }
0xf: {  	[smem:$0x3FAF] =	sst s7  }
0x10: {  	[smem:$0x3FB0] =	sst s8  }
0x11: {  	[smem:$0x3FB1] =	sst s9;
	s0 =	simm.s32 @!p0 $0x0  }
0x12: {  	s1 =	sld [smem:$0x3F97];
	s0 =	simm.s32 @p0 $0x1  }
0x13: {  	[smem:$0x3FB2] =	sst s0;
	s0 =	simm.s32 @!p1 $0x0  }
0x14: {  	s2 =	sld [smem:$0x3F96];
	s0 =	simm.s32 @p1 $0x1  }
0x15: {  	[smem:$0x3FB3] =	sst s0;
	s0 =	simm.s32 @!p2 $0x0  }
0x16: {  	s3 =	sld [smem:$0x3FDB];
	s0 =	simm.s32 @p2 $0x1  }
0x17: {  	s4 =	simm.s32 $0x1BF5;
	[smem:$0x3FB5] =	sst s0  }
0x18: {  	s0 =	sld [smem:$0x3F98];
	_ =	swait.ge [sflag:s4], $0x0  }
0x19: {  	s7 =	sld [smem:$0x3F99]  }
0x1a: {  	s8 =	sadd.s32 $0xFFFFE003, lr  }
0x1b: {  	s9 =	sadd.s32 $0xFFFFFEF7, lr;
	s5 =	simm.s32 $0xFFFFFFFF;
	p2 =	slt.u32 s8, $0xFFFFF086  }
0x1c: {  	p1 =	slt.u32 s9, $0xF7A;
	s5 =	simm.s32 @!p2 $0x0  }
0x1d: {  	s5 =	simm.s32 @p1 $0x1;
	p0 =	seq.s32 s7, s2  }
0x1e: {  	s7 =	smul.u32 @!p0 $0xF7A, s2;
	p2 =	seq.s32 @!p0 s5, $0x0  }
0x1f: {  	s9 =	smul.u32 $0xF7A, s1;
	s8 =	simm.s32 @!p0 $0x1BF5;
	p2 =	por !p2, p0  }
0x20: {  	[sflag:s8] =	ssyncset.s32 @!p0 $0xFFFFF086;
	s6 =	sadd.s32 @!p0 s3, s7;
	s7 =	simm.s32 @!p0 $0x108  }
0x21: {  	s3 =	sadd.s32 s3, s9;
	s6 =	sadd.s32 @!p0 $0x88, s6;
	s7 =	simm.s32 @p2 $0x1082  }
0x22: {  	[simem:s7], [sflag:s8] =	dma.local @!p0 [hbm:s6], $0xF7A  }
0x23: {  	s9 =	sor.u32 $0xD0000000, s2;
	s6 =	simm.s32 $0x108;
	_ =	swait.ge @!p0 [sflag:s8], $0x0  }
0x24: {  	s3 =	sadd.s32 $0x88, s3;
	s6 =	simm.s32 @!p1 $0x1082;
	[sflag:s4] =	ssyncset.s32 $0xFFFFF086  }
0x25: {  	[simem:s6], [sflag:s4] =	dma.local [hbm:s3], $0xF7A  }
0x26: {  	[smem:$0x3F99] =	sst s1;
	(tag) =	ssettag s2;
	_ =	strace s9  }
0x27: {  	s1 =	sld [smem:$0x3FA9]  }
0x28: {  	s2 =	sld [smem:$0x3FAA]  }
0x29: {  	s4 =	sld [smem:$0x3FAC]  }
0x2a: {  	p0 =	seq.s32 s5, $0x0;
	s5 =	sld [smem:$0x3FAD]  }
0x2b: {  	s6 =	sld [smem:$0x3FAE]  }
0x2c: {  	s7 =	sld [smem:$0x3FAF]  }
0x2d: {  	s3 =	simm.s32 $0x108;
	s8 =	sld [smem:$0x3FB0]  }
0x2e: {  	s3 =	simm.s32 @!p0 $0x1082;
	s9 =	sld [smem:$0x3FB1]  }
0x2f: {  	lr =	sadd.s32 s0, s3;
	s0 =	sld [smem:$0x3FA8]  }
0x30: {  	s3 =	sld [smem:$0x3FAB]  }
0x31: {  	[smem:$0x3FB4] =	sst s10  }
0x32: {  	s10 =	sld [smem:$0x3FB2];
	_ =	sdelay $0x3  }
0x33: {  	p0 =	seq.s32 s10, $0x1;
	s10 =	sld [smem:$0x3FB4];
	_ =	sdelay $0x3  }
0x34: {  	[smem:$0x3FB4] =	sst s10  }
0x35: {  	s10 =	sld [smem:$0x3FB3];
	_ =	sdelay $0x3  }
0x36: {  	p1 =	seq.s32 s10, $0x1;
	s10 =	sld [smem:$0x3FB4];
	_ =	sdelay $0x3  }
0x37: {  	[smem:$0x3FB4] =	sst s10  }
0x38: {  	s10 =	sld [smem:$0x3FB5]  }
0x39: {  	_ = 	snop;
	(pc) =	sbr.ind lr, $3  }
0x3a: {  	_ = 	snop  }
0x3b: {  	_ = 	snop  }
0x3c: {  	p2 =	seq.s32 s10, $0x1;
	s10 =	sld [smem:$0x3FB4]  }
0x3d: {  	_ =	shalt  }
0x3e: {  	_ =	shalt  }
0x3f: {  	_ =	shalt  }
0x40: {  	_ =	shalt  }
0x41: {  	_ =	shalt  }
0x42: {  	_ =	shalt  }
0x43: {  	_ =	shalt  }
0x44: {  	_ =	shalt  }
0x45: {  	_ =	shalt  }
0x46: {  	_ =	shalt  }
0x47: {  	_ =	shalt  }
0x48: {  	_ =	shalt  }
0x49: {  	_ =	shalt  }
0x4a: {  	_ =	shalt  }
0x4b: {  	_ =	shalt  }
0x4c: {  	_ =	shalt  }
0x4d: {  	_ =	shalt  }
0x4e: {  	_ =	shalt  }
0x4f: {  	_ =	shalt  }
0x50: {  	_ =	shalt  }
0x51: {  	_ =	shalt  }
0x52: {  	_ =	shalt  }
0x53: {  	_ =	shalt  }
0x54: {  	_ =	shalt  }
0x55: {  	_ =	shalt  }
0x56: {  	_ =	shalt  }
0x57: {  	_ =	shalt  }
0x58: {  	_ =	shalt  }
0x59: {  	_ =	shalt  }
0x5a: {  	_ =	shalt  }
0x5b: {  	_ =	shalt  }
0x5c: {  	_ =	shalt  }
0x5d: {  	_ =	shalt  }
0x5e: {  	_ =	shalt  }
0x5f: {  	_ =	shalt  }
0x60: {  	_ =	shalt  }
0x61: {  	_ =	shalt  }
0x62: {  	_ =	shalt  }
0x63: {  	_ =	shalt  }
0x64: {  	_ =	shalt  }
0x65: {  	_ =	shalt  }
0x66: {  	_ =	shalt  }
0x67: {  	_ =	shalt  }
0x68: {  	_ =	shalt  }
0x69: {  	_ =	shalt  }
0x6a: {  	_ =	shalt  }
0x6b: {  	_ =	shalt  }
0x6c: {  	_ =	shalt  }
0x6d: {  	_ =	shalt  }
0x6e: {  	_ =	shalt  }
0x6f: {  	_ =	shalt  }
0x70: {  	_ =	shalt  }
0x71: {  	_ =	shalt  }
0x72: {  	_ =	shalt  }
0x73: {  	_ =	shalt  }
0x74: {  	_ =	shalt  }
0x75: {  	_ =	shalt  }
0x76: {  	_ =	shalt  }
0x77: {  	_ =	shalt  }
0x78: {  	_ =	shalt  }
0x79: {  	_ =	shalt  }
0x7a: {  	_ =	shalt  }
0x7b: {  	_ =	shalt  }
0x7c: {  	_ =	shalt  }
0x7d: {  	_ =	shalt  }
0x7e: {  	_ =	shalt  }
0x7f: {  	_ =	shalt  }
0x80: {  	_ =	shalt  }
0x81: {  	_ =	shalt  }
0x82: {  	_ =	shalt  }
0x83: {  	_ =	shalt  }
0x84: {  	_ =	shalt  }
0x85: {  	_ =	shalt  }
0x86: {  	_ =	shalt  }
0x87: {  	_ =	shalt  }
.Lfunc_end0:
.L_simem_size_0:
called_computation_lowered:
.L_overlay_start_0:
0x88: {  	s2 =	sld [smem:$0x3FD9]  }
0x89: {  	s3 =	sld [smem:$0x3FFE];
	_ =	sdelay $0x1  }
0x8a: {  	s1 =	srdreg.scid  }
0x8b: {  	s0 =	sand.u32 $0x1, s1  }
0x8c: {  	s15 =	sshll.u32 s0, $0xA;
	s2 =	sadd.s32 s3, s2  }
0x8d: {  	s2 =	sadd.s32 s2, s15  }
0x8e: {  	[smem:$0x3FC0] =	sst s2  }
0x8f: {  	_ = 	snop  }
0x90: {  	s2 =	sld [smem:$0x3FD0];
	_ =	sdelay $0x2  }
0x91: {  	s16 =	simm.s32 $0xA;
	s4 =	simm.s32 $0x10  }
0x92: {  	[smem:s4], [sflag:s16] =	dma.local [hbm:s2], $0x1  }
0x93: {  	_ =	swait.eq [sflag:s16], $0x1  }
0x94: {  	[sflag:s16] =	ssyncset.done $0x0  }
0x95: {  	s17 =	sld [smem:$0x10];
	[sflag:s16] =	ssyncadd.s32 $0xFFFFFFFF  }
0x96: {  	s18 =	sld [smem:$0x11];
	(tm) =	ssettm $0x1  }
0x97: {  	s19 =	sld [smem:$0x3FFB];
	_ =	sdelay $0x3  }
0x98: {  	_ =	strace s19  }
0x99: {  	s4 =	sld [smem:$0x3FFC];
	_ =	sdelay $0x3  }
0x9a: {  	_ =	strace s4  }
0x9b: {  	s4 =	sld [smem:$0x3FFD];
	_ =	sdelay $0x3  }
0x9c: {  	_ =	strace s4  }
0x9d: {  	_ =	strace $0x8FFFFFFF  }
0x9e: {  	s20 =	sld [smem:$0x3FDB];
	_ =	sdelay $0x1  }
0x9f: {  	s5 =	simm.s32 $_scs_section_size  }
0xa0: {  	s6 =	simm.s32 $_size__tile_overlayer_lowered;
	s7 =	simm.s32 $_tile_overlayer_lowered  }
0xa1: {  	s23 =	simm.s32 $0x1BFF;
	s22 =	sshll.u32 s7, $0x1;
	s4 =	sadd.s32 s5, s20  }
0xa2: {  	s8 =	simm.s32 $0x0;
	s21 =	sshll.u32 s6, $0x1;
	s6 =	sadd.s32 s22, s4  }
0xa3: {  	[timem:s8], [sflag:s23] =	dma.local [hbm:s6], s21  }
0xa4: {  	_ =	swait.ge [sflag:s23], s21  }
0xa5: {  	s5 =	ssub.s32 $0x0, s21;
	[sflag:s23] =	ssyncset.done $0x0  }
0xa6: {  	[sflag:s23] =	ssyncadd.s32 s5;
	_ =	sdelay $0x1  }
0xa7: {  	s24 =	simm.s32 $0x1B8B  }
0xa8: {  	_ =	swait.ge [sflag:s24], $0x1  }
0xa9: {  	[sflag:s24] =	ssyncset.done $0x0  }
0xaa: {  	s25 =	simm.s32 $0x1B8E;
	[sflag:s24] =	ssyncadd.s32 $0xFFFFFFFF  }
0xab: {  	s26 =	simm.s32 $execute0_lowered;
	[smem:$0x3FD2] =	sst s25  }
0xac: {  	s5 =	sshll.u32 s26, $0x1;
	_ =	strace $0x80000046;
	[dreg:$0x1] =	wrdreg $0xFFFFFFFF  }
0xad: {  	s28 =	simm.s32 $_size_execute0_lowered;
	s4 =	sadd.s32 s4, s5;
	[dreg:$0x0] =	wrdreg $0x0  }
0xae: {  	s5 =	sshll.u32 s28, $0x1;
	[dreg:$0x2] =	wrdreg s4  }
0xaf: {  	[dreg:$0x3] =	wrdreg s5  }
0xb0: {  	[dreg:$0x4] =	wrdreg $0xC0  }
0xb1: {  	_ =	task [dreg:s8], $0x5FFFF  }
0xb2: {  	[dreg:$0x1] =	wrdreg $0xFFFFFFFF  }
0xb3: {  	[dreg:$0x0] =	wrdreg $0x60  }
0xb4: {  	[dreg:$0x2] =	wrdreg s17  }
0xb5: {  	[dreg:$0x3] =	wrdreg s18  }
0xb6: {  	[dreg:$0x4] =	wrdreg $0x2B000  }
0xb7: {  	[dreg:$0x5] =	wrdreg $0x9  }
0xb8: {  	_ =	task.clear_ibuf [dreg:s8], $0x6FFFF;
	_ =	strace $0x90000046  }
0xb9: {  	s29 =	simm.s32 $0x9;
	_ =	strace $0x80000048  }
0xba: {  	_ =	swait.ge [sflag:s29], $0x1  }
0xbb: {  	[sflag:s29] =	ssyncadd.s32 $0xFFFFFFFF  }
0xbc: {  	_ =	strace $0x90000048  }
0xbd: {  	_ =	sfence  }
0xbe: {  	s30 =	sld [smem:$0x0];
	_ =	sdelay $0x2  }
0xbf: {  	s31 =	sshll.u32 s1, $0xD;
	s1 =	sshrl.u32 s1, $0x2  }
0xc0: {  	s3 =	sand.u32 $0x4000, s31;
	s1 =	sadd.s32 s1, s30  }
0xc1: {  	s0 =	sor.u32 s3, s0;
	s1 =	sshll.u32 s1, $0x11  }
0xc2: {  	s0 =	sor.u32 s1, s0  }
0xc3: {  	s0 =	sadd.s32 $0x8F2B, s0  }
0xc4: {  	[sflag:s0] =	ssyncadd.remote.s32 $0x1  }
0xc5: {  	_ =	sfence.sel $0xFFFF  }
0xc6: {  	[dreg:$0x0] =	wrdreg $0xFFFFFFFF;
	(pc) =	sbr.abs _section_cstart, $3  }
0xc7: {  	[dreg:$0x1] =	wrdreg $0xFFFFFFFF  }
0xc8: {  	_ =	task.clear_ibuf [dreg:s8], $0x2FFFF;
	_ =	strace $0x9FFFFFFF  }
0xc9: {  	(tm) =	ssettm $0x7FFFFFFF  }
tec
execute0_lowered:
.L_overlay_start_1:
0x0: {  	(tag) =	ssettag $0x1  }
0x1: {  	s5 =	rddreg [dreg:$0x0]  }
0x2: {  	s6 =	rddreg [dreg:$0x1]  }
0x3: {  	s1 =	rddreg [dreg:$0x2]  }
0x4: {  	s0 =	rddreg [dreg:$0x3];
	s3 =	simm.s32 $0x0;
	s4 =	srdreg.scid  }
0x5: {  	s2 =	stileid.u32;
	s14 =	simm.s32 $0x20;
	s15 =	simm.s32 $0x10  }
0x6: {  	s16 =	simm.s32 $0x0;
	[smem:$0x7FF] =	sst s3;
	s7 =	smul.u32 $0xA00, s2  }
0x7: {  	s4 =	sand.u32 $0x1, s4;
	s8 =	sshll.u32 s2, $0x1;
	s10 =	smul.u32 $0x500, s2  }
0x8: {  	s12 =	sshll.u32 s2, $0x6;
	_ =	strace $0x80000047;
	s9 =	ssub.s32 $0x2, s4  }
0x9: {  	s8 =	sor.u32 s4, s8;
	s4 =	sshll.u32 s4, $0x7;
	s12 =	sor.u32 $0x1C01, s12  }
0xa: {  	s11 =	sshrl.u32 s9, $0x1;
	s8 =	smul.u32 $0x500, s8;
	s7 =	sshrl.u32 s7, $0x2  }
0xb: {  	s10 =	sor.u32 s4, s10;
	s9 =	ssub.s32 s9, s11;
	s4 =	sadd.s32 s7, s1  }
0xc: {  	s31 =	sshrl.u32 s10, $0x3;
	s10 =	simm.s32 $0x80;
	s11 =	simm.s32 $0x2800  }
0xd: {  	s5 =	sadd.s32 s5, s8;
	s6 =	sadd.s32 s6, s31;
	s7 =	smax.u32 s9, $0x1  }
0xe: {  	v0 =	vimm.f32 $0.0e+00;
	v1 =	vimm.f32 $1.000000000e+00;
	s8 =	simm.s32 $0x2880;
	s9 =	simm.s32 $0x1;
	s13 =	sshrl.u32 s4, $0x3  }
.LBB2_1:
0xf: {  	[tilespmem:$0x2880] =	vst v0  }
0x10: {  	[tilespmem:$0x2890] =	vst v0  }
0x11: {  	[tilespmem:$0x28A0] =	vst v0  }
0x12: {  	[tilespmem:$0x28B0] =	vst v0  }
0x13: {  	[tilespmem:$0x28C0] =	vst v0  }
0x14: {  	[tilespmem:$0x28D0] =	vst v0  }
0x15: {  	[tilespmem:$0x28E0] =	vst v0  }
0x16: {  	[tilespmem:$0x28F0] =	vst v0  }
0x17: {  	[tilespmem:$0x2900] =	vst v0  }
0x18: {  	[tilespmem:$0x2910] =	vst v0  }
0x19: {  	[tilespmem:$0x2920] =	vst v0  }
0x1a: {  	[tilespmem:$0x2930] =	vst v0  }
0x1b: {  	[tilespmem:$0x2940] =	vst v0  }
0x1c: {  	[tilespmem:$0x2950] =	vst v0  }
0x1d: {  	[tilespmem:$0x2960] =	vst v0  }
0x1e: {  	[tilespmem:$0x2970] =	vst v0  }
0x1f: {  	[tilespmem:$0x2980] =	vst v0  }
0x20: {  	[tilespmem:$0x2990] =	vst v0  }
0x21: {  	[tilespmem:$0x29A0] =	vst v0  }
0x22: {  	[tilespmem:$0x29B0] =	vst v0  }
0x23: {  	[tilespmem:$0x29C0] =	vst v0  }
0x24: {  	[tilespmem:$0x29D0] =	vst v0  }
0x25: {  	[tilespmem:$0x29E0] =	vst v0  }
0x26: {  	[tilespmem:$0x29F0] =	vst v0  }
0x27: {  	[tilespmem:$0x2A00] =	vst v0  }
0x28: {  	[tilespmem:$0x2A10] =	vst v0  }
0x29: {  	[tilespmem:$0x2A20] =	vst v0  }
0x2a: {  	[tilespmem:$0x2A30] =	vst v0  }
0x2b: {  	[tilespmem:$0x2A40] =	vst v0  }
0x2c: {  	[tilespmem:$0x2A50] =	vst v0  }
0x2d: {  	[tilespmem:$0x2A60] =	vst v0  }
0x2e: {  	[tilespmem:$0x2A70] =	vst v0  }
0x2f: {  	[tilespmem:$0x2A80] =	vst v0  }
0x30: {  	[tilespmem:$0x2A90] =	vst v0  }
0x31: {  	[tilespmem:$0x2AA0] =	vst v0  }
0x32: {  	[tilespmem:$0x2AB0] =	vst v0  }
0x33: {  	[tilespmem:$0x2AC0] =	vst v0  }
0x34: {  	[tilespmem:$0x2AD0] =	vst v0  }
0x35: {  	[tilespmem:$0x2AE0] =	vst v0  }
0x36: {  	[tilespmem:$0x2AF0] =	vst v0  }
0x37: {  	[tilespmem:$0x2800] =	vst v1  }
0x38: {  	[tilespmem:$0x2810] =	vst v1  }
0x39: {  	[tilespmem:$0x2820] =	vst v1  }
0x3a: {  	[tilespmem:$0x2830] =	vst v1  }
0x3b: {  	[tilespmem:$0x2840] =	vst v1  }
0x3c: {  	[tilespmem:$0x2850] =	vst v1  }
0x3d: {  	[tilespmem:$0x2860] =	vst v1  }
0x3e: {  	[tilespmem:$0x2870] =	vst v1  }
0x3f: {  	[spmem:s4] =	stream.linear.scatter [tilespmem:s8], [sflag:$0x1], $0x280, $0x38;
	[tilespmem:$0x2D80] =	vst v63  }
0x40: {  	_ =	swait.ge [sflag:s9], $0x280  }
0x41: {  	[sflag:s9] =	ssyncset.done $0x0  }
0x42: {  	[sflag:s9] =	ssyncadd.s32 $0xFFFFFD80  }
0x43: {  	[tilespmem:s3], [sflag:$0x1] =	stream.linear.gather [hbm4b:s5+s3], $0x2800, $0x38;
	[tilespmem:$0x2D80] =	vst v63  }
0x44: {  	_ =	swait.ge [sflag:s9], $0x2800  }
0x45: {  	[sflag:s9] =	ssyncset.done $0x0  }
0x46: {  	[sflag:s9] =	ssyncadd.s32 $0xFFFFD800  }
0x47: {  	s17 =	simm.s32 $0x0;
	[bflag:$0x0] =	sbarrier.arrive $0xFFFF  }
0x48: {  	[spmem:s1] =	stream.indirect.scatter.add.f32 [tilespmem:s11], [sflag:$0x1], $0x1, s17, s10, $0xb8;
	[tilespmem:$0x2D80] =	vst v63  }
0x49: {  	_ =	swait.ge [sflag:s9], $0x80  }
0x4a: {  	s17 =	simm.s32 $0x200;
	[sflag:s9] =	ssyncset.done $0x0  }
.LBB2_2:
0x4b: {  	s18 =	sshra.s32 s17, $0x2;
	[sflag:s9] =	ssyncadd.s32 $0xFFFFFF80;
	p0 =	sne.s32 s17, $0x9E00  }
0x4c: {  	[spmem:s1] =	stream.indirect.scatter.add.f32 [tilespmem:s11], [sflag:$0x1], $0x1, s18, s10, $0xb8;
	[tilespmem:$0x2D80] =	vst v63  }
.Ltmp0:
0x4d: {  	_ = 	snop;
	(pc) =	sbr.rel @p0 .LBB2_2-.Ltmp0, $4  }
0x4e: {  	_ = 	snop  }
0x4f: {  	s17 =	sadd.s32 $0x200, s17  }
0x50: {  	_ =	swait.ge [sflag:s9], $0x80  }
0x51: {  	[sflag:s9] =	ssyncset.done $0x0  }
0x52: {  	s16 =	sadd.s32 $0x1, s16  }
0x53: {  	[sflag:s9] =	ssyncadd.s32 $0xFFFFFF80;
	p0 =	sne.s32 s16, s7  }
.Ltmp1:
0x54: {  	[bflag:$0x0] =	sbarrier.arrive $0xFFFF;
	(pc) =	sbr.rel @p0 .LBB2_1-.Ltmp1, $4  }
0x55: {  	[hbm:s6@s14], [sflag:s12] =	dma.strided [spmem:s13@s15], $0x50, s9, $0x10   }
0x56: {  	_ =	swait.ge [sflag:s9], $0x50  }
0x57: {  	[sflag:s9] =	ssyncset.done $0x0  }
0x58: {  	[sflag:s9] =	ssyncadd.s32 $0xFFFFFFB0  }
0x59: {  	_ =	sfence.sel $0x180000  }
0x5a: {  	[bflag:$0x0] =	sbarrier.arrive $0xFFFF  }
0x5b: {  	p0 =	sne.s32 s2, $0x0;
	_ =	strace $0x90000047  }
0x5c: {  	s0 =	sadd.s32 @!p0 $0x100000, s0;
	[bflag:$0x2] =	sbarrier.arrive $0xFFFF  }
0x5d: {  	[sflag:s0] =	ssyncadd.tile.s32 @!p0 $0x1;
	_ =	shalt  }
.Lfunc_end2:
_tile_overlayer_lowered:
.L_overlay_start_2:
0x5e: {  	(tag) =	ssettag $0x2  }
0x5f: {  	s0 =	rddreg [dreg:$0x0];
	s2 =	stileid.u32  }
0x60: {  	s1 =	rddreg [dreg:$0x1];
	p0 =	sne.s32 s2, $0x0  }
0x61: {  	s3 =	rddreg [dreg:$0x2];
	[bflag:$0x3] =	sbarrier.arrive $0xFFFF;
	s2 =	simm.s32 @!p0 $0x1C01  }
0x62: {  	[timem:s3], [sflag:s2] =	dma.local @!p0 [hbm:s0], s1  }
0x63: {  	s0 =	simm.s32 @!p0 $0x1  }
0x64: {  	_ =	swait.ge @!p0 [sflag:s0], s1  }
0x65: {  	s1 =	ssub.s32 @!p0 $0x0, s1;
	[sflag:s0] =	ssyncset.done @!p0 $0x0  }
0x66: {  	[sflag:s0] =	ssyncadd.s32 @!p0 s1  }
0x67: {  	[bflag:$0x3] =	sbarrier.arrive $0xFFFF  }
0x68: {  	_ =	shalt  }

</sc_bundles>
